<compile_context>
chip_gen: v7x
topology: tpu7x:2x2x1
jax: 0.10.2.dev20260603
libtpu: 0.0.44.dev20260713+nightly
codegen_flags: <defaults>
</compile_context>

<pallas_src>
import jax
import jax.numpy as jnp
from jax.experimental import pallas as pl
from jax.experimental.pallas import tpu as pltpu
from jax.experimental.pallas import tpu_sc as plsc

N_TASKS = 8
D_IN = 2048
D_OUT = 2048
D_H = 1024
D_LANG = 768
B = 4096

TB = 256
TB_LOG2 = 8
NB_MAX = B // TB + N_TASKS
P = NB_MAX * TB
META_LEN = 32

_SC_MESH = plsc.VectorSubcoreMesh(core_axis_name="c", subcore_axis_name="s")
_NW = 32



def _router_body(lt_ref, emb_ref, out_ref):
    lt = lt_ref[...]
    emb = emb_ref[...]
    nt = lt / jnp.maximum(
        jnp.sqrt(jnp.sum(lt * lt, axis=1, keepdims=True)), 1e-12)
    ne = emb / jnp.maximum(
        jnp.sqrt(jnp.sum(emb * emb, axis=1, keepdims=True)), 1e-12)
    sims = jax.lax.dot_general(
        nt, ne, (((1,), (1,)), ((), ())),
        preferred_element_type=jnp.float32)
    idx = jnp.argmax(sims, axis=1).astype(jnp.int32)
    out_ref[...] = idx[None, None, :]


def _route(language_token, route_embeddings):
    rb = 1024
    nblk = B // rb
    out = pl.pallas_call(
        _router_body,
        grid=(nblk,),
        in_specs=[
            pl.BlockSpec((rb, D_LANG), lambda i: (i, 0)),
            pl.BlockSpec((N_TASKS, D_LANG), lambda i: (0, 0)),
        ],
        out_specs=pl.BlockSpec((1, 1, rb), lambda i: (i, 0, 0)),
        out_shape=jax.ShapeDtypeStruct((nblk, 1, rb), jnp.int32),
    )(language_token, route_embeddings)
    return out.reshape(B)



def _pfx16(x):
    lanes = jax.lax.iota(jnp.int32, 16)
    for k in (1, 2, 4, 8):
        sh = x.at[jnp.maximum(lanes - k, 0)].get(mode="promise_in_bounds")
        x = x + jnp.where(lanes >= k, sh, 0)
    return x


def _bcast16(x, k):
    return x.at[jnp.full((16,), k, jnp.int32)].get(mode="promise_in_bounds")


_CH = 32


def _sort_scatter_body(idx_hbm, x_hbm, xs_hbm, inv_hbm, meta_hbm,
                       idx_v, inv_v, meta_v, idx_c, rows_v, sem):
    cid = jax.lax.axis_index("c")
    sid = jax.lax.axis_index("s")
    wid = sid * 2 + cid

    pltpu.sync_copy(idx_hbm, idx_v)
    lanes = jax.lax.iota(jnp.int32, 16)
    zeros = jnp.zeros((16,), jnp.int32)
    ones = jnp.ones((16,), jnp.int32)

    if True:
        def h_body(c, accs):
            v = idx_v[pl.ds(c * 16, 16)]
            return tuple(acc + jnp.where(v == b, 1, 0)
                         for b, acc in enumerate(accs))

        accs = jax.lax.fori_loop(0, B // 16, h_body, (zeros,) * N_TASKS)
        counts = zeros
        for b in range(N_TASKS):
            tot = _bcast16(_pfx16(accs[b]), 15)
            counts = jnp.where(lanes == b, tot, counts)

        nblk = (counts + (TB - 1)) >> TB_LOG2
        bsi = _pfx16(nblk)
        pad_off = (bsi - nblk) * TB
        num_used_v = _bcast16(bsi, N_TASKS - 1)

        bsi_e = [_bcast16(bsi, e) for e in range(N_TASKS)]
        acc0 = zeros
        acc1 = zeros
        kvec0 = jnp.minimum(lanes, num_used_v - 1)
        kvec1 = jnp.minimum(lanes + 16, num_used_v - 1)
        for e in range(N_TASKS):
            acc0 = acc0 + jnp.where(kvec0 >= bsi_e[e], 1, 0)
            acc1 = acc1 + jnp.where(kvec1 >= bsi_e[e], 1, 0)
        meta_v[pl.ds(0, 16)] = jnp.minimum(acc0, N_TASKS - 1)
        meta_v[pl.ds(16, 16)] = jnp.where(
            lanes == (NB_MAX - 16), num_used_v, jnp.minimum(acc1, N_TASKS - 1))

        def s_body(c, offs):
            v = idx_v[pl.ds(c * 16, 16)]
            lo = v < 4
            s0 = jnp.where(lo, v, 0) * 8
            s1 = jnp.where(lo, 0, v - 4) * 8
            w0 = jnp.where(lo, ones << s0, 0)
            w1 = jnp.where(lo, 0, ones << s1)
            p0 = _pfx16(w0)
            p1 = _pfx16(w1)
            psel = jnp.where(lo, p0, p1)
            rank = ((psel >> jnp.where(lo, s0, s1)) & 255) - 1
            off_v = offs.at[v].get(mode="promise_in_bounds")
            inv_v[pl.ds(c * 16, 16)] = off_v + rank
            t0 = _bcast16(p0, 15)
            t1 = _bcast16(p1, 15)
            c0 = (t0 >> jnp.minimum(lanes, 3) * 8) & 255
            c1 = (t1 >> (jnp.minimum(jnp.maximum(lanes - 4, 0), 3) * 8)) & 255
            cnt = jnp.where(lanes < 4, c0, jnp.where(lanes < 8, c1, 0))
            return offs + cnt

        jax.lax.fori_loop(0, B // 16, s_body, pad_off)

        @pl.when(wid == 0)
        def _():
            pltpu.sync_copy(meta_v, meta_hbm)

        base = wid * (B // _NW)
        pltpu.sync_copy(inv_v.at[pl.ds(base, B // _NW)],
                        inv_hbm.at[pl.ds(base, B // _NW)])

        def c_body(j, carry):
            b2 = base + j * _CH
            pltpu.sync_copy(inv_hbm.at[pl.ds(b2, _CH)], idx_c)
            pltpu.sync_copy(x_hbm.at[pl.ds(b2, _CH)], rows_v)
            pltpu.async_copy(rows_v, xs_hbm.at[idx_c], sem).wait()
            return carry

        jax.lax.fori_loop(0, (B // _NW) // _CH, c_body, 0)


_sort_scatter = pl.kernel(
    _sort_scatter_body,
    out_type=[
        jax.ShapeDtypeStruct((P, D_IN), jnp.float32),
        jax.ShapeDtypeStruct((B,), jnp.int32),
        jax.ShapeDtypeStruct((META_LEN,), jnp.int32),
    ],
    mesh=_SC_MESH,
    scratch_types=[
        pltpu.VMEM((B,), jnp.int32),
        pltpu.VMEM((B,), jnp.int32),
        pltpu.VMEM((META_LEN,), jnp.int32),
        pltpu.VMEM((_CH,), jnp.int32),
        pltpu.VMEM((_CH, D_IN), jnp.float32),
        pltpu.SemaphoreType.DMA,
    ],
)



def _gather_y_body(ys_hbm, inv_hbm, y_hbm, idx_c, rows_v, sem):
    cid = jax.lax.axis_index("c")
    sid = jax.lax.axis_index("s")
    base = (sid * 2 + cid) * (B // _NW)

    def c_body(j, carry):
        b2 = base + j * _CH
        pltpu.sync_copy(inv_hbm.at[pl.ds(b2, _CH)], idx_c)
        pltpu.async_copy(ys_hbm.at[idx_c], rows_v, sem).wait()
        pltpu.sync_copy(rows_v, y_hbm.at[pl.ds(b2, _CH)])
        return carry

    jax.lax.fori_loop(0, (B // _NW) // _CH, c_body, 0)


_gather_y = pl.kernel(
    _gather_y_body,
    out_type=jax.ShapeDtypeStruct((B, D_OUT), jnp.float32),
    mesh=_SC_MESH,
    scratch_types=[
        pltpu.VMEM((_CH,), jnp.int32),
        pltpu.VMEM((_CH, D_OUT), jnp.float32),
        pltpu.SemaphoreType.DMA,
    ],
)



def _mlp_body(meta_ref, x_ref, w1_ref, b1_ref, w2_ref, b2_ref, w3_ref, b3_ref,
              out_ref):
    i = pl.program_id(0)

    @pl.when(i < meta_ref[NB_MAX])
    def _():
        xb = x_ref[...]
        h = jnp.maximum(
            jnp.dot(xb, w1_ref[0], preferred_element_type=jnp.float32)
            + b1_ref[0], 0.0)
        h = jnp.maximum(
            jnp.dot(h, w2_ref[0], preferred_element_type=jnp.float32)
            + b2_ref[0], 0.0)
        out_ref[...] = jnp.tanh(
            jnp.dot(h, w3_ref[0], preferred_element_type=jnp.float32)
            + b3_ref[0])


def _grouped_mlp(meta, x_sorted, W1, b1, W2, b2, W3, b3):
    grid_spec = pltpu.PrefetchScalarGridSpec(
        num_scalar_prefetch=1,
        grid=(NB_MAX,),
        in_specs=[
            pl.BlockSpec((TB, D_IN),
                         lambda i, m: (jnp.minimum(i, m[NB_MAX] - 1), 0)),
            pl.BlockSpec((1, D_IN, D_H), lambda i, m: (m[i], 0, 0)),
            pl.BlockSpec((1, 1, D_H), lambda i, m: (m[i], 0, 0)),
            pl.BlockSpec((1, D_H, D_H), lambda i, m: (m[i], 0, 0)),
            pl.BlockSpec((1, 1, D_H), lambda i, m: (m[i], 0, 0)),
            pl.BlockSpec((1, D_H, D_OUT), lambda i, m: (m[i], 0, 0)),
            pl.BlockSpec((1, 1, D_OUT), lambda i, m: (m[i], 0, 0)),
        ],
        out_specs=pl.BlockSpec(
            (TB, D_OUT), lambda i, m: (jnp.minimum(i, m[NB_MAX] - 1), 0)),
    )
    return pl.pallas_call(
        _mlp_body,
        grid_spec=grid_spec,
        out_shape=jax.ShapeDtypeStruct((P, D_OUT), jnp.float32),
        compiler_params=pltpu.CompilerParams(
            vmem_limit_bytes=100 * 1024 * 1024),
    )(meta, x_sorted,
      W1, b1.reshape(N_TASKS, 1, D_H),
      W2, b2.reshape(N_TASKS, 1, D_H),
      W3, b3.reshape(N_TASKS, 1, D_OUT))



def kernel(x, language_token, route_embeddings, W1, b1, W2, b2, W3, b3):
    indices = _route(language_token, route_embeddings)
    x_sorted, inv, meta = _sort_scatter(indices, x)
    y_sorted = _grouped_mlp(meta, x_sorted, W1, b1, W2, b2, W3, b3)
    return _gather_y(y_sorted, inv)

# --- scband reference (transcript-rebuilt; emitter-appended) ---
"""Pipeline reference for scband-task-specific-head-22359599743160 (READ-ONLY COPY).

The authoritative reference and input builder live on the scoring server;
editing this copy changes nothing except your own understanding.
"""

import jax, jax.numpy as jnp
import numpy as np

N_TASKS = 8
D_IN = 2048
D_OUT = 2048
D_H = 1024
D_LANG = 768
B = 4096


def _l2_normalize(v, axis=-1, eps=1e-12):
    # matches F.normalize(p=2): v / max(||v||, eps)
    n = jnp.sqrt(jnp.sum(v * v, axis=axis, keepdims=True))
    return v / jnp.maximum(n, eps)


def setup_inputs(seed: int = 0) -> dict:
    key = jax.random.key(seed)
    ks = jax.random.split(key, 10)
    x = jax.random.normal(ks[0], (B, D_IN), dtype=jnp.float32)
    language_token = jax.random.normal(ks[1], (B, D_LANG), dtype=jnp.float32)
    route_embeddings = jax.random.normal(ks[2], (N_TASKS, D_LANG), dtype=jnp.float32)
    # Per-task DeterministicHead MLP params (num_layers=2 hidden + output), stacked over tasks
    W1 = jax.random.normal(ks[3], (N_TASKS, D_IN, D_H), dtype=jnp.float32) * 0.02
    b1 = jnp.zeros((N_TASKS, D_H), dtype=jnp.float32)
    W2 = jax.random.normal(ks[4], (N_TASKS, D_H, D_H), dtype=jnp.float32) * 0.02
    b2 = jnp.zeros((N_TASKS, D_H), dtype=jnp.float32)
    W3 = jax.random.normal(ks[5], (N_TASKS, D_H, D_OUT), dtype=jnp.float32) * 0.02
    b3 = jnp.zeros((N_TASKS, D_OUT), dtype=jnp.float32)
    return {
        "x": x,
        "language_token": language_token,
        "route_embeddings": route_embeddings,
        "W1": W1, "b1": b1,
        "W2": W2, "b2": b2,
        "W3": W3, "b3": b3,
    }


def reference(x, language_token, route_embeddings, W1, b1, W2, b2, W3, b3):
    # --- TaskSpecificGate: cosine-similarity argmax routing ---
    norm_tokens = _l2_normalize(language_token, axis=-1)
    norm_emb = _l2_normalize(route_embeddings, axis=-1)
    similarities = norm_tokens @ norm_emb.T            # (B, n_tasks)
    indices = jnp.argmax(similarities, axis=-1)        # (B,)
    weights = jax.nn.one_hot(indices, N_TASKS, dtype=jnp.float32)  # (B, n_tasks) one-hot routing
    # --- Dispatch: each token processed by its selected DeterministicHead MLP ---
    y = jnp.zeros((x.shape[0], D_OUT), dtype=x.dtype)
    for i in range(N_TASKS):
        h = jax.nn.relu(x @ W1[i] + b1[i])
        h = jax.nn.relu(h @ W2[i] + b2[i])
        mu = jnp.tanh(h @ W3[i] + b3[i])               # action_squash=True -> Tanh
        mask = (indices == i)[:, None]
        y = jnp.where(mask, mu, y)                     # scatter-overwrite by routed index
    return y

if __name__ == "__main__":
    import jax
    _d = setup_inputs()
    print(jax.jit(kernel)(*tuple(_d.values())))

</pallas_src>

<mosaic_0001>
#map = affine_map<(d0, d1) -> (0)>
#map1 = affine_map<(d0, d1) -> (0, 0)>
module attributes {stable_mosaic.version = 14 : i64} {
  func.func @_sort_scatter_body(%arg0: i32, %arg1: i32, %arg2: memref<4096xi32, #tpu.memory_space<hbm>>, %arg3: memref<4096x2048xf32, #tpu.memory_space<hbm>>, %arg4: memref<6144x2048xf32, #tpu.memory_space<hbm>>, %arg5: memref<4096xi32, #tpu.memory_space<hbm>>, %arg6: memref<32xi32, #tpu.memory_space<hbm>>, %arg7: memref<4096xi32, #tpu.memory_space<vmem>>, %arg8: memref<4096xi32, #tpu.memory_space<vmem>>, %arg9: memref<32xi32, #tpu.memory_space<vmem>>, %arg10: memref<32xi32, #tpu.memory_space<vmem>>, %arg11: memref<32x2048xf32, #tpu.memory_space<vmem>>, %arg12: memref<!tpu.dma_semaphore, #tpu.memory_space<semaphore_mem>>) attributes {dimension_semantics = [#tpu.dimension_semantics<core_parallel>, #tpu.dimension_semantics<subcore_parallel>], iteration_bounds = array<i64: 2, 16>, scalar_prefetch = 0 : i64, scratch_operands = 6 : i64, tpu.core_type = #tpu.core_type<sc_vector_subcore>, window_params = [{transform_indices = #map}, {transform_indices = #map1}, {transform_indices = #map1}, {transform_indices = #map}, {transform_indices = #map}]} {
    %mul3A = arith.constant 2 : i32
    %mul3A_0 = arith.muli %arg1, %mul3A : i32
    %add3A = arith.addi %mul3A_0, %arg0 : i32
    "tpu.region"() ({
      %run_scoped3A = tpu.sem_alloc : memref<!tpu.dma_semaphore, #tpu.memory_space<semaphore_mem>>
      tpu.enqueue_dma source(%arg2 : memref<4096xi32, #tpu.memory_space<hbm>>) target(%arg7 : memref<4096xi32, #tpu.memory_space<vmem>>) target_semaphore(%run_scoped3A : memref<!tpu.dma_semaphore, #tpu.memory_space<semaphore_mem>>)
      tpu.wait_dma2 semaphore(%run_scoped3A : memref<!tpu.dma_semaphore, #tpu.memory_space<semaphore_mem>>) src(%arg2 : memref<4096xi32, #tpu.memory_space<hbm>>) dst(%arg7 : memref<4096xi32, #tpu.memory_space<vmem>>)
      tpu.yield
    }) : () -> ()
    %iota3A = tpu.iota {dimensions = array<i32: 0>} : vector<16xi32>
    %broadcast_in_dim3A = arith.constant 0 : i32
    %broadcast_in_dim3A_1 = vector.broadcast %broadcast_in_dim3A : i32 to vector<16xi32>
    %broadcast_in_dim3A_2 = arith.constant 1 : i32
    %broadcast_in_dim3A_3 = vector.broadcast %broadcast_in_dim3A_2 : i32 to vector<16xi32>
    %scan3A = arith.constant 0 : i32
    %scan3A_4 = arith.constant 256 : i32
    %scan3A_5 = arith.addi %scan3A, %scan3A_4 : i32
    %scan3A_6 = arith.constant 1 : i32
    %scan3A_7:8 = scf.for %scan3A_1239 = %scan3A to %scan3A_5 step %scan3A_6 iter_args(%scan3A_1240 = %broadcast_in_dim3A_1, %scan3A_1241 = %broadcast_in_dim3A_1, %scan3A_1242 = %broadcast_in_dim3A_1, %scan3A_1243 = %broadcast_in_dim3A_1, %scan3A_1244 = %broadcast_in_dim3A_1, %scan3A_1245 = %broadcast_in_dim3A_1, %scan3A_1246 = %broadcast_in_dim3A_1, %scan3A_1247 = %broadcast_in_dim3A_1) -> (vector<16xi32>, vector<16xi32>, vector<16xi32>, vector<16xi32>, vector<16xi32>, vector<16xi32>, vector<16xi32>, vector<16xi32>)  : i32 {
      %mul3A_1248 = arith.constant 16 : i32
      %mul3A_1249 = arith.muli %scan3A_1239, %mul3A_1248 : i32
      %get3A = arith.index_cast %mul3A_1249 : i32 to index
      %get3A_1250 = tpu.vector_load %arg7[%get3A] {strides = array<i32>} : memref<4096xi32, #tpu.memory_space<vmem>>, vector<16xi32>,
      %get3A_1251 = vector.shape_cast %get3A_1250 : vector<16xi32> to vector<16xi32>
      %eq3A_1252 = arith.constant 0 : i32
      %eq3A_1253 = vector.broadcast %eq3A_1252 : i32 to vector<16xi32>
      %eq3A_1254 = arith.cmpi eq, %get3A_1251, %eq3A_1253 : vector<16xi32>
      %jit3A_1255 = arith.constant 1 : i32
      %jit3A_1256 = arith.constant 0 : i32
      %broadcast_in_dim3A_1257 = vector.broadcast %jit3A_1255 : i32 to vector<16xi32>
      %broadcast_in_dim3A_1258 = vector.broadcast %jit3A_1256 : i32 to vector<16xi32>
      %select_n3A_1259 = arith.select %eq3A_1254, %broadcast_in_dim3A_1257, %broadcast_in_dim3A_1258 : vector<16xi1>, vector<16xi32>
      %add3A_1260 = arith.addi %scan3A_1240, %select_n3A_1259 : vector<16xi32>
      %eq3A_1261 = arith.constant 1 : i32
      %eq3A_1262 = vector.broadcast %eq3A_1261 : i32 to vector<16xi32>
      %eq3A_1263 = arith.cmpi eq, %get3A_1251, %eq3A_1262 : vector<16xi32>
      %jit3A_1264 = arith.constant 1 : i32
      %jit3A_1265 = arith.constant 0 : i32
      %broadcast_in_dim3A_1266 = vector.broadcast %jit3A_1264 : i32 to vector<16xi32>
      %broadcast_in_dim3A_1267 = vector.broadcast %jit3A_1265 : i32 to vector<16xi32>
      %select_n3A_1268 = arith.select %eq3A_1263, %broadcast_in_dim3A_1266, %broadcast_in_dim3A_1267 : vector<16xi1>, vector<16xi32>
      %add3A_1269 = arith.addi %scan3A_1241, %select_n3A_1268 : vector<16xi32>
      %eq3A_1270 = arith.constant 2 : i32
      %eq3A_1271 = vector.broadcast %eq3A_1270 : i32 to vector<16xi32>
      %eq3A_1272 = arith.cmpi eq, %get3A_1251, %eq3A_1271 : vector<16xi32>
      %jit3A_1273 = arith.constant 1 : i32
      %jit3A_1274 = arith.constant 0 : i32
      %broadcast_in_dim3A_1275 = vector.broadcast %jit3A_1273 : i32 to vector<16xi32>
      %broadcast_in_dim3A_1276 = vector.broadcast %jit3A_1274 : i32 to vector<16xi32>
      %select_n3A_1277 = arith.select %eq3A_1272, %broadcast_in_dim3A_1275, %broadcast_in_dim3A_1276 : vector<16xi1>, vector<16xi32>
      %add3A_1278 = arith.addi %scan3A_1242, %select_n3A_1277 : vector<16xi32>
      %eq3A_1279 = arith.constant 3 : i32
      %eq3A_1280 = vector.broadcast %eq3A_1279 : i32 to vector<16xi32>
      %eq3A_1281 = arith.cmpi eq, %get3A_1251, %eq3A_1280 : vector<16xi32>
      %jit3A_1282 = arith.constant 1 : i32
      %jit3A_1283 = arith.constant 0 : i32
      %broadcast_in_dim3A_1284 = vector.broadcast %jit3A_1282 : i32 to vector<16xi32>
      %broadcast_in_dim3A_1285 = vector.broadcast %jit3A_1283 : i32 to vector<16xi32>
      %select_n3A_1286 = arith.select %eq3A_1281, %broadcast_in_dim3A_1284, %broadcast_in_dim3A_1285 : vector<16xi1>, vector<16xi32>
      %add3A_1287 = arith.addi %scan3A_1243, %select_n3A_1286 : vector<16xi32>
      %eq3A_1288 = arith.constant 4 : i32
      %eq3A_1289 = vector.broadcast %eq3A_1288 : i32 to vector<16xi32>
      %eq3A_1290 = arith.cmpi eq, %get3A_1251, %eq3A_1289 : vector<16xi32>
      %jit3A_1291 = arith.constant 1 : i32
      %jit3A_1292 = arith.constant 0 : i32
      %broadcast_in_dim3A_1293 = vector.broadcast %jit3A_1291 : i32 to vector<16xi32>
      %broadcast_in_dim3A_1294 = vector.broadcast %jit3A_1292 : i32 to vector<16xi32>
      %select_n3A_1295 = arith.select %eq3A_1290, %broadcast_in_dim3A_1293, %broadcast_in_dim3A_1294 : vector<16xi1>, vector<16xi32>
      %add3A_1296 = arith.addi %scan3A_1244, %select_n3A_1295 : vector<16xi32>
      %eq3A_1297 = arith.constant 5 : i32
      %eq3A_1298 = vector.broadcast %eq3A_1297 : i32 to vector<16xi32>
      %eq3A_1299 = arith.cmpi eq, %get3A_1251, %eq3A_1298 : vector<16xi32>
      %jit3A_1300 = arith.constant 1 : i32
      %jit3A_1301 = arith.constant 0 : i32
      %broadcast_in_dim3A_1302 = vector.broadcast %jit3A_1300 : i32 to vector<16xi32>
      %broadcast_in_dim3A_1303 = vector.broadcast %jit3A_1301 : i32 to vector<16xi32>
      %select_n3A_1304 = arith.select %eq3A_1299, %broadcast_in_dim3A_1302, %broadcast_in_dim3A_1303 : vector<16xi1>, vector<16xi32>
      %add3A_1305 = arith.addi %scan3A_1245, %select_n3A_1304 : vector<16xi32>
      %eq3A_1306 = arith.constant 6 : i32
      %eq3A_1307 = vector.broadcast %eq3A_1306 : i32 to vector<16xi32>
      %eq3A_1308 = arith.cmpi eq, %get3A_1251, %eq3A_1307 : vector<16xi32>
      %jit3A_1309 = arith.constant 1 : i32
      %jit3A_1310 = arith.constant 0 : i32
      %broadcast_in_dim3A_1311 = vector.broadcast %jit3A_1309 : i32 to vector<16xi32>
      %broadcast_in_dim3A_1312 = vector.broadcast %jit3A_1310 : i32 to vector<16xi32>
      %select_n3A_1313 = arith.select %eq3A_1308, %broadcast_in_dim3A_1311, %broadcast_in_dim3A_1312 : vector<16xi1>, vector<16xi32>
      %add3A_1314 = arith.addi %scan3A_1246, %select_n3A_1313 : vector<16xi32>
      %eq3A_1315 = arith.constant 7 : i32
      %eq3A_1316 = vector.broadcast %eq3A_1315 : i32 to vector<16xi32>
      %eq3A_1317 = arith.cmpi eq, %get3A_1251, %eq3A_1316 : vector<16xi32>
      %jit3A_1318 = arith.constant 1 : i32
      %jit3A_1319 = arith.constant 0 : i32
      %broadcast_in_dim3A_1320 = vector.broadcast %jit3A_1318 : i32 to vector<16xi32>
      %broadcast_in_dim3A_1321 = vector.broadcast %jit3A_1319 : i32 to vector<16xi32>
      %select_n3A_1322 = arith.select %eq3A_1317, %broadcast_in_dim3A_1320, %broadcast_in_dim3A_1321 : vector<16xi1>, vector<16xi32>
      %add3A_1323 = arith.addi %scan3A_1247, %select_n3A_1322 : vector<16xi32>
      scf.yield %add3A_1260, %add3A_1269, %add3A_1278, %add3A_1287, %add3A_1296, %add3A_1305, %add3A_1314, %add3A_1323 : vector<16xi32>, vector<16xi32>, vector<16xi32>, vector<16xi32>, vector<16xi32>, vector<16xi32>, vector<16xi32>, vector<16xi32>
    }
    %scan3A_8 = arith.constant 256 : i32
    %iota3A_9 = tpu.iota {dimensions = array<i32: 0>} : vector<16xi32>
    %sub3A = arith.constant 1 : i32
    %sub3A_10 = vector.broadcast %sub3A : i32 to vector<16xi32>
    %sub3A_11 = arith.subi %iota3A_9, %sub3A_10 : vector<16xi32>
    %max3A = arith.constant 0 : i32
    %max3A_12 = vector.broadcast %max3A : i32 to vector<16xi32>
    %max3A_13 = arith.maxsi %sub3A_11, %max3A_12 : vector<16xi32>
    %lt3A = arith.constant 0 : i32
    %lt3A_14 = vector.broadcast %lt3A : i32 to vector<16xi32>
    %lt3A_15 = arith.cmpi slt, %max3A_13, %lt3A_14 : vector<16xi32>
    %add3A_16 = arith.constant 16 : i32
    %add3A_17 = vector.broadcast %add3A_16 : i32 to vector<16xi32>
    %add3A_18 = arith.addi %max3A_13, %add3A_17 : vector<16xi32>
    %select_n3A = arith.select %lt3A_15, %add3A_18, %max3A_13 : vector<16xi1>, vector<16xi32>
    %broadcast_in_dim3A_19 = vector.shape_cast %select_n3A : vector<16xi32> to vector<16x1xi32>
    %gather3A = vector.shape_cast %broadcast_in_dim3A_19 : vector<16x1xi32> to vector<16xi32>
    %gather3A_20 = tpu.dynamic_gather %scan3A_7#0[%gather3A] in [0] : vector<16xi32>, vector<16xi32> -> vector<16xi32>
    %ge3A = arith.constant 1 : i32
    %ge3A_21 = vector.broadcast %ge3A : i32 to vector<16xi32>
    %ge3A_22 = arith.cmpi sge, %iota3A_9, %ge3A_21 : vector<16xi32>
    %jit3A = arith.constant 0 : i32
    %broadcast_in_dim3A_23 = vector.broadcast %jit3A : i32 to vector<16xi32>
    %select_n3A_24 = arith.select %ge3A_22, %gather3A_20, %broadcast_in_dim3A_23 : vector<16xi1>, vector<16xi32>
    %add3A_25 = arith.addi %scan3A_7#0, %select_n3A_24 : vector<16xi32>
    %sub3A_26 = arith.constant 2 : i32
    %sub3A_27 = vector.broadcast %sub3A_26 : i32 to vector<16xi32>
    %sub3A_28 = arith.subi %iota3A_9, %sub3A_27 : vector<16xi32>
    %max3A_29 = arith.constant 0 : i32
    %max3A_30 = vector.broadcast %max3A_29 : i32 to vector<16xi32>
    %max3A_31 = arith.maxsi %sub3A_28, %max3A_30 : vector<16xi32>
    %lt3A_32 = arith.constant 0 : i32
    %lt3A_33 = vector.broadcast %lt3A_32 : i32 to vector<16xi32>
    %lt3A_34 = arith.cmpi slt, %max3A_31, %lt3A_33 : vector<16xi32>
    %add3A_35 = arith.constant 16 : i32
    %add3A_36 = vector.broadcast %add3A_35 : i32 to vector<16xi32>
    %add3A_37 = arith.addi %max3A_31, %add3A_36 : vector<16xi32>
    %select_n3A_38 = arith.select %lt3A_34, %add3A_37, %max3A_31 : vector<16xi1>, vector<16xi32>
    %broadcast_in_dim3A_39 = vector.shape_cast %select_n3A_38 : vector<16xi32> to vector<16x1xi32>
    %gather3A_40 = vector.shape_cast %broadcast_in_dim3A_39 : vector<16x1xi32> to vector<16xi32>
    %gather3A_41 = tpu.dynamic_gather %add3A_25[%gather3A_40] in [0] : vector<16xi32>, vector<16xi32> -> vector<16xi32>
    %ge3A_42 = arith.constant 2 : i32
    %ge3A_43 = vector.broadcast %ge3A_42 : i32 to vector<16xi32>
    %ge3A_44 = arith.cmpi sge, %iota3A_9, %ge3A_43 : vector<16xi32>
    %jit3A_45 = arith.constant 0 : i32
    %broadcast_in_dim3A_46 = vector.broadcast %jit3A_45 : i32 to vector<16xi32>
    %select_n3A_47 = arith.select %ge3A_44, %gather3A_41, %broadcast_in_dim3A_46 : vector<16xi1>, vector<16xi32>
    %add3A_48 = arith.addi %add3A_25, %select_n3A_47 : vector<16xi32>
    %sub3A_49 = arith.constant 4 : i32
    %sub3A_50 = vector.broadcast %sub3A_49 : i32 to vector<16xi32>
    %sub3A_51 = arith.subi %iota3A_9, %sub3A_50 : vector<16xi32>
    %max3A_52 = arith.constant 0 : i32
    %max3A_53 = vector.broadcast %max3A_52 : i32 to vector<16xi32>
    %max3A_54 = arith.maxsi %sub3A_51, %max3A_53 : vector<16xi32>
    %lt3A_55 = arith.constant 0 : i32
    %lt3A_56 = vector.broadcast %lt3A_55 : i32 to vector<16xi32>
    %lt3A_57 = arith.cmpi slt, %max3A_54, %lt3A_56 : vector<16xi32>
    %add3A_58 = arith.constant 16 : i32
    %add3A_59 = vector.broadcast %add3A_58 : i32 to vector<16xi32>
    %add3A_60 = arith.addi %max3A_54, %add3A_59 : vector<16xi32>
    %select_n3A_61 = arith.select %lt3A_57, %add3A_60, %max3A_54 : vector<16xi1>, vector<16xi32>
    %broadcast_in_dim3A_62 = vector.shape_cast %select_n3A_61 : vector<16xi32> to vector<16x1xi32>
    %gather3A_63 = vector.shape_cast %broadcast_in_dim3A_62 : vector<16x1xi32> to vector<16xi32>
    %gather3A_64 = tpu.dynamic_gather %add3A_48[%gather3A_63] in [0] : vector<16xi32>, vector<16xi32> -> vector<16xi32>
    %ge3A_65 = arith.constant 4 : i32
    %ge3A_66 = vector.broadcast %ge3A_65 : i32 to vector<16xi32>
    %ge3A_67 = arith.cmpi sge, %iota3A_9, %ge3A_66 : vector<16xi32>
    %jit3A_68 = arith.constant 0 : i32
    %broadcast_in_dim3A_69 = vector.broadcast %jit3A_68 : i32 to vector<16xi32>
    %select_n3A_70 = arith.select %ge3A_67, %gather3A_64, %broadcast_in_dim3A_69 : vector<16xi1>, vector<16xi32>
    %add3A_71 = arith.addi %add3A_48, %select_n3A_70 : vector<16xi32>
    %sub3A_72 = arith.constant 8 : i32
    %sub3A_73 = vector.broadcast %sub3A_72 : i32 to vector<16xi32>
    %sub3A_74 = arith.subi %iota3A_9, %sub3A_73 : vector<16xi32>
    %max3A_75 = arith.constant 0 : i32
    %max3A_76 = vector.broadcast %max3A_75 : i32 to vector<16xi32>
    %max3A_77 = arith.maxsi %sub3A_74, %max3A_76 : vector<16xi32>
    %lt3A_78 = arith.constant 0 : i32
    %lt3A_79 = vector.broadcast %lt3A_78 : i32 to vector<16xi32>
    %lt3A_80 = arith.cmpi slt, %max3A_77, %lt3A_79 : vector<16xi32>
    %add3A_81 = arith.constant 16 : i32
    %add3A_82 = vector.broadcast %add3A_81 : i32 to vector<16xi32>
    %add3A_83 = arith.addi %max3A_77, %add3A_82 : vector<16xi32>
    %select_n3A_84 = arith.select %lt3A_80, %add3A_83, %max3A_77 : vector<16xi1>, vector<16xi32>
    %broadcast_in_dim3A_85 = vector.shape_cast %select_n3A_84 : vector<16xi32> to vector<16x1xi32>
    %gather3A_86 = vector.shape_cast %broadcast_in_dim3A_85 : vector<16x1xi32> to vector<16xi32>
    %gather3A_87 = tpu.dynamic_gather %add3A_71[%gather3A_86] in [0] : vector<16xi32>, vector<16xi32> -> vector<16xi32>
    %ge3A_88 = arith.constant 8 : i32
    %ge3A_89 = vector.broadcast %ge3A_88 : i32 to vector<16xi32>
    %ge3A_90 = arith.cmpi sge, %iota3A_9, %ge3A_89 : vector<16xi32>
    %jit3A_91 = arith.constant 0 : i32
    %broadcast_in_dim3A_92 = vector.broadcast %jit3A_91 : i32 to vector<16xi32>
    %select_n3A_93 = arith.select %ge3A_90, %gather3A_87, %broadcast_in_dim3A_92 : vector<16xi1>, vector<16xi32>
    %add3A_94 = arith.addi %add3A_71, %select_n3A_93 : vector<16xi32>
    %broadcast_in_dim3A_95 = arith.constant 15 : i32
    %broadcast_in_dim3A_96 = vector.broadcast %broadcast_in_dim3A_95 : i32 to vector<16xi32>
    %lt3A_97 = arith.constant 0 : i32
    %lt3A_98 = vector.broadcast %lt3A_97 : i32 to vector<16xi32>
    %lt3A_99 = arith.cmpi slt, %broadcast_in_dim3A_96, %lt3A_98 : vector<16xi32>
    %add3A_100 = arith.constant 16 : i32
    %add3A_101 = vector.broadcast %add3A_100 : i32 to vector<16xi32>
    %add3A_102 = arith.addi %broadcast_in_dim3A_96, %add3A_101 : vector<16xi32>
    %select_n3A_103 = arith.select %lt3A_99, %add3A_102, %broadcast_in_dim3A_96 : vector<16xi1>, vector<16xi32>
    %broadcast_in_dim3A_104 = vector.shape_cast %select_n3A_103 : vector<16xi32> to vector<16x1xi32>
    %gather3A_105 = vector.shape_cast %broadcast_in_dim3A_104 : vector<16x1xi32> to vector<16xi32>
    %gather3A_106 = tpu.dynamic_gather %add3A_94[%gather3A_105] in [0] : vector<16xi32>, vector<16xi32> -> vector<16xi32>
    %eq3A = arith.constant 0 : i32
    %eq3A_107 = vector.broadcast %eq3A : i32 to vector<16xi32>
    %eq3A_108 = arith.cmpi eq, %iota3A, %eq3A_107 : vector<16xi32>
    %select_n3A_109 = arith.select %eq3A_108, %gather3A_106, %broadcast_in_dim3A_1 : vector<16xi1>, vector<16xi32>
    %iota3A_110 = tpu.iota {dimensions = array<i32: 0>} : vector<16xi32>
    %sub3A_111 = arith.constant 1 : i32
    %sub3A_112 = vector.broadcast %sub3A_111 : i32 to vector<16xi32>
    %sub3A_113 = arith.subi %iota3A_110, %sub3A_112 : vector<16xi32>
    %max3A_114 = arith.constant 0 : i32
    %max3A_115 = vector.broadcast %max3A_114 : i32 to vector<16xi32>
    %max3A_116 = arith.maxsi %sub3A_113, %max3A_115 : vector<16xi32>
    %lt3A_117 = arith.constant 0 : i32
    %lt3A_118 = vector.broadcast %lt3A_117 : i32 to vector<16xi32>
    %lt3A_119 = arith.cmpi slt, %max3A_116, %lt3A_118 : vector<16xi32>
    %add3A_120 = arith.constant 16 : i32
    %add3A_121 = vector.broadcast %add3A_120 : i32 to vector<16xi32>
    %add3A_122 = arith.addi %max3A_116, %add3A_121 : vector<16xi32>
    %select_n3A_123 = arith.select %lt3A_119, %add3A_122, %max3A_116 : vector<16xi1>, vector<16xi32>
    %broadcast_in_dim3A_124 = vector.shape_cast %select_n3A_123 : vector<16xi32> to vector<16x1xi32>
    %gather3A_125 = vector.shape_cast %broadcast_in_dim3A_124 : vector<16x1xi32> to vector<16xi32>
    %gather3A_126 = tpu.dynamic_gather %scan3A_7#1[%gather3A_125] in [0] : vector<16xi32>, vector<16xi32> -> vector<16xi32>
    %ge3A_127 = arith.constant 1 : i32
    %ge3A_128 = vector.broadcast %ge3A_127 : i32 to vector<16xi32>
    %ge3A_129 = arith.cmpi sge, %iota3A_110, %ge3A_128 : vector<16xi32>
    %jit3A_130 = arith.constant 0 : i32
    %broadcast_in_dim3A_131 = vector.broadcast %jit3A_130 : i32 to vector<16xi32>
    %select_n3A_132 = arith.select %ge3A_129, %gather3A_126, %broadcast_in_dim3A_131 : vector<16xi1>, vector<16xi32>
    %add3A_133 = arith.addi %scan3A_7#1, %select_n3A_132 : vector<16xi32>
    %sub3A_134 = arith.constant 2 : i32
    %sub3A_135 = vector.broadcast %sub3A_134 : i32 to vector<16xi32>
    %sub3A_136 = arith.subi %iota3A_110, %sub3A_135 : vector<16xi32>
    %max3A_137 = arith.constant 0 : i32
    %max3A_138 = vector.broadcast %max3A_137 : i32 to vector<16xi32>
    %max3A_139 = arith.maxsi %sub3A_136, %max3A_138 : vector<16xi32>
    %lt3A_140 = arith.constant 0 : i32
    %lt3A_141 = vector.broadcast %lt3A_140 : i32 to vector<16xi32>
    %lt3A_142 = arith.cmpi slt, %max3A_139, %lt3A_141 : vector<16xi32>
    %add3A_143 = arith.constant 16 : i32
    %add3A_144 = vector.broadcast %add3A_143 : i32 to vector<16xi32>
    %add3A_145 = arith.addi %max3A_139, %add3A_144 : vector<16xi32>
    %select_n3A_146 = arith.select %lt3A_142, %add3A_145, %max3A_139 : vector<16xi1>, vector<16xi32>
    %broadcast_in_dim3A_147 = vector.shape_cast %select_n3A_146 : vector<16xi32> to vector<16x1xi32>
    %gather3A_148 = vector.shape_cast %broadcast_in_dim3A_147 : vector<16x1xi32> to vector<16xi32>
    %gather3A_149 = tpu.dynamic_gather %add3A_133[%gather3A_148] in [0] : vector<16xi32>, vector<16xi32> -> vector<16xi32>
    %ge3A_150 = arith.constant 2 : i32
    %ge3A_151 = vector.broadcast %ge3A_150 : i32 to vector<16xi32>
    %ge3A_152 = arith.cmpi sge, %iota3A_110, %ge3A_151 : vector<16xi32>
    %jit3A_153 = arith.constant 0 : i32
    %broadcast_in_dim3A_154 = vector.broadcast %jit3A_153 : i32 to vector<16xi32>
    %select_n3A_155 = arith.select %ge3A_152, %gather3A_149, %broadcast_in_dim3A_154 : vector<16xi1>, vector<16xi32>
    %add3A_156 = arith.addi %add3A_133, %select_n3A_155 : vector<16xi32>
    %sub3A_157 = arith.constant 4 : i32
    %sub3A_158 = vector.broadcast %sub3A_157 : i32 to vector<16xi32>
    %sub3A_159 = arith.subi %iota3A_110, %sub3A_158 : vector<16xi32>
    %max3A_160 = arith.constant 0 : i32
    %max3A_161 = vector.broadcast %max3A_160 : i32 to vector<16xi32>
    %max3A_162 = arith.maxsi %sub3A_159, %max3A_161 : vector<16xi32>
    %lt3A_163 = arith.constant 0 : i32
    %lt3A_164 = vector.broadcast %lt3A_163 : i32 to vector<16xi32>
    %lt3A_165 = arith.cmpi slt, %max3A_162, %lt3A_164 : vector<16xi32>
    %add3A_166 = arith.constant 16 : i32
    %add3A_167 = vector.broadcast %add3A_166 : i32 to vector<16xi32>
    %add3A_168 = arith.addi %max3A_162, %add3A_167 : vector<16xi32>
    %select_n3A_169 = arith.select %lt3A_165, %add3A_168, %max3A_162 : vector<16xi1>, vector<16xi32>
    %broadcast_in_dim3A_170 = vector.shape_cast %select_n3A_169 : vector<16xi32> to vector<16x1xi32>
    %gather3A_171 = vector.shape_cast %broadcast_in_dim3A_170 : vector<16x1xi32> to vector<16xi32>
    %gather3A_172 = tpu.dynamic_gather %add3A_156[%gather3A_171] in [0] : vector<16xi32>, vector<16xi32> -> vector<16xi32>
    %ge3A_173 = arith.constant 4 : i32
    %ge3A_174 = vector.broadcast %ge3A_173 : i32 to vector<16xi32>
    %ge3A_175 = arith.cmpi sge, %iota3A_110, %ge3A_174 : vector<16xi32>
    %jit3A_176 = arith.constant 0 : i32
    %broadcast_in_dim3A_177 = vector.broadcast %jit3A_176 : i32 to vector<16xi32>
    %select_n3A_178 = arith.select %ge3A_175, %gather3A_172, %broadcast_in_dim3A_177 : vector<16xi1>, vector<16xi32>
    %add3A_179 = arith.addi %add3A_156, %select_n3A_178 : vector<16xi32>
    %sub3A_180 = arith.constant 8 : i32
    %sub3A_181 = vector.broadcast %sub3A_180 : i32 to vector<16xi32>
    %sub3A_182 = arith.subi %iota3A_110, %sub3A_181 : vector<16xi32>
    %max3A_183 = arith.constant 0 : i32
    %max3A_184 = vector.broadcast %max3A_183 : i32 to vector<16xi32>
    %max3A_185 = arith.maxsi %sub3A_182, %max3A_184 : vector<16xi32>
    %lt3A_186 = arith.constant 0 : i32
    %lt3A_187 = vector.broadcast %lt3A_186 : i32 to vector<16xi32>
    %lt3A_188 = arith.cmpi slt, %max3A_185, %lt3A_187 : vector<16xi32>
    %add3A_189 = arith.constant 16 : i32
    %add3A_190 = vector.broadcast %add3A_189 : i32 to vector<16xi32>
    %add3A_191 = arith.addi %max3A_185, %add3A_190 : vector<16xi32>
    %select_n3A_192 = arith.select %lt3A_188, %add3A_191, %max3A_185 : vector<16xi1>, vector<16xi32>
    %broadcast_in_dim3A_193 = vector.shape_cast %select_n3A_192 : vector<16xi32> to vector<16x1xi32>
    %gather3A_194 = vector.shape_cast %broadcast_in_dim3A_193 : vector<16x1xi32> to vector<16xi32>
    %gather3A_195 = tpu.dynamic_gather %add3A_179[%gather3A_194] in [0] : vector<16xi32>, vector<16xi32> -> vector<16xi32>
    %ge3A_196 = arith.constant 8 : i32
    %ge3A_197 = vector.broadcast %ge3A_196 : i32 to vector<16xi32>
    %ge3A_198 = arith.cmpi sge, %iota3A_110, %ge3A_197 : vector<16xi32>
    %jit3A_199 = arith.constant 0 : i32
    %broadcast_in_dim3A_200 = vector.broadcast %jit3A_199 : i32 to vector<16xi32>
    %select_n3A_201 = arith.select %ge3A_198, %gather3A_195, %broadcast_in_dim3A_200 : vector<16xi1>, vector<16xi32>
    %add3A_202 = arith.addi %add3A_179, %select_n3A_201 : vector<16xi32>
    %broadcast_in_dim3A_203 = arith.constant 15 : i32
    %broadcast_in_dim3A_204 = vector.broadcast %broadcast_in_dim3A_203 : i32 to vector<16xi32>
    %lt3A_205 = arith.constant 0 : i32
    %lt3A_206 = vector.broadcast %lt3A_205 : i32 to vector<16xi32>
    %lt3A_207 = arith.cmpi slt, %broadcast_in_dim3A_204, %lt3A_206 : vector<16xi32>
    %add3A_208 = arith.constant 16 : i32
    %add3A_209 = vector.broadcast %add3A_208 : i32 to vector<16xi32>
    %add3A_210 = arith.addi %broadcast_in_dim3A_204, %add3A_209 : vector<16xi32>
    %select_n3A_211 = arith.select %lt3A_207, %add3A_210, %broadcast_in_dim3A_204 : vector<16xi1>, vector<16xi32>
    %broadcast_in_dim3A_212 = vector.shape_cast %select_n3A_211 : vector<16xi32> to vector<16x1xi32>
    %gather3A_213 = vector.shape_cast %broadcast_in_dim3A_212 : vector<16x1xi32> to vector<16xi32>
    %gather3A_214 = tpu.dynamic_gather %add3A_202[%gather3A_213] in [0] : vector<16xi32>, vector<16xi32> -> vector<16xi32>
    %eq3A_215 = arith.constant 1 : i32
    %eq3A_216 = vector.broadcast %eq3A_215 : i32 to vector<16xi32>
    %eq3A_217 = arith.cmpi eq, %iota3A, %eq3A_216 : vector<16xi32>
    %select_n3A_218 = arith.select %eq3A_217, %gather3A_214, %select_n3A_109 : vector<16xi1>, vector<16xi32>
    %iota3A_219 = tpu.iota {dimensions = array<i32: 0>} : vector<16xi32>
    %sub3A_220 = arith.constant 1 : i32
    %sub3A_221 = vector.broadcast %sub3A_220 : i32 to vector<16xi32>
    %sub3A_222 = arith.subi %iota3A_219, %sub3A_221 : vector<16xi32>
    %max3A_223 = arith.constant 0 : i32
    %max3A_224 = vector.broadcast %max3A_223 : i32 to vector<16xi32>
    %max3A_225 = arith.maxsi %sub3A_222, %max3A_224 : vector<16xi32>
    %lt3A_226 = arith.constant 0 : i32
    %lt3A_227 = vector.broadcast %lt3A_226 : i32 to vector<16xi32>
    %lt3A_228 = arith.cmpi slt, %max3A_225, %lt3A_227 : vector<16xi32>
    %add3A_229 = arith.constant 16 : i32
    %add3A_230 = vector.broadcast %add3A_229 : i32 to vector<16xi32>
    %add3A_231 = arith.addi %max3A_225, %add3A_230 : vector<16xi32>
    %select_n3A_232 = arith.select %lt3A_228, %add3A_231, %max3A_225 : vector<16xi1>, vector<16xi32>
    %broadcast_in_dim3A_233 = vector.shape_cast %select_n3A_232 : vector<16xi32> to vector<16x1xi32>
    %gather3A_234 = vector.shape_cast %broadcast_in_dim3A_233 : vector<16x1xi32> to vector<16xi32>
    %gather3A_235 = tpu.dynamic_gather %scan3A_7#2[%gather3A_234] in [0] : vector<16xi32>, vector<16xi32> -> vector<16xi32>
    %ge3A_236 = arith.constant 1 : i32
    %ge3A_237 = vector.broadcast %ge3A_236 : i32 to vector<16xi32>
    %ge3A_238 = arith.cmpi sge, %iota3A_219, %ge3A_237 : vector<16xi32>
    %jit3A_239 = arith.constant 0 : i32
    %broadcast_in_dim3A_240 = vector.broadcast %jit3A_239 : i32 to vector<16xi32>
    %select_n3A_241 = arith.select %ge3A_238, %gather3A_235, %broadcast_in_dim3A_240 : vector<16xi1>, vector<16xi32>
    %add3A_242 = arith.addi %scan3A_7#2, %select_n3A_241 : vector<16xi32>
    %sub3A_243 = arith.constant 2 : i32
    %sub3A_244 = vector.broadcast %sub3A_243 : i32 to vector<16xi32>
    %sub3A_245 = arith.subi %iota3A_219, %sub3A_244 : vector<16xi32>
    %max3A_246 = arith.constant 0 : i32
    %max3A_247 = vector.broadcast %max3A_246 : i32 to vector<16xi32>
    %max3A_248 = arith.maxsi %sub3A_245, %max3A_247 : vector<16xi32>
    %lt3A_249 = arith.constant 0 : i32
    %lt3A_250 = vector.broadcast %lt3A_249 : i32 to vector<16xi32>
    %lt3A_251 = arith.cmpi slt, %max3A_248, %lt3A_250 : vector<16xi32>
    %add3A_252 = arith.constant 16 : i32
    %add3A_253 = vector.broadcast %add3A_252 : i32 to vector<16xi32>
    %add3A_254 = arith.addi %max3A_248, %add3A_253 : vector<16xi32>
    %select_n3A_255 = arith.select %lt3A_251, %add3A_254, %max3A_248 : vector<16xi1>, vector<16xi32>
    %broadcast_in_dim3A_256 = vector.shape_cast %select_n3A_255 : vector<16xi32> to vector<16x1xi32>
    %gather3A_257 = vector.shape_cast %broadcast_in_dim3A_256 : vector<16x1xi32> to vector<16xi32>
    %gather3A_258 = tpu.dynamic_gather %add3A_242[%gather3A_257] in [0] : vector<16xi32>, vector<16xi32> -> vector<16xi32>
    %ge3A_259 = arith.constant 2 : i32
    %ge3A_260 = vector.broadcast %ge3A_259 : i32 to vector<16xi32>
    %ge3A_261 = arith.cmpi sge, %iota3A_219, %ge3A_260 : vector<16xi32>
    %jit3A_262 = arith.constant 0 : i32
    %broadcast_in_dim3A_263 = vector.broadcast %jit3A_262 : i32 to vector<16xi32>
    %select_n3A_264 = arith.select %ge3A_261, %gather3A_258, %broadcast_in_dim3A_263 : vector<16xi1>, vector<16xi32>
    %add3A_265 = arith.addi %add3A_242, %select_n3A_264 : vector<16xi32>
    %sub3A_266 = arith.constant 4 : i32
    %sub3A_267 = vector.broadcast %sub3A_266 : i32 to vector<16xi32>
    %sub3A_268 = arith.subi %iota3A_219, %sub3A_267 : vector<16xi32>
    %max3A_269 = arith.constant 0 : i32
    %max3A_270 = vector.broadcast %max3A_269 : i32 to vector<16xi32>
    %max3A_271 = arith.maxsi %sub3A_268, %max3A_270 : vector<16xi32>
    %lt3A_272 = arith.constant 0 : i32
    %lt3A_273 = vector.broadcast %lt3A_272 : i32 to vector<16xi32>
    %lt3A_274 = arith.cmpi slt, %max3A_271, %lt3A_273 : vector<16xi32>
    %add3A_275 = arith.constant 16 : i32
    %add3A_276 = vector.broadcast %add3A_275 : i32 to vector<16xi32>
    %add3A_277 = arith.addi %max3A_271, %add3A_276 : vector<16xi32>
    %select_n3A_278 = arith.select %lt3A_274, %add3A_277, %max3A_271 : vector<16xi1>, vector<16xi32>
    %broadcast_in_dim3A_279 = vector.shape_cast %select_n3A_278 : vector<16xi32> to vector<16x1xi32>
    %gather3A_280 = vector.shape_cast %broadcast_in_dim3A_279 : vector<16x1xi32> to vector<16xi32>
    %gather3A_281 = tpu.dynamic_gather %add3A_265[%gather3A_280] in [0] : vector<16xi32>, vector<16xi32> -> vector<16xi32>
    %ge3A_282 = arith.constant 4 : i32
    %ge3A_283 = vector.broadcast %ge3A_282 : i32 to vector<16xi32>
    %ge3A_284 = arith.cmpi sge, %iota3A_219, %ge3A_283 : vector<16xi32>
    %jit3A_285 = arith.constant 0 : i32
    %broadcast_in_dim3A_286 = vector.broadcast %jit3A_285 : i32 to vector<16xi32>
    %select_n3A_287 = arith.select %ge3A_284, %gather3A_281, %broadcast_in_dim3A_286 : vector<16xi1>, vector<16xi32>
    %add3A_288 = arith.addi %add3A_265, %select_n3A_287 : vector<16xi32>
    %sub3A_289 = arith.constant 8 : i32
    %sub3A_290 = vector.broadcast %sub3A_289 : i32 to vector<16xi32>
    %sub3A_291 = arith.subi %iota3A_219, %sub3A_290 : vector<16xi32>
    %max3A_292 = arith.constant 0 : i32
    %max3A_293 = vector.broadcast %max3A_292 : i32 to vector<16xi32>
    %max3A_294 = arith.maxsi %sub3A_291, %max3A_293 : vector<16xi32>
    %lt3A_295 = arith.constant 0 : i32
    %lt3A_296 = vector.broadcast %lt3A_295 : i32 to vector<16xi32>
    %lt3A_297 = arith.cmpi slt, %max3A_294, %lt3A_296 : vector<16xi32>
    %add3A_298 = arith.constant 16 : i32
    %add3A_299 = vector.broadcast %add3A_298 : i32 to vector<16xi32>
    %add3A_300 = arith.addi %max3A_294, %add3A_299 : vector<16xi32>
    %select_n3A_301 = arith.select %lt3A_297, %add3A_300, %max3A_294 : vector<16xi1>, vector<16xi32>
    %broadcast_in_dim3A_302 = vector.shape_cast %select_n3A_301 : vector<16xi32> to vector<16x1xi32>
    %gather3A_303 = vector.shape_cast %broadcast_in_dim3A_302 : vector<16x1xi32> to vector<16xi32>
    %gather3A_304 = tpu.dynamic_gather %add3A_288[%gather3A_303] in [0] : vector<16xi32>, vector<16xi32> -> vector<16xi32>
    %ge3A_305 = arith.constant 8 : i32
    %ge3A_306 = vector.broadcast %ge3A_305 : i32 to vector<16xi32>
    %ge3A_307 = arith.cmpi sge, %iota3A_219, %ge3A_306 : vector<16xi32>
    %jit3A_308 = arith.constant 0 : i32
    %broadcast_in_dim3A_309 = vector.broadcast %jit3A_308 : i32 to vector<16xi32>
    %select_n3A_310 = arith.select %ge3A_307, %gather3A_304, %broadcast_in_dim3A_309 : vector<16xi1>, vector<16xi32>
    %add3A_311 = arith.addi %add3A_288, %select_n3A_310 : vector<16xi32>
    %broadcast_in_dim3A_312 = arith.constant 15 : i32
    %broadcast_in_dim3A_313 = vector.broadcast %broadcast_in_dim3A_312 : i32 to vector<16xi32>
    %lt3A_314 = arith.constant 0 : i32
    %lt3A_315 = vector.broadcast %lt3A_314 : i32 to vector<16xi32>
    %lt3A_316 = arith.cmpi slt, %broadcast_in_dim3A_313, %lt3A_315 : vector<16xi32>
    %add3A_317 = arith.constant 16 : i32
    %add3A_318 = vector.broadcast %add3A_317 : i32 to vector<16xi32>
    %add3A_319 = arith.addi %broadcast_in_dim3A_313, %add3A_318 : vector<16xi32>
    %select_n3A_320 = arith.select %lt3A_316, %add3A_319, %broadcast_in_dim3A_313 : vector<16xi1>, vector<16xi32>
    %broadcast_in_dim3A_321 = vector.shape_cast %select_n3A_320 : vector<16xi32> to vector<16x1xi32>
    %gather3A_322 = vector.shape_cast %broadcast_in_dim3A_321 : vector<16x1xi32> to vector<16xi32>
    %gather3A_323 = tpu.dynamic_gather %add3A_311[%gather3A_322] in [0] : vector<16xi32>, vector<16xi32> -> vector<16xi32>
    %eq3A_324 = arith.constant 2 : i32
    %eq3A_325 = vector.broadcast %eq3A_324 : i32 to vector<16xi32>
    %eq3A_326 = arith.cmpi eq, %iota3A, %eq3A_325 : vector<16xi32>
    %select_n3A_327 = arith.select %eq3A_326, %gather3A_323, %select_n3A_218 : vector<16xi1>, vector<16xi32>
    %iota3A_328 = tpu.iota {dimensions = array<i32: 0>} : vector<16xi32>
    %sub3A_329 = arith.constant 1 : i32
    %sub3A_330 = vector.broadcast %sub3A_329 : i32 to vector<16xi32>
    %sub3A_331 = arith.subi %iota3A_328, %sub3A_330 : vector<16xi32>
    %max3A_332 = arith.constant 0 : i32
    %max3A_333 = vector.broadcast %max3A_332 : i32 to vector<16xi32>
    %max3A_334 = arith.maxsi %sub3A_331, %max3A_333 : vector<16xi32>
    %lt3A_335 = arith.constant 0 : i32
    %lt3A_336 = vector.broadcast %lt3A_335 : i32 to vector<16xi32>
    %lt3A_337 = arith.cmpi slt, %max3A_334, %lt3A_336 : vector<16xi32>
    %add3A_338 = arith.constant 16 : i32
    %add3A_339 = vector.broadcast %add3A_338 : i32 to vector<16xi32>
    %add3A_340 = arith.addi %max3A_334, %add3A_339 : vector<16xi32>
    %select_n3A_341 = arith.select %lt3A_337, %add3A_340, %max3A_334 : vector<16xi1>, vector<16xi32>
    %broadcast_in_dim3A_342 = vector.shape_cast %select_n3A_341 : vector<16xi32> to vector<16x1xi32>
    %gather3A_343 = vector.shape_cast %broadcast_in_dim3A_342 : vector<16x1xi32> to vector<16xi32>
    %gather3A_344 = tpu.dynamic_gather %scan3A_7#3[%gather3A_343] in [0] : vector<16xi32>, vector<16xi32> -> vector<16xi32>
    %ge3A_345 = arith.constant 1 : i32
    %ge3A_346 = vector.broadcast %ge3A_345 : i32 to vector<16xi32>
    %ge3A_347 = arith.cmpi sge, %iota3A_328, %ge3A_346 : vector<16xi32>
    %jit3A_348 = arith.constant 0 : i32
    %broadcast_in_dim3A_349 = vector.broadcast %jit3A_348 : i32 to vector<16xi32>
    %select_n3A_350 = arith.select %ge3A_347, %gather3A_344, %broadcast_in_dim3A_349 : vector<16xi1>, vector<16xi32>
    %add3A_351 = arith.addi %scan3A_7#3, %select_n3A_350 : vector<16xi32>
    %sub3A_352 = arith.constant 2 : i32
    %sub3A_353 = vector.broadcast %sub3A_352 : i32 to vector<16xi32>
    %sub3A_354 = arith.subi %iota3A_328, %sub3A_353 : vector<16xi32>
    %max3A_355 = arith.constant 0 : i32
    %max3A_356 = vector.broadcast %max3A_355 : i32 to vector<16xi32>
    %max3A_357 = arith.maxsi %sub3A_354, %max3A_356 : vector<16xi32>
    %lt3A_358 = arith.constant 0 : i32
    %lt3A_359 = vector.broadcast %lt3A_358 : i32 to vector<16xi32>
    %lt3A_360 = arith.cmpi slt, %max3A_357, %lt3A_359 : vector<16xi32>
    %add3A_361 = arith.constant 16 : i32
    %add3A_362 = vector.broadcast %add3A_361 : i32 to vector<16xi32>
    %add3A_363 = arith.addi %max3A_357, %add3A_362 : vector<16xi32>
    %select_n3A_364 = arith.select %lt3A_360, %add3A_363, %max3A_357 : vector<16xi1>, vector<16xi32>
    %broadcast_in_dim3A_365 = vector.shape_cast %select_n3A_364 : vector<16xi32> to vector<16x1xi32>
    %gather3A_366 = vector.shape_cast %broadcast_in_dim3A_365 : vector<16x1xi32> to vector<16xi32>
    %gather3A_367 = tpu.dynamic_gather %add3A_351[%gather3A_366] in [0] : vector<16xi32>, vector<16xi32> -> vector<16xi32>
    %ge3A_368 = arith.constant 2 : i32
    %ge3A_369 = vector.broadcast %ge3A_368 : i32 to vector<16xi32>
    %ge3A_370 = arith.cmpi sge, %iota3A_328, %ge3A_369 : vector<16xi32>
    %jit3A_371 = arith.constant 0 : i32
    %broadcast_in_dim3A_372 = vector.broadcast %jit3A_371 : i32 to vector<16xi32>
    %select_n3A_373 = arith.select %ge3A_370, %gather3A_367, %broadcast_in_dim3A_372 : vector<16xi1>, vector<16xi32>
    %add3A_374 = arith.addi %add3A_351, %select_n3A_373 : vector<16xi32>
    %sub3A_375 = arith.constant 4 : i32
    %sub3A_376 = vector.broadcast %sub3A_375 : i32 to vector<16xi32>
    %sub3A_377 = arith.subi %iota3A_328, %sub3A_376 : vector<16xi32>
    %max3A_378 = arith.constant 0 : i32
    %max3A_379 = vector.broadcast %max3A_378 : i32 to vector<16xi32>
    %max3A_380 = arith.maxsi %sub3A_377, %max3A_379 : vector<16xi32>
    %lt3A_381 = arith.constant 0 : i32
    %lt3A_382 = vector.broadcast %lt3A_381 : i32 to vector<16xi32>
    %lt3A_383 = arith.cmpi slt, %max3A_380, %lt3A_382 : vector<16xi32>
    %add3A_384 = arith.constant 16 : i32
    %add3A_385 = vector.broadcast %add3A_384 : i32 to vector<16xi32>
    %add3A_386 = arith.addi %max3A_380, %add3A_385 : vector<16xi32>
    %select_n3A_387 = arith.select %lt3A_383, %add3A_386, %max3A_380 : vector<16xi1>, vector<16xi32>
    %broadcast_in_dim3A_388 = vector.shape_cast %select_n3A_387 : vector<16xi32> to vector<16x1xi32>
    %gather3A_389 = vector.shape_cast %broadcast_in_dim3A_388 : vector<16x1xi32> to vector<16xi32>
    %gather3A_390 = tpu.dynamic_gather %add3A_374[%gather3A_389] in [0] : vector<16xi32>, vector<16xi32> -> vector<16xi32>
    %ge3A_391 = arith.constant 4 : i32
    %ge3A_392 = vector.broadcast %ge3A_391 : i32 to vector<16xi32>
    %ge3A_393 = arith.cmpi sge, %iota3A_328, %ge3A_392 : vector<16xi32>
    %jit3A_394 = arith.constant 0 : i32
    %broadcast_in_dim3A_395 = vector.broadcast %jit3A_394 : i32 to vector<16xi32>
    %select_n3A_396 = arith.select %ge3A_393, %gather3A_390, %broadcast_in_dim3A_395 : vector<16xi1>, vector<16xi32>
    %add3A_397 = arith.addi %add3A_374, %select_n3A_396 : vector<16xi32>
    %sub3A_398 = arith.constant 8 : i32
    %sub3A_399 = vector.broadcast %sub3A_398 : i32 to vector<16xi32>
    %sub3A_400 = arith.subi %iota3A_328, %sub3A_399 : vector<16xi32>
    %max3A_401 = arith.constant 0 : i32
    %max3A_402 = vector.broadcast %max3A_401 : i32 to vector<16xi32>
    %max3A_403 = arith.maxsi %sub3A_400, %max3A_402 : vector<16xi32>
    %lt3A_404 = arith.constant 0 : i32
    %lt3A_405 = vector.broadcast %lt3A_404 : i32 to vector<16xi32>
    %lt3A_406 = arith.cmpi slt, %max3A_403, %lt3A_405 : vector<16xi32>
    %add3A_407 = arith.constant 16 : i32
    %add3A_408 = vector.broadcast %add3A_407 : i32 to vector<16xi32>
    %add3A_409 = arith.addi %max3A_403, %add3A_408 : vector<16xi32>
    %select_n3A_410 = arith.select %lt3A_406, %add3A_409, %max3A_403 : vector<16xi1>, vector<16xi32>
    %broadcast_in_dim3A_411 = vector.shape_cast %select_n3A_410 : vector<16xi32> to vector<16x1xi32>
    %gather3A_412 = vector.shape_cast %broadcast_in_dim3A_411 : vector<16x1xi32> to vector<16xi32>
    %gather3A_413 = tpu.dynamic_gather %add3A_397[%gather3A_412] in [0] : vector<16xi32>, vector<16xi32> -> vector<16xi32>
    %ge3A_414 = arith.constant 8 : i32
    %ge3A_415 = vector.broadcast %ge3A_414 : i32 to vector<16xi32>
    %ge3A_416 = arith.cmpi sge, %iota3A_328, %ge3A_415 : vector<16xi32>
    %jit3A_417 = arith.constant 0 : i32
    %broadcast_in_dim3A_418 = vector.broadcast %jit3A_417 : i32 to vector<16xi32>
    %select_n3A_419 = arith.select %ge3A_416, %gather3A_413, %broadcast_in_dim3A_418 : vector<16xi1>, vector<16xi32>
    %add3A_420 = arith.addi %add3A_397, %select_n3A_419 : vector<16xi32>
    %broadcast_in_dim3A_421 = arith.constant 15 : i32
    %broadcast_in_dim3A_422 = vector.broadcast %broadcast_in_dim3A_421 : i32 to vector<16xi32>
    %lt3A_423 = arith.constant 0 : i32
    %lt3A_424 = vector.broadcast %lt3A_423 : i32 to vector<16xi32>
    %lt3A_425 = arith.cmpi slt, %broadcast_in_dim3A_422, %lt3A_424 : vector<16xi32>
    %add3A_426 = arith.constant 16 : i32
    %add3A_427 = vector.broadcast %add3A_426 : i32 to vector<16xi32>
    %add3A_428 = arith.addi %broadcast_in_dim3A_422, %add3A_427 : vector<16xi32>
    %select_n3A_429 = arith.select %lt3A_425, %add3A_428, %broadcast_in_dim3A_422 : vector<16xi1>, vector<16xi32>
    %broadcast_in_dim3A_430 = vector.shape_cast %select_n3A_429 : vector<16xi32> to vector<16x1xi32>
    %gather3A_431 = vector.shape_cast %broadcast_in_dim3A_430 : vector<16x1xi32> to vector<16xi32>
    %gather3A_432 = tpu.dynamic_gather %add3A_420[%gather3A_431] in [0] : vector<16xi32>, vector<16xi32> -> vector<16xi32>
    %eq3A_433 = arith.constant 3 : i32
    %eq3A_434 = vector.broadcast %eq3A_433 : i32 to vector<16xi32>
    %eq3A_435 = arith.cmpi eq, %iota3A, %eq3A_434 : vector<16xi32>
    %select_n3A_436 = arith.select %eq3A_435, %gather3A_432, %select_n3A_327 : vector<16xi1>, vector<16xi32>
    %iota3A_437 = tpu.iota {dimensions = array<i32: 0>} : vector<16xi32>
    %sub3A_438 = arith.constant 1 : i32
    %sub3A_439 = vector.broadcast %sub3A_438 : i32 to vector<16xi32>
    %sub3A_440 = arith.subi %iota3A_437, %sub3A_439 : vector<16xi32>
    %max3A_441 = arith.constant 0 : i32
    %max3A_442 = vector.broadcast %max3A_441 : i32 to vector<16xi32>
    %max3A_443 = arith.maxsi %sub3A_440, %max3A_442 : vector<16xi32>
    %lt3A_444 = arith.constant 0 : i32
    %lt3A_445 = vector.broadcast %lt3A_444 : i32 to vector<16xi32>
    %lt3A_446 = arith.cmpi slt, %max3A_443, %lt3A_445 : vector<16xi32>
    %add3A_447 = arith.constant 16 : i32
    %add3A_448 = vector.broadcast %add3A_447 : i32 to vector<16xi32>
    %add3A_449 = arith.addi %max3A_443, %add3A_448 : vector<16xi32>
    %select_n3A_450 = arith.select %lt3A_446, %add3A_449, %max3A_443 : vector<16xi1>, vector<16xi32>
    %broadcast_in_dim3A_451 = vector.shape_cast %select_n3A_450 : vector<16xi32> to vector<16x1xi32>
    %gather3A_452 = vector.shape_cast %broadcast_in_dim3A_451 : vector<16x1xi32> to vector<16xi32>
    %gather3A_453 = tpu.dynamic_gather %scan3A_7#4[%gather3A_452] in [0] : vector<16xi32>, vector<16xi32> -> vector<16xi32>
    %ge3A_454 = arith.constant 1 : i32
    %ge3A_455 = vector.broadcast %ge3A_454 : i32 to vector<16xi32>
    %ge3A_456 = arith.cmpi sge, %iota3A_437, %ge3A_455 : vector<16xi32>
    %jit3A_457 = arith.constant 0 : i32
    %broadcast_in_dim3A_458 = vector.broadcast %jit3A_457 : i32 to vector<16xi32>
    %select_n3A_459 = arith.select %ge3A_456, %gather3A_453, %broadcast_in_dim3A_458 : vector<16xi1>, vector<16xi32>
    %add3A_460 = arith.addi %scan3A_7#4, %select_n3A_459 : vector<16xi32>
    %sub3A_461 = arith.constant 2 : i32
    %sub3A_462 = vector.broadcast %sub3A_461 : i32 to vector<16xi32>
    %sub3A_463 = arith.subi %iota3A_437, %sub3A_462 : vector<16xi32>
    %max3A_464 = arith.constant 0 : i32
    %max3A_465 = vector.broadcast %max3A_464 : i32 to vector<16xi32>
    %max3A_466 = arith.maxsi %sub3A_463, %max3A_465 : vector<16xi32>
    %lt3A_467 = arith.constant 0 : i32
    %lt3A_468 = vector.broadcast %lt3A_467 : i32 to vector<16xi32>
    %lt3A_469 = arith.cmpi slt, %max3A_466, %lt3A_468 : vector<16xi32>
    %add3A_470 = arith.constant 16 : i32
    %add3A_471 = vector.broadcast %add3A_470 : i32 to vector<16xi32>
    %add3A_472 = arith.addi %max3A_466, %add3A_471 : vector<16xi32>
    %select_n3A_473 = arith.select %lt3A_469, %add3A_472, %max3A_466 : vector<16xi1>, vector<16xi32>
    %broadcast_in_dim3A_474 = vector.shape_cast %select_n3A_473 : vector<16xi32> to vector<16x1xi32>
    %gather3A_475 = vector.shape_cast %broadcast_in_dim3A_474 : vector<16x1xi32> to vector<16xi32>
    %gather3A_476 = tpu.dynamic_gather %add3A_460[%gather3A_475] in [0] : vector<16xi32>, vector<16xi32> -> vector<16xi32>
    %ge3A_477 = arith.constant 2 : i32
    %ge3A_478 = vector.broadcast %ge3A_477 : i32 to vector<16xi32>
    %ge3A_479 = arith.cmpi sge, %iota3A_437, %ge3A_478 : vector<16xi32>
    %jit3A_480 = arith.constant 0 : i32
    %broadcast_in_dim3A_481 = vector.broadcast %jit3A_480 : i32 to vector<16xi32>
    %select_n3A_482 = arith.select %ge3A_479, %gather3A_476, %broadcast_in_dim3A_481 : vector<16xi1>, vector<16xi32>
    %add3A_483 = arith.addi %add3A_460, %select_n3A_482 : vector<16xi32>
    %sub3A_484 = arith.constant 4 : i32
    %sub3A_485 = vector.broadcast %sub3A_484 : i32 to vector<16xi32>
    %sub3A_486 = arith.subi %iota3A_437, %sub3A_485 : vector<16xi32>
    %max3A_487 = arith.constant 0 : i32
    %max3A_488 = vector.broadcast %max3A_487 : i32 to vector<16xi32>
    %max3A_489 = arith.maxsi %sub3A_486, %max3A_488 : vector<16xi32>
    %lt3A_490 = arith.constant 0 : i32
    %lt3A_491 = vector.broadcast %lt3A_490 : i32 to vector<16xi32>
    %lt3A_492 = arith.cmpi slt, %max3A_489, %lt3A_491 : vector<16xi32>
    %add3A_493 = arith.constant 16 : i32
    %add3A_494 = vector.broadcast %add3A_493 : i32 to vector<16xi32>
    %add3A_495 = arith.addi %max3A_489, %add3A_494 : vector<16xi32>
    %select_n3A_496 = arith.select %lt3A_492, %add3A_495, %max3A_489 : vector<16xi1>, vector<16xi32>
    %broadcast_in_dim3A_497 = vector.shape_cast %select_n3A_496 : vector<16xi32> to vector<16x1xi32>
    %gather3A_498 = vector.shape_cast %broadcast_in_dim3A_497 : vector<16x1xi32> to vector<16xi32>
    %gather3A_499 = tpu.dynamic_gather %add3A_483[%gather3A_498] in [0] : vector<16xi32>, vector<16xi32> -> vector<16xi32>
    %ge3A_500 = arith.constant 4 : i32
    %ge3A_501 = vector.broadcast %ge3A_500 : i32 to vector<16xi32>
    %ge3A_502 = arith.cmpi sge, %iota3A_437, %ge3A_501 : vector<16xi32>
    %jit3A_503 = arith.constant 0 : i32
    %broadcast_in_dim3A_504 = vector.broadcast %jit3A_503 : i32 to vector<16xi32>
    %select_n3A_505 = arith.select %ge3A_502, %gather3A_499, %broadcast_in_dim3A_504 : vector<16xi1>, vector<16xi32>
    %add3A_506 = arith.addi %add3A_483, %select_n3A_505 : vector<16xi32>
    %sub3A_507 = arith.constant 8 : i32
    %sub3A_508 = vector.broadcast %sub3A_507 : i32 to vector<16xi32>
    %sub3A_509 = arith.subi %iota3A_437, %sub3A_508 : vector<16xi32>
    %max3A_510 = arith.constant 0 : i32
    %max3A_511 = vector.broadcast %max3A_510 : i32 to vector<16xi32>
    %max3A_512 = arith.maxsi %sub3A_509, %max3A_511 : vector<16xi32>
    %lt3A_513 = arith.constant 0 : i32
    %lt3A_514 = vector.broadcast %lt3A_513 : i32 to vector<16xi32>
    %lt3A_515 = arith.cmpi slt, %max3A_512, %lt3A_514 : vector<16xi32>
    %add3A_516 = arith.constant 16 : i32
    %add3A_517 = vector.broadcast %add3A_516 : i32 to vector<16xi32>
    %add3A_518 = arith.addi %max3A_512, %add3A_517 : vector<16xi32>
    %select_n3A_519 = arith.select %lt3A_515, %add3A_518, %max3A_512 : vector<16xi1>, vector<16xi32>
    %broadcast_in_dim3A_520 = vector.shape_cast %select_n3A_519 : vector<16xi32> to vector<16x1xi32>
    %gather3A_521 = vector.shape_cast %broadcast_in_dim3A_520 : vector<16x1xi32> to vector<16xi32>
    %gather3A_522 = tpu.dynamic_gather %add3A_506[%gather3A_521] in [0] : vector<16xi32>, vector<16xi32> -> vector<16xi32>
    %ge3A_523 = arith.constant 8 : i32
    %ge3A_524 = vector.broadcast %ge3A_523 : i32 to vector<16xi32>
    %ge3A_525 = arith.cmpi sge, %iota3A_437, %ge3A_524 : vector<16xi32>
    %jit3A_526 = arith.constant 0 : i32
    %broadcast_in_dim3A_527 = vector.broadcast %jit3A_526 : i32 to vector<16xi32>
    %select_n3A_528 = arith.select %ge3A_525, %gather3A_522, %broadcast_in_dim3A_527 : vector<16xi1>, vector<16xi32>
    %add3A_529 = arith.addi %add3A_506, %select_n3A_528 : vector<16xi32>
    %broadcast_in_dim3A_530 = arith.constant 15 : i32
    %broadcast_in_dim3A_531 = vector.broadcast %broadcast_in_dim3A_530 : i32 to vector<16xi32>
    %lt3A_532 = arith.constant 0 : i32
    %lt3A_533 = vector.broadcast %lt3A_532 : i32 to vector<16xi32>
    %lt3A_534 = arith.cmpi slt, %broadcast_in_dim3A_531, %lt3A_533 : vector<16xi32>
    %add3A_535 = arith.constant 16 : i32
    %add3A_536 = vector.broadcast %add3A_535 : i32 to vector<16xi32>
    %add3A_537 = arith.addi %broadcast_in_dim3A_531, %add3A_536 : vector<16xi32>
    %select_n3A_538 = arith.select %lt3A_534, %add3A_537, %broadcast_in_dim3A_531 : vector<16xi1>, vector<16xi32>
    %broadcast_in_dim3A_539 = vector.shape_cast %select_n3A_538 : vector<16xi32> to vector<16x1xi32>
    %gather3A_540 = vector.shape_cast %broadcast_in_dim3A_539 : vector<16x1xi32> to vector<16xi32>
    %gather3A_541 = tpu.dynamic_gather %add3A_529[%gather3A_540] in [0] : vector<16xi32>, vector<16xi32> -> vector<16xi32>
    %eq3A_542 = arith.constant 4 : i32
    %eq3A_543 = vector.broadcast %eq3A_542 : i32 to vector<16xi32>
    %eq3A_544 = arith.cmpi eq, %iota3A, %eq3A_543 : vector<16xi32>
    %select_n3A_545 = arith.select %eq3A_544, %gather3A_541, %select_n3A_436 : vector<16xi1>, vector<16xi32>
    %iota3A_546 = tpu.iota {dimensions = array<i32: 0>} : vector<16xi32>
    %sub3A_547 = arith.constant 1 : i32
    %sub3A_548 = vector.broadcast %sub3A_547 : i32 to vector<16xi32>
    %sub3A_549 = arith.subi %iota3A_546, %sub3A_548 : vector<16xi32>
    %max3A_550 = arith.constant 0 : i32
    %max3A_551 = vector.broadcast %max3A_550 : i32 to vector<16xi32>
    %max3A_552 = arith.maxsi %sub3A_549, %max3A_551 : vector<16xi32>
    %lt3A_553 = arith.constant 0 : i32
    %lt3A_554 = vector.broadcast %lt3A_553 : i32 to vector<16xi32>
    %lt3A_555 = arith.cmpi slt, %max3A_552, %lt3A_554 : vector<16xi32>
    %add3A_556 = arith.constant 16 : i32
    %add3A_557 = vector.broadcast %add3A_556 : i32 to vector<16xi32>
    %add3A_558 = arith.addi %max3A_552, %add3A_557 : vector<16xi32>
    %select_n3A_559 = arith.select %lt3A_555, %add3A_558, %max3A_552 : vector<16xi1>, vector<16xi32>
    %broadcast_in_dim3A_560 = vector.shape_cast %select_n3A_559 : vector<16xi32> to vector<16x1xi32>
    %gather3A_561 = vector.shape_cast %broadcast_in_dim3A_560 : vector<16x1xi32> to vector<16xi32>
    %gather3A_562 = tpu.dynamic_gather %scan3A_7#5[%gather3A_561] in [0] : vector<16xi32>, vector<16xi32> -> vector<16xi32>
    %ge3A_563 = arith.constant 1 : i32
    %ge3A_564 = vector.broadcast %ge3A_563 : i32 to vector<16xi32>
    %ge3A_565 = arith.cmpi sge, %iota3A_546, %ge3A_564 : vector<16xi32>
    %jit3A_566 = arith.constant 0 : i32
    %broadcast_in_dim3A_567 = vector.broadcast %jit3A_566 : i32 to vector<16xi32>
    %select_n3A_568 = arith.select %ge3A_565, %gather3A_562, %broadcast_in_dim3A_567 : vector<16xi1>, vector<16xi32>
    %add3A_569 = arith.addi %scan3A_7#5, %select_n3A_568 : vector<16xi32>
    %sub3A_570 = arith.constant 2 : i32
    %sub3A_571 = vector.broadcast %sub3A_570 : i32 to vector<16xi32>
    %sub3A_572 = arith.subi %iota3A_546, %sub3A_571 : vector<16xi32>
    %max3A_573 = arith.constant 0 : i32
    %max3A_574 = vector.broadcast %max3A_573 : i32 to vector<16xi32>
    %max3A_575 = arith.maxsi %sub3A_572, %max3A_574 : vector<16xi32>
    %lt3A_576 = arith.constant 0 : i32
    %lt3A_577 = vector.broadcast %lt3A_576 : i32 to vector<16xi32>
    %lt3A_578 = arith.cmpi slt, %max3A_575, %lt3A_577 : vector<16xi32>
    %add3A_579 = arith.constant 16 : i32
    %add3A_580 = vector.broadcast %add3A_579 : i32 to vector<16xi32>
    %add3A_581 = arith.addi %max3A_575, %add3A_580 : vector<16xi32>
    %select_n3A_582 = arith.select %lt3A_578, %add3A_581, %max3A_575 : vector<16xi1>, vector<16xi32>
    %broadcast_in_dim3A_583 = vector.shape_cast %select_n3A_582 : vector<16xi32> to vector<16x1xi32>
    %gather3A_584 = vector.shape_cast %broadcast_in_dim3A_583 : vector<16x1xi32> to vector<16xi32>
    %gather3A_585 = tpu.dynamic_gather %add3A_569[%gather3A_584] in [0] : vector<16xi32>, vector<16xi32> -> vector<16xi32>
    %ge3A_586 = arith.constant 2 : i32
    %ge3A_587 = vector.broadcast %ge3A_586 : i32 to vector<16xi32>
    %ge3A_588 = arith.cmpi sge, %iota3A_546, %ge3A_587 : vector<16xi32>
    %jit3A_589 = arith.constant 0 : i32
    %broadcast_in_dim3A_590 = vector.broadcast %jit3A_589 : i32 to vector<16xi32>
    %select_n3A_591 = arith.select %ge3A_588, %gather3A_585, %broadcast_in_dim3A_590 : vector<16xi1>, vector<16xi32>
    %add3A_592 = arith.addi %add3A_569, %select_n3A_591 : vector<16xi32>
    %sub3A_593 = arith.constant 4 : i32
    %sub3A_594 = vector.broadcast %sub3A_593 : i32 to vector<16xi32>
    %sub3A_595 = arith.subi %iota3A_546, %sub3A_594 : vector<16xi32>
    %max3A_596 = arith.constant 0 : i32
    %max3A_597 = vector.broadcast %max3A_596 : i32 to vector<16xi32>
    %max3A_598 = arith.maxsi %sub3A_595, %max3A_597 : vector<16xi32>
    %lt3A_599 = arith.constant 0 : i32
    %lt3A_600 = vector.broadcast %lt3A_599 : i32 to vector<16xi32>
    %lt3A_601 = arith.cmpi slt, %max3A_598, %lt3A_600 : vector<16xi32>
    %add3A_602 = arith.constant 16 : i32
    %add3A_603 = vector.broadcast %add3A_602 : i32 to vector<16xi32>
    %add3A_604 = arith.addi %max3A_598, %add3A_603 : vector<16xi32>
    %select_n3A_605 = arith.select %lt3A_601, %add3A_604, %max3A_598 : vector<16xi1>, vector<16xi32>
    %broadcast_in_dim3A_606 = vector.shape_cast %select_n3A_605 : vector<16xi32> to vector<16x1xi32>
    %gather3A_607 = vector.shape_cast %broadcast_in_dim3A_606 : vector<16x1xi32> to vector<16xi32>
    %gather3A_608 = tpu.dynamic_gather %add3A_592[%gather3A_607] in [0] : vector<16xi32>, vector<16xi32> -> vector<16xi32>
    %ge3A_609 = arith.constant 4 : i32
    %ge3A_610 = vector.broadcast %ge3A_609 : i32 to vector<16xi32>
    %ge3A_611 = arith.cmpi sge, %iota3A_546, %ge3A_610 : vector<16xi32>
    %jit3A_612 = arith.constant 0 : i32
    %broadcast_in_dim3A_613 = vector.broadcast %jit3A_612 : i32 to vector<16xi32>
    %select_n3A_614 = arith.select %ge3A_611, %gather3A_608, %broadcast_in_dim3A_613 : vector<16xi1>, vector<16xi32>
    %add3A_615 = arith.addi %add3A_592, %select_n3A_614 : vector<16xi32>
    %sub3A_616 = arith.constant 8 : i32
    %sub3A_617 = vector.broadcast %sub3A_616 : i32 to vector<16xi32>
    %sub3A_618 = arith.subi %iota3A_546, %sub3A_617 : vector<16xi32>
    %max3A_619 = arith.constant 0 : i32
    %max3A_620 = vector.broadcast %max3A_619 : i32 to vector<16xi32>
    %max3A_621 = arith.maxsi %sub3A_618, %max3A_620 : vector<16xi32>
    %lt3A_622 = arith.constant 0 : i32
    %lt3A_623 = vector.broadcast %lt3A_622 : i32 to vector<16xi32>
    %lt3A_624 = arith.cmpi slt, %max3A_621, %lt3A_623 : vector<16xi32>
    %add3A_625 = arith.constant 16 : i32
    %add3A_626 = vector.broadcast %add3A_625 : i32 to vector<16xi32>
    %add3A_627 = arith.addi %max3A_621, %add3A_626 : vector<16xi32>
    %select_n3A_628 = arith.select %lt3A_624, %add3A_627, %max3A_621 : vector<16xi1>, vector<16xi32>
    %broadcast_in_dim3A_629 = vector.shape_cast %select_n3A_628 : vector<16xi32> to vector<16x1xi32>
    %gather3A_630 = vector.shape_cast %broadcast_in_dim3A_629 : vector<16x1xi32> to vector<16xi32>
    %gather3A_631 = tpu.dynamic_gather %add3A_615[%gather3A_630] in [0] : vector<16xi32>, vector<16xi32> -> vector<16xi32>
    %ge3A_632 = arith.constant 8 : i32
    %ge3A_633 = vector.broadcast %ge3A_632 : i32 to vector<16xi32>
    %ge3A_634 = arith.cmpi sge, %iota3A_546, %ge3A_633 : vector<16xi32>
    %jit3A_635 = arith.constant 0 : i32
    %broadcast_in_dim3A_636 = vector.broadcast %jit3A_635 : i32 to vector<16xi32>
    %select_n3A_637 = arith.select %ge3A_634, %gather3A_631, %broadcast_in_dim3A_636 : vector<16xi1>, vector<16xi32>
    %add3A_638 = arith.addi %add3A_615, %select_n3A_637 : vector<16xi32>
    %broadcast_in_dim3A_639 = arith.constant 15 : i32
    %broadcast_in_dim3A_640 = vector.broadcast %broadcast_in_dim3A_639 : i32 to vector<16xi32>
    %lt3A_641 = arith.constant 0 : i32
    %lt3A_642 = vector.broadcast %lt3A_641 : i32 to vector<16xi32>
    %lt3A_643 = arith.cmpi slt, %broadcast_in_dim3A_640, %lt3A_642 : vector<16xi32>
    %add3A_644 = arith.constant 16 : i32
    %add3A_645 = vector.broadcast %add3A_644 : i32 to vector<16xi32>
    %add3A_646 = arith.addi %broadcast_in_dim3A_640, %add3A_645 : vector<16xi32>
    %select_n3A_647 = arith.select %lt3A_643, %add3A_646, %broadcast_in_dim3A_640 : vector<16xi1>, vector<16xi32>
    %broadcast_in_dim3A_648 = vector.shape_cast %select_n3A_647 : vector<16xi32> to vector<16x1xi32>
    %gather3A_649 = vector.shape_cast %broadcast_in_dim3A_648 : vector<16x1xi32> to vector<16xi32>
    %gather3A_650 = tpu.dynamic_gather %add3A_638[%gather3A_649] in [0] : vector<16xi32>, vector<16xi32> -> vector<16xi32>
    %eq3A_651 = arith.constant 5 : i32
    %eq3A_652 = vector.broadcast %eq3A_651 : i32 to vector<16xi32>
    %eq3A_653 = arith.cmpi eq, %iota3A, %eq3A_652 : vector<16xi32>
    %select_n3A_654 = arith.select %eq3A_653, %gather3A_650, %select_n3A_545 : vector<16xi1>, vector<16xi32>
    %iota3A_655 = tpu.iota {dimensions = array<i32: 0>} : vector<16xi32>
    %sub3A_656 = arith.constant 1 : i32
    %sub3A_657 = vector.broadcast %sub3A_656 : i32 to vector<16xi32>
    %sub3A_658 = arith.subi %iota3A_655, %sub3A_657 : vector<16xi32>
    %max3A_659 = arith.constant 0 : i32
    %max3A_660 = vector.broadcast %max3A_659 : i32 to vector<16xi32>
    %max3A_661 = arith.maxsi %sub3A_658, %max3A_660 : vector<16xi32>
    %lt3A_662 = arith.constant 0 : i32
    %lt3A_663 = vector.broadcast %lt3A_662 : i32 to vector<16xi32>
    %lt3A_664 = arith.cmpi slt, %max3A_661, %lt3A_663 : vector<16xi32>
    %add3A_665 = arith.constant 16 : i32
    %add3A_666 = vector.broadcast %add3A_665 : i32 to vector<16xi32>
    %add3A_667 = arith.addi %max3A_661, %add3A_666 : vector<16xi32>
    %select_n3A_668 = arith.select %lt3A_664, %add3A_667, %max3A_661 : vector<16xi1>, vector<16xi32>
    %broadcast_in_dim3A_669 = vector.shape_cast %select_n3A_668 : vector<16xi32> to vector<16x1xi32>
    %gather3A_670 = vector.shape_cast %broadcast_in_dim3A_669 : vector<16x1xi32> to vector<16xi32>
    %gather3A_671 = tpu.dynamic_gather %scan3A_7#6[%gather3A_670] in [0] : vector<16xi32>, vector<16xi32> -> vector<16xi32>
    %ge3A_672 = arith.constant 1 : i32
    %ge3A_673 = vector.broadcast %ge3A_672 : i32 to vector<16xi32>
    %ge3A_674 = arith.cmpi sge, %iota3A_655, %ge3A_673 : vector<16xi32>
    %jit3A_675 = arith.constant 0 : i32
    %broadcast_in_dim3A_676 = vector.broadcast %jit3A_675 : i32 to vector<16xi32>
    %select_n3A_677 = arith.select %ge3A_674, %gather3A_671, %broadcast_in_dim3A_676 : vector<16xi1>, vector<16xi32>
    %add3A_678 = arith.addi %scan3A_7#6, %select_n3A_677 : vector<16xi32>
    %sub3A_679 = arith.constant 2 : i32
    %sub3A_680 = vector.broadcast %sub3A_679 : i32 to vector<16xi32>
    %sub3A_681 = arith.subi %iota3A_655, %sub3A_680 : vector<16xi32>
    %max3A_682 = arith.constant 0 : i32
    %max3A_683 = vector.broadcast %max3A_682 : i32 to vector<16xi32>
    %max3A_684 = arith.maxsi %sub3A_681, %max3A_683 : vector<16xi32>
    %lt3A_685 = arith.constant 0 : i32
    %lt3A_686 = vector.broadcast %lt3A_685 : i32 to vector<16xi32>
    %lt3A_687 = arith.cmpi slt, %max3A_684, %lt3A_686 : vector<16xi32>
    %add3A_688 = arith.constant 16 : i32
    %add3A_689 = vector.broadcast %add3A_688 : i32 to vector<16xi32>
    %add3A_690 = arith.addi %max3A_684, %add3A_689 : vector<16xi32>
    %select_n3A_691 = arith.select %lt3A_687, %add3A_690, %max3A_684 : vector<16xi1>, vector<16xi32>
    %broadcast_in_dim3A_692 = vector.shape_cast %select_n3A_691 : vector<16xi32> to vector<16x1xi32>
    %gather3A_693 = vector.shape_cast %broadcast_in_dim3A_692 : vector<16x1xi32> to vector<16xi32>
    %gather3A_694 = tpu.dynamic_gather %add3A_678[%gather3A_693] in [0] : vector<16xi32>, vector<16xi32> -> vector<16xi32>
    %ge3A_695 = arith.constant 2 : i32
    %ge3A_696 = vector.broadcast %ge3A_695 : i32 to vector<16xi32>
    %ge3A_697 = arith.cmpi sge, %iota3A_655, %ge3A_696 : vector<16xi32>
    %jit3A_698 = arith.constant 0 : i32
    %broadcast_in_dim3A_699 = vector.broadcast %jit3A_698 : i32 to vector<16xi32>
    %select_n3A_700 = arith.select %ge3A_697, %gather3A_694, %broadcast_in_dim3A_699 : vector<16xi1>, vector<16xi32>
    %add3A_701 = arith.addi %add3A_678, %select_n3A_700 : vector<16xi32>
    %sub3A_702 = arith.constant 4 : i32
    %sub3A_703 = vector.broadcast %sub3A_702 : i32 to vector<16xi32>
    %sub3A_704 = arith.subi %iota3A_655, %sub3A_703 : vector<16xi32>
    %max3A_705 = arith.constant 0 : i32
    %max3A_706 = vector.broadcast %max3A_705 : i32 to vector<16xi32>
    %max3A_707 = arith.maxsi %sub3A_704, %max3A_706 : vector<16xi32>
    %lt3A_708 = arith.constant 0 : i32
    %lt3A_709 = vector.broadcast %lt3A_708 : i32 to vector<16xi32>
    %lt3A_710 = arith.cmpi slt, %max3A_707, %lt3A_709 : vector<16xi32>
    %add3A_711 = arith.constant 16 : i32
    %add3A_712 = vector.broadcast %add3A_711 : i32 to vector<16xi32>
    %add3A_713 = arith.addi %max3A_707, %add3A_712 : vector<16xi32>
    %select_n3A_714 = arith.select %lt3A_710, %add3A_713, %max3A_707 : vector<16xi1>, vector<16xi32>
    %broadcast_in_dim3A_715 = vector.shape_cast %select_n3A_714 : vector<16xi32> to vector<16x1xi32>
    %gather3A_716 = vector.shape_cast %broadcast_in_dim3A_715 : vector<16x1xi32> to vector<16xi32>
    %gather3A_717 = tpu.dynamic_gather %add3A_701[%gather3A_716] in [0] : vector<16xi32>, vector<16xi32> -> vector<16xi32>
    %ge3A_718 = arith.constant 4 : i32
    %ge3A_719 = vector.broadcast %ge3A_718 : i32 to vector<16xi32>
    %ge3A_720 = arith.cmpi sge, %iota3A_655, %ge3A_719 : vector<16xi32>
    %jit3A_721 = arith.constant 0 : i32
    %broadcast_in_dim3A_722 = vector.broadcast %jit3A_721 : i32 to vector<16xi32>
    %select_n3A_723 = arith.select %ge3A_720, %gather3A_717, %broadcast_in_dim3A_722 : vector<16xi1>, vector<16xi32>
    %add3A_724 = arith.addi %add3A_701, %select_n3A_723 : vector<16xi32>
    %sub3A_725 = arith.constant 8 : i32
    %sub3A_726 = vector.broadcast %sub3A_725 : i32 to vector<16xi32>
    %sub3A_727 = arith.subi %iota3A_655, %sub3A_726 : vector<16xi32>
    %max3A_728 = arith.constant 0 : i32
    %max3A_729 = vector.broadcast %max3A_728 : i32 to vector<16xi32>
    %max3A_730 = arith.maxsi %sub3A_727, %max3A_729 : vector<16xi32>
    %lt3A_731 = arith.constant 0 : i32
    %lt3A_732 = vector.broadcast %lt3A_731 : i32 to vector<16xi32>
    %lt3A_733 = arith.cmpi slt, %max3A_730, %lt3A_732 : vector<16xi32>
    %add3A_734 = arith.constant 16 : i32
    %add3A_735 = vector.broadcast %add3A_734 : i32 to vector<16xi32>
    %add3A_736 = arith.addi %max3A_730, %add3A_735 : vector<16xi32>
    %select_n3A_737 = arith.select %lt3A_733, %add3A_736, %max3A_730 : vector<16xi1>, vector<16xi32>
    %broadcast_in_dim3A_738 = vector.shape_cast %select_n3A_737 : vector<16xi32> to vector<16x1xi32>
    %gather3A_739 = vector.shape_cast %broadcast_in_dim3A_738 : vector<16x1xi32> to vector<16xi32>
    %gather3A_740 = tpu.dynamic_gather %add3A_724[%gather3A_739] in [0] : vector<16xi32>, vector<16xi32> -> vector<16xi32>
    %ge3A_741 = arith.constant 8 : i32
    %ge3A_742 = vector.broadcast %ge3A_741 : i32 to vector<16xi32>
    %ge3A_743 = arith.cmpi sge, %iota3A_655, %ge3A_742 : vector<16xi32>
    %jit3A_744 = arith.constant 0 : i32
    %broadcast_in_dim3A_745 = vector.broadcast %jit3A_744 : i32 to vector<16xi32>
    %select_n3A_746 = arith.select %ge3A_743, %gather3A_740, %broadcast_in_dim3A_745 : vector<16xi1>, vector<16xi32>
    %add3A_747 = arith.addi %add3A_724, %select_n3A_746 : vector<16xi32>
    %broadcast_in_dim3A_748 = arith.constant 15 : i32
    %broadcast_in_dim3A_749 = vector.broadcast %broadcast_in_dim3A_748 : i32 to vector<16xi32>
    %lt3A_750 = arith.constant 0 : i32
    %lt3A_751 = vector.broadcast %lt3A_750 : i32 to vector<16xi32>
    %lt3A_752 = arith.cmpi slt, %broadcast_in_dim3A_749, %lt3A_751 : vector<16xi32>
    %add3A_753 = arith.constant 16 : i32
    %add3A_754 = vector.broadcast %add3A_753 : i32 to vector<16xi32>
    %add3A_755 = arith.addi %broadcast_in_dim3A_749, %add3A_754 : vector<16xi32>
    %select_n3A_756 = arith.select %lt3A_752, %add3A_755, %broadcast_in_dim3A_749 : vector<16xi1>, vector<16xi32>
    %broadcast_in_dim3A_757 = vector.shape_cast %select_n3A_756 : vector<16xi32> to vector<16x1xi32>
    %gather3A_758 = vector.shape_cast %broadcast_in_dim3A_757 : vector<16x1xi32> to vector<16xi32>
    %gather3A_759 = tpu.dynamic_gather %add3A_747[%gather3A_758] in [0] : vector<16xi32>, vector<16xi32> -> vector<16xi32>
    %eq3A_760 = arith.constant 6 : i32
    %eq3A_761 = vector.broadcast %eq3A_760 : i32 to vector<16xi32>
    %eq3A_762 = arith.cmpi eq, %iota3A, %eq3A_761 : vector<16xi32>
    %select_n3A_763 = arith.select %eq3A_762, %gather3A_759, %select_n3A_654 : vector<16xi1>, vector<16xi32>
    %iota3A_764 = tpu.iota {dimensions = array<i32: 0>} : vector<16xi32>
    %sub3A_765 = arith.constant 1 : i32
    %sub3A_766 = vector.broadcast %sub3A_765 : i32 to vector<16xi32>
    %sub3A_767 = arith.subi %iota3A_764, %sub3A_766 : vector<16xi32>
    %max3A_768 = arith.constant 0 : i32
    %max3A_769 = vector.broadcast %max3A_768 : i32 to vector<16xi32>
    %max3A_770 = arith.maxsi %sub3A_767, %max3A_769 : vector<16xi32>
    %lt3A_771 = arith.constant 0 : i32
    %lt3A_772 = vector.broadcast %lt3A_771 : i32 to vector<16xi32>
    %lt3A_773 = arith.cmpi slt, %max3A_770, %lt3A_772 : vector<16xi32>
    %add3A_774 = arith.constant 16 : i32
    %add3A_775 = vector.broadcast %add3A_774 : i32 to vector<16xi32>
    %add3A_776 = arith.addi %max3A_770, %add3A_775 : vector<16xi32>
    %select_n3A_777 = arith.select %lt3A_773, %add3A_776, %max3A_770 : vector<16xi1>, vector<16xi32>
    %broadcast_in_dim3A_778 = vector.shape_cast %select_n3A_777 : vector<16xi32> to vector<16x1xi32>
    %gather3A_779 = vector.shape_cast %broadcast_in_dim3A_778 : vector<16x1xi32> to vector<16xi32>
    %gather3A_780 = tpu.dynamic_gather %scan3A_7#7[%gather3A_779] in [0] : vector<16xi32>, vector<16xi32> -> vector<16xi32>
    %ge3A_781 = arith.constant 1 : i32
    %ge3A_782 = vector.broadcast %ge3A_781 : i32 to vector<16xi32>
    %ge3A_783 = arith.cmpi sge, %iota3A_764, %ge3A_782 : vector<16xi32>
    %jit3A_784 = arith.constant 0 : i32
    %broadcast_in_dim3A_785 = vector.broadcast %jit3A_784 : i32 to vector<16xi32>
    %select_n3A_786 = arith.select %ge3A_783, %gather3A_780, %broadcast_in_dim3A_785 : vector<16xi1>, vector<16xi32>
    %add3A_787 = arith.addi %scan3A_7#7, %select_n3A_786 : vector<16xi32>
    %sub3A_788 = arith.constant 2 : i32
    %sub3A_789 = vector.broadcast %sub3A_788 : i32 to vector<16xi32>
    %sub3A_790 = arith.subi %iota3A_764, %sub3A_789 : vector<16xi32>
    %max3A_791 = arith.constant 0 : i32
    %max3A_792 = vector.broadcast %max3A_791 : i32 to vector<16xi32>
    %max3A_793 = arith.maxsi %sub3A_790, %max3A_792 : vector<16xi32>
    %lt3A_794 = arith.constant 0 : i32
    %lt3A_795 = vector.broadcast %lt3A_794 : i32 to vector<16xi32>
    %lt3A_796 = arith.cmpi slt, %max3A_793, %lt3A_795 : vector<16xi32>
    %add3A_797 = arith.constant 16 : i32
    %add3A_798 = vector.broadcast %add3A_797 : i32 to vector<16xi32>
    %add3A_799 = arith.addi %max3A_793, %add3A_798 : vector<16xi32>
    %select_n3A_800 = arith.select %lt3A_796, %add3A_799, %max3A_793 : vector<16xi1>, vector<16xi32>
    %broadcast_in_dim3A_801 = vector.shape_cast %select_n3A_800 : vector<16xi32> to vector<16x1xi32>
    %gather3A_802 = vector.shape_cast %broadcast_in_dim3A_801 : vector<16x1xi32> to vector<16xi32>
    %gather3A_803 = tpu.dynamic_gather %add3A_787[%gather3A_802] in [0] : vector<16xi32>, vector<16xi32> -> vector<16xi32>
    %ge3A_804 = arith.constant 2 : i32
    %ge3A_805 = vector.broadcast %ge3A_804 : i32 to vector<16xi32>
    %ge3A_806 = arith.cmpi sge, %iota3A_764, %ge3A_805 : vector<16xi32>
    %jit3A_807 = arith.constant 0 : i32
    %broadcast_in_dim3A_808 = vector.broadcast %jit3A_807 : i32 to vector<16xi32>
    %select_n3A_809 = arith.select %ge3A_806, %gather3A_803, %broadcast_in_dim3A_808 : vector<16xi1>, vector<16xi32>
    %add3A_810 = arith.addi %add3A_787, %select_n3A_809 : vector<16xi32>
    %sub3A_811 = arith.constant 4 : i32
    %sub3A_812 = vector.broadcast %sub3A_811 : i32 to vector<16xi32>
    %sub3A_813 = arith.subi %iota3A_764, %sub3A_812 : vector<16xi32>
    %max3A_814 = arith.constant 0 : i32
    %max3A_815 = vector.broadcast %max3A_814 : i32 to vector<16xi32>
    %max3A_816 = arith.maxsi %sub3A_813, %max3A_815 : vector<16xi32>
    %lt3A_817 = arith.constant 0 : i32
    %lt3A_818 = vector.broadcast %lt3A_817 : i32 to vector<16xi32>
    %lt3A_819 = arith.cmpi slt, %max3A_816, %lt3A_818 : vector<16xi32>
    %add3A_820 = arith.constant 16 : i32
    %add3A_821 = vector.broadcast %add3A_820 : i32 to vector<16xi32>
    %add3A_822 = arith.addi %max3A_816, %add3A_821 : vector<16xi32>
    %select_n3A_823 = arith.select %lt3A_819, %add3A_822, %max3A_816 : vector<16xi1>, vector<16xi32>
    %broadcast_in_dim3A_824 = vector.shape_cast %select_n3A_823 : vector<16xi32> to vector<16x1xi32>
    %gather3A_825 = vector.shape_cast %broadcast_in_dim3A_824 : vector<16x1xi32> to vector<16xi32>
    %gather3A_826 = tpu.dynamic_gather %add3A_810[%gather3A_825] in [0] : vector<16xi32>, vector<16xi32> -> vector<16xi32>
    %ge3A_827 = arith.constant 4 : i32
    %ge3A_828 = vector.broadcast %ge3A_827 : i32 to vector<16xi32>
    %ge3A_829 = arith.cmpi sge, %iota3A_764, %ge3A_828 : vector<16xi32>
    %jit3A_830 = arith.constant 0 : i32
    %broadcast_in_dim3A_831 = vector.broadcast %jit3A_830 : i32 to vector<16xi32>
    %select_n3A_832 = arith.select %ge3A_829, %gather3A_826, %broadcast_in_dim3A_831 : vector<16xi1>, vector<16xi32>
    %add3A_833 = arith.addi %add3A_810, %select_n3A_832 : vector<16xi32>
    %sub3A_834 = arith.constant 8 : i32
    %sub3A_835 = vector.broadcast %sub3A_834 : i32 to vector<16xi32>
    %sub3A_836 = arith.subi %iota3A_764, %sub3A_835 : vector<16xi32>
    %max3A_837 = arith.constant 0 : i32
    %max3A_838 = vector.broadcast %max3A_837 : i32 to vector<16xi32>
    %max3A_839 = arith.maxsi %sub3A_836, %max3A_838 : vector<16xi32>
    %lt3A_840 = arith.constant 0 : i32
    %lt3A_841 = vector.broadcast %lt3A_840 : i32 to vector<16xi32>
    %lt3A_842 = arith.cmpi slt, %max3A_839, %lt3A_841 : vector<16xi32>
    %add3A_843 = arith.constant 16 : i32
    %add3A_844 = vector.broadcast %add3A_843 : i32 to vector<16xi32>
    %add3A_845 = arith.addi %max3A_839, %add3A_844 : vector<16xi32>
    %select_n3A_846 = arith.select %lt3A_842, %add3A_845, %max3A_839 : vector<16xi1>, vector<16xi32>
    %broadcast_in_dim3A_847 = vector.shape_cast %select_n3A_846 : vector<16xi32> to vector<16x1xi32>
    %gather3A_848 = vector.shape_cast %broadcast_in_dim3A_847 : vector<16x1xi32> to vector<16xi32>
    %gather3A_849 = tpu.dynamic_gather %add3A_833[%gather3A_848] in [0] : vector<16xi32>, vector<16xi32> -> vector<16xi32>
    %ge3A_850 = arith.constant 8 : i32
    %ge3A_851 = vector.broadcast %ge3A_850 : i32 to vector<16xi32>
    %ge3A_852 = arith.cmpi sge, %iota3A_764, %ge3A_851 : vector<16xi32>
    %jit3A_853 = arith.constant 0 : i32
    %broadcast_in_dim3A_854 = vector.broadcast %jit3A_853 : i32 to vector<16xi32>
    %select_n3A_855 = arith.select %ge3A_852, %gather3A_849, %broadcast_in_dim3A_854 : vector<16xi1>, vector<16xi32>
    %add3A_856 = arith.addi %add3A_833, %select_n3A_855 : vector<16xi32>
    %broadcast_in_dim3A_857 = arith.constant 15 : i32
    %broadcast_in_dim3A_858 = vector.broadcast %broadcast_in_dim3A_857 : i32 to vector<16xi32>
    %lt3A_859 = arith.constant 0 : i32
    %lt3A_860 = vector.broadcast %lt3A_859 : i32 to vector<16xi32>
    %lt3A_861 = arith.cmpi slt, %broadcast_in_dim3A_858, %lt3A_860 : vector<16xi32>
    %add3A_862 = arith.constant 16 : i32
    %add3A_863 = vector.broadcast %add3A_862 : i32 to vector<16xi32>
    %add3A_864 = arith.addi %broadcast_in_dim3A_858, %add3A_863 : vector<16xi32>
    %select_n3A_865 = arith.select %lt3A_861, %add3A_864, %broadcast_in_dim3A_858 : vector<16xi1>, vector<16xi32>
    %broadcast_in_dim3A_866 = vector.shape_cast %select_n3A_865 : vector<16xi32> to vector<16x1xi32>
    %gather3A_867 = vector.shape_cast %broadcast_in_dim3A_866 : vector<16x1xi32> to vector<16xi32>
    %gather3A_868 = tpu.dynamic_gather %add3A_856[%gather3A_867] in [0] : vector<16xi32>, vector<16xi32> -> vector<16xi32>
    %eq3A_869 = arith.constant 7 : i32
    %eq3A_870 = vector.broadcast %eq3A_869 : i32 to vector<16xi32>
    %eq3A_871 = arith.cmpi eq, %iota3A, %eq3A_870 : vector<16xi32>
    %select_n3A_872 = arith.select %eq3A_871, %gather3A_868, %select_n3A_763 : vector<16xi1>, vector<16xi32>
    %add3A_873 = arith.constant 255 : i32
    %add3A_874 = vector.broadcast %add3A_873 : i32 to vector<16xi32>
    %add3A_875 = arith.addi %select_n3A_872, %add3A_874 : vector<16xi32>
    %shift_right_arithmetic3A = arith.constant 8 : i32
    %shift_right_arithmetic3A_876 = vector.broadcast %shift_right_arithmetic3A : i32 to vector<16xi32>
    %shift_right_arithmetic3A_877 = arith.shrsi %add3A_875, %shift_right_arithmetic3A_876 : vector<16xi32>
    %iota3A_878 = tpu.iota {dimensions = array<i32: 0>} : vector<16xi32>
    %sub3A_879 = arith.constant 1 : i32
    %sub3A_880 = vector.broadcast %sub3A_879 : i32 to vector<16xi32>
    %sub3A_881 = arith.subi %iota3A_878, %sub3A_880 : vector<16xi32>
    %max3A_882 = arith.constant 0 : i32
    %max3A_883 = vector.broadcast %max3A_882 : i32 to vector<16xi32>
    %max3A_884 = arith.maxsi %sub3A_881, %max3A_883 : vector<16xi32>
    %lt3A_885 = arith.constant 0 : i32
    %lt3A_886 = vector.broadcast %lt3A_885 : i32 to vector<16xi32>
    %lt3A_887 = arith.cmpi slt, %max3A_884, %lt3A_886 : vector<16xi32>
    %add3A_888 = arith.constant 16 : i32
    %add3A_889 = vector.broadcast %add3A_888 : i32 to vector<16xi32>
    %add3A_890 = arith.addi %max3A_884, %add3A_889 : vector<16xi32>
    %select_n3A_891 = arith.select %lt3A_887, %add3A_890, %max3A_884 : vector<16xi1>, vector<16xi32>
    %broadcast_in_dim3A_892 = vector.shape_cast %select_n3A_891 : vector<16xi32> to vector<16x1xi32>
    %gather3A_893 = vector.shape_cast %broadcast_in_dim3A_892 : vector<16x1xi32> to vector<16xi32>
    %gather3A_894 = tpu.dynamic_gather %shift_right_arithmetic3A_877[%gather3A_893] in [0] : vector<16xi32>, vector<16xi32> -> vector<16xi32>
    %ge3A_895 = arith.constant 1 : i32
    %ge3A_896 = vector.broadcast %ge3A_895 : i32 to vector<16xi32>
    %ge3A_897 = arith.cmpi sge, %iota3A_878, %ge3A_896 : vector<16xi32>
    %jit3A_898 = arith.constant 0 : i32
    %broadcast_in_dim3A_899 = vector.broadcast %jit3A_898 : i32 to vector<16xi32>
    %select_n3A_900 = arith.select %ge3A_897, %gather3A_894, %broadcast_in_dim3A_899 : vector<16xi1>, vector<16xi32>
    %add3A_901 = arith.addi %shift_right_arithmetic3A_877, %select_n3A_900 : vector<16xi32>
    %sub3A_902 = arith.constant 2 : i32
    %sub3A_903 = vector.broadcast %sub3A_902 : i32 to vector<16xi32>
    %sub3A_904 = arith.subi %iota3A_878, %sub3A_903 : vector<16xi32>
    %max3A_905 = arith.constant 0 : i32
    %max3A_906 = vector.broadcast %max3A_905 : i32 to vector<16xi32>
    %max3A_907 = arith.maxsi %sub3A_904, %max3A_906 : vector<16xi32>
    %lt3A_908 = arith.constant 0 : i32
    %lt3A_909 = vector.broadcast %lt3A_908 : i32 to vector<16xi32>
    %lt3A_910 = arith.cmpi slt, %max3A_907, %lt3A_909 : vector<16xi32>
    %add3A_911 = arith.constant 16 : i32
    %add3A_912 = vector.broadcast %add3A_911 : i32 to vector<16xi32>
    %add3A_913 = arith.addi %max3A_907, %add3A_912 : vector<16xi32>
    %select_n3A_914 = arith.select %lt3A_910, %add3A_913, %max3A_907 : vector<16xi1>, vector<16xi32>
    %broadcast_in_dim3A_915 = vector.shape_cast %select_n3A_914 : vector<16xi32> to vector<16x1xi32>
    %gather3A_916 = vector.shape_cast %broadcast_in_dim3A_915 : vector<16x1xi32> to vector<16xi32>
    %gather3A_917 = tpu.dynamic_gather %add3A_901[%gather3A_916] in [0] : vector<16xi32>, vector<16xi32> -> vector<16xi32>
    %ge3A_918 = arith.constant 2 : i32
    %ge3A_919 = vector.broadcast %ge3A_918 : i32 to vector<16xi32>
    %ge3A_920 = arith.cmpi sge, %iota3A_878, %ge3A_919 : vector<16xi32>
    %jit3A_921 = arith.constant 0 : i32
    %broadcast_in_dim3A_922 = vector.broadcast %jit3A_921 : i32 to vector<16xi32>
    %select_n3A_923 = arith.select %ge3A_920, %gather3A_917, %broadcast_in_dim3A_922 : vector<16xi1>, vector<16xi32>
    %add3A_924 = arith.addi %add3A_901, %select_n3A_923 : vector<16xi32>
    %sub3A_925 = arith.constant 4 : i32
    %sub3A_926 = vector.broadcast %sub3A_925 : i32 to vector<16xi32>
    %sub3A_927 = arith.subi %iota3A_878, %sub3A_926 : vector<16xi32>
    %max3A_928 = arith.constant 0 : i32
    %max3A_929 = vector.broadcast %max3A_928 : i32 to vector<16xi32>
    %max3A_930 = arith.maxsi %sub3A_927, %max3A_929 : vector<16xi32>
    %lt3A_931 = arith.constant 0 : i32
    %lt3A_932 = vector.broadcast %lt3A_931 : i32 to vector<16xi32>
    %lt3A_933 = arith.cmpi slt, %max3A_930, %lt3A_932 : vector<16xi32>
    %add3A_934 = arith.constant 16 : i32
    %add3A_935 = vector.broadcast %add3A_934 : i32 to vector<16xi32>
    %add3A_936 = arith.addi %max3A_930, %add3A_935 : vector<16xi32>
    %select_n3A_937 = arith.select %lt3A_933, %add3A_936, %max3A_930 : vector<16xi1>, vector<16xi32>
    %broadcast_in_dim3A_938 = vector.shape_cast %select_n3A_937 : vector<16xi32> to vector<16x1xi32>
    %gather3A_939 = vector.shape_cast %broadcast_in_dim3A_938 : vector<16x1xi32> to vector<16xi32>
    %gather3A_940 = tpu.dynamic_gather %add3A_924[%gather3A_939] in [0] : vector<16xi32>, vector<16xi32> -> vector<16xi32>
    %ge3A_941 = arith.constant 4 : i32
    %ge3A_942 = vector.broadcast %ge3A_941 : i32 to vector<16xi32>
    %ge3A_943 = arith.cmpi sge, %iota3A_878, %ge3A_942 : vector<16xi32>
    %jit3A_944 = arith.constant 0 : i32
    %broadcast_in_dim3A_945 = vector.broadcast %jit3A_944 : i32 to vector<16xi32>
    %select_n3A_946 = arith.select %ge3A_943, %gather3A_940, %broadcast_in_dim3A_945 : vector<16xi1>, vector<16xi32>
    %add3A_947 = arith.addi %add3A_924, %select_n3A_946 : vector<16xi32>
    %sub3A_948 = arith.constant 8 : i32
    %sub3A_949 = vector.broadcast %sub3A_948 : i32 to vector<16xi32>
    %sub3A_950 = arith.subi %iota3A_878, %sub3A_949 : vector<16xi32>
    %max3A_951 = arith.constant 0 : i32
    %max3A_952 = vector.broadcast %max3A_951 : i32 to vector<16xi32>
    %max3A_953 = arith.maxsi %sub3A_950, %max3A_952 : vector<16xi32>
    %lt3A_954 = arith.constant 0 : i32
    %lt3A_955 = vector.broadcast %lt3A_954 : i32 to vector<16xi32>
    %lt3A_956 = arith.cmpi slt, %max3A_953, %lt3A_955 : vector<16xi32>
    %add3A_957 = arith.constant 16 : i32
    %add3A_958 = vector.broadcast %add3A_957 : i32 to vector<16xi32>
    %add3A_959 = arith.addi %max3A_953, %add3A_958 : vector<16xi32>
    %select_n3A_960 = arith.select %lt3A_956, %add3A_959, %max3A_953 : vector<16xi1>, vector<16xi32>
    %broadcast_in_dim3A_961 = vector.shape_cast %select_n3A_960 : vector<16xi32> to vector<16x1xi32>
    %gather3A_962 = vector.shape_cast %broadcast_in_dim3A_961 : vector<16x1xi32> to vector<16xi32>
    %gather3A_963 = tpu.dynamic_gather %add3A_947[%gather3A_962] in [0] : vector<16xi32>, vector<16xi32> -> vector<16xi32>
    %ge3A_964 = arith.constant 8 : i32
    %ge3A_965 = vector.broadcast %ge3A_964 : i32 to vector<16xi32>
    %ge3A_966 = arith.cmpi sge, %iota3A_878, %ge3A_965 : vector<16xi32>
    %jit3A_967 = arith.constant 0 : i32
    %broadcast_in_dim3A_968 = vector.broadcast %jit3A_967 : i32 to vector<16xi32>
    %select_n3A_969 = arith.select %ge3A_966, %gather3A_963, %broadcast_in_dim3A_968 : vector<16xi1>, vector<16xi32>
    %add3A_970 = arith.addi %add3A_947, %select_n3A_969 : vector<16xi32>
    %sub3A_971 = arith.subi %add3A_970, %shift_right_arithmetic3A_877 : vector<16xi32>
    %mul3A_972 = arith.constant 256 : i32
    %mul3A_973 = vector.broadcast %mul3A_972 : i32 to vector<16xi32>
    %mul3A_974 = arith.muli %sub3A_971, %mul3A_973 : vector<16xi32>
    %broadcast_in_dim3A_975 = arith.constant 7 : i32
    %broadcast_in_dim3A_976 = vector.broadcast %broadcast_in_dim3A_975 : i32 to vector<16xi32>
    %lt3A_977 = arith.constant 0 : i32
    %lt3A_978 = vector.broadcast %lt3A_977 : i32 to vector<16xi32>
    %lt3A_979 = arith.cmpi slt, %broadcast_in_dim3A_976, %lt3A_978 : vector<16xi32>
    %add3A_980 = arith.constant 16 : i32
    %add3A_981 = vector.broadcast %add3A_980 : i32 to vector<16xi32>
    %add3A_982 = arith.addi %broadcast_in_dim3A_976, %add3A_981 : vector<16xi32>
    %select_n3A_983 = arith.select %lt3A_979, %add3A_982, %broadcast_in_dim3A_976 : vector<16xi1>, vector<16xi32>
    %broadcast_in_dim3A_984 = vector.shape_cast %select_n3A_983 : vector<16xi32> to vector<16x1xi32>
    %gather3A_985 = vector.shape_cast %broadcast_in_dim3A_984 : vector<16x1xi32> to vector<16xi32>
    %gather3A_986 = tpu.dynamic_gather %add3A_970[%gather3A_985] in [0] : vector<16xi32>, vector<16xi32> -> vector<16xi32>
    %broadcast_in_dim3A_987 = arith.constant 0 : i32
    %broadcast_in_dim3A_988 = vector.broadcast %broadcast_in_dim3A_987 : i32 to vector<16xi32>
    %lt3A_989 = arith.constant 0 : i32
    %lt3A_990 = vector.broadcast %lt3A_989 : i32 to vector<16xi32>
    %lt3A_991 = arith.cmpi slt, %broadcast_in_dim3A_988, %lt3A_990 : vector<16xi32>
    %add3A_992 = arith.constant 16 : i32
    %add3A_993 = vector.broadcast %add3A_992 : i32 to vector<16xi32>
    %add3A_994 = arith.addi %broadcast_in_dim3A_988, %add3A_993 : vector<16xi32>
    %select_n3A_995 = arith.select %lt3A_991, %add3A_994, %broadcast_in_dim3A_988 : vector<16xi1>, vector<16xi32>
    %broadcast_in_dim3A_996 = vector.shape_cast %select_n3A_995 : vector<16xi32> to vector<16x1xi32>
    %gather3A_997 = vector.shape_cast %broadcast_in_dim3A_996 : vector<16x1xi32> to vector<16xi32>
    %gather3A_998 = tpu.dynamic_gather %add3A_970[%gather3A_997] in [0] : vector<16xi32>, vector<16xi32> -> vector<16xi32>
    %broadcast_in_dim3A_999 = arith.constant 1 : i32
    %broadcast_in_dim3A_1000 = vector.broadcast %broadcast_in_dim3A_999 : i32 to vector<16xi32>
    %lt3A_1001 = arith.constant 0 : i32
    %lt3A_1002 = vector.broadcast %lt3A_1001 : i32 to vector<16xi32>
    %lt3A_1003 = arith.cmpi slt, %broadcast_in_dim3A_1000, %lt3A_1002 : vector<16xi32>
    %add3A_1004 = arith.constant 16 : i32
    %add3A_1005 = vector.broadcast %add3A_1004 : i32 to vector<16xi32>
    %add3A_1006 = arith.addi %broadcast_in_dim3A_1000, %add3A_1005 : vector<16xi32>
    %select_n3A_1007 = arith.select %lt3A_1003, %add3A_1006, %broadcast_in_dim3A_1000 : vector<16xi1>, vector<16xi32>
    %broadcast_in_dim3A_1008 = vector.shape_cast %select_n3A_1007 : vector<16xi32> to vector<16x1xi32>
    %gather3A_1009 = vector.shape_cast %broadcast_in_dim3A_1008 : vector<16x1xi32> to vector<16xi32>
    %gather3A_1010 = tpu.dynamic_gather %add3A_970[%gather3A_1009] in [0] : vector<16xi32>, vector<16xi32> -> vector<16xi32>
    %broadcast_in_dim3A_1011 = arith.constant 2 : i32
    %broadcast_in_dim3A_1012 = vector.broadcast %broadcast_in_dim3A_1011 : i32 to vector<16xi32>
    %lt3A_1013 = arith.constant 0 : i32
    %lt3A_1014 = vector.broadcast %lt3A_1013 : i32 to vector<16xi32>
    %lt3A_1015 = arith.cmpi slt, %broadcast_in_dim3A_1012, %lt3A_1014 : vector<16xi32>
    %add3A_1016 = arith.constant 16 : i32
    %add3A_1017 = vector.broadcast %add3A_1016 : i32 to vector<16xi32>
    %add3A_1018 = arith.addi %broadcast_in_dim3A_1012, %add3A_1017 : vector<16xi32>
    %select_n3A_1019 = arith.select %lt3A_1015, %add3A_1018, %broadcast_in_dim3A_1012 : vector<16xi1>, vector<16xi32>
    %broadcast_in_dim3A_1020 = vector.shape_cast %select_n3A_1019 : vector<16xi32> to vector<16x1xi32>
    %gather3A_1021 = vector.shape_cast %broadcast_in_dim3A_1020 : vector<16x1xi32> to vector<16xi32>
    %gather3A_1022 = tpu.dynamic_gather %add3A_970[%gather3A_1021] in [0] : vector<16xi32>, vector<16xi32> -> vector<16xi32>
    %broadcast_in_dim3A_1023 = arith.constant 3 : i32
    %broadcast_in_dim3A_1024 = vector.broadcast %broadcast_in_dim3A_1023 : i32 to vector<16xi32>
    %lt3A_1025 = arith.constant 0 : i32
    %lt3A_1026 = vector.broadcast %lt3A_1025 : i32 to vector<16xi32>
    %lt3A_1027 = arith.cmpi slt, %broadcast_in_dim3A_1024, %lt3A_1026 : vector<16xi32>
    %add3A_1028 = arith.constant 16 : i32
    %add3A_1029 = vector.broadcast %add3A_1028 : i32 to vector<16xi32>
    %add3A_1030 = arith.addi %broadcast_in_dim3A_1024, %add3A_1029 : vector<16xi32>
    %select_n3A_1031 = arith.select %lt3A_1027, %add3A_1030, %broadcast_in_dim3A_1024 : vector<16xi1>, vector<16xi32>
    %broadcast_in_dim3A_1032 = vector.shape_cast %select_n3A_1031 : vector<16xi32> to vector<16x1xi32>
    %gather3A_1033 = vector.shape_cast %broadcast_in_dim3A_1032 : vector<16x1xi32> to vector<16xi32>
    %gather3A_1034 = tpu.dynamic_gather %add3A_970[%gather3A_1033] in [0] : vector<16xi32>, vector<16xi32> -> vector<16xi32>
    %broadcast_in_dim3A_1035 = arith.constant 4 : i32
    %broadcast_in_dim3A_1036 = vector.broadcast %broadcast_in_dim3A_1035 : i32 to vector<16xi32>
    %lt3A_1037 = arith.constant 0 : i32
    %lt3A_1038 = vector.broadcast %lt3A_1037 : i32 to vector<16xi32>
    %lt3A_1039 = arith.cmpi slt, %broadcast_in_dim3A_1036, %lt3A_1038 : vector<16xi32>
    %add3A_1040 = arith.constant 16 : i32
    %add3A_1041 = vector.broadcast %add3A_1040 : i32 to vector<16xi32>
    %add3A_1042 = arith.addi %broadcast_in_dim3A_1036, %add3A_1041 : vector<16xi32>
    %select_n3A_1043 = arith.select %lt3A_1039, %add3A_1042, %broadcast_in_dim3A_1036 : vector<16xi1>, vector<16xi32>
    %broadcast_in_dim3A_1044 = vector.shape_cast %select_n3A_1043 : vector<16xi32> to vector<16x1xi32>
    %gather3A_1045 = vector.shape_cast %broadcast_in_dim3A_1044 : vector<16x1xi32> to vector<16xi32>
    %gather3A_1046 = tpu.dynamic_gather %add3A_970[%gather3A_1045] in [0] : vector<16xi32>, vector<16xi32> -> vector<16xi32>
    %broadcast_in_dim3A_1047 = arith.constant 5 : i32
    %broadcast_in_dim3A_1048 = vector.broadcast %broadcast_in_dim3A_1047 : i32 to vector<16xi32>
    %lt3A_1049 = arith.constant 0 : i32
    %lt3A_1050 = vector.broadcast %lt3A_1049 : i32 to vector<16xi32>
    %lt3A_1051 = arith.cmpi slt, %broadcast_in_dim3A_1048, %lt3A_1050 : vector<16xi32>
    %add3A_1052 = arith.constant 16 : i32
    %add3A_1053 = vector.broadcast %add3A_1052 : i32 to vector<16xi32>
    %add3A_1054 = arith.addi %broadcast_in_dim3A_1048, %add3A_1053 : vector<16xi32>
    %select_n3A_1055 = arith.select %lt3A_1051, %add3A_1054, %broadcast_in_dim3A_1048 : vector<16xi1>, vector<16xi32>
    %broadcast_in_dim3A_1056 = vector.shape_cast %select_n3A_1055 : vector<16xi32> to vector<16x1xi32>
    %gather3A_1057 = vector.shape_cast %broadcast_in_dim3A_1056 : vector<16x1xi32> to vector<16xi32>
    %gather3A_1058 = tpu.dynamic_gather %add3A_970[%gather3A_1057] in [0] : vector<16xi32>, vector<16xi32> -> vector<16xi32>
    %broadcast_in_dim3A_1059 = arith.constant 6 : i32
    %broadcast_in_dim3A_1060 = vector.broadcast %broadcast_in_dim3A_1059 : i32 to vector<16xi32>
    %lt3A_1061 = arith.constant 0 : i32
    %lt3A_1062 = vector.broadcast %lt3A_1061 : i32 to vector<16xi32>
    %lt3A_1063 = arith.cmpi slt, %broadcast_in_dim3A_1060, %lt3A_1062 : vector<16xi32>
    %add3A_1064 = arith.constant 16 : i32
    %add3A_1065 = vector.broadcast %add3A_1064 : i32 to vector<16xi32>
    %add3A_1066 = arith.addi %broadcast_in_dim3A_1060, %add3A_1065 : vector<16xi32>
    %select_n3A_1067 = arith.select %lt3A_1063, %add3A_1066, %broadcast_in_dim3A_1060 : vector<16xi1>, vector<16xi32>
    %broadcast_in_dim3A_1068 = vector.shape_cast %select_n3A_1067 : vector<16xi32> to vector<16x1xi32>
    %gather3A_1069 = vector.shape_cast %broadcast_in_dim3A_1068 : vector<16x1xi32> to vector<16xi32>
    %gather3A_1070 = tpu.dynamic_gather %add3A_970[%gather3A_1069] in [0] : vector<16xi32>, vector<16xi32> -> vector<16xi32>
    %broadcast_in_dim3A_1071 = arith.constant 7 : i32
    %broadcast_in_dim3A_1072 = vector.broadcast %broadcast_in_dim3A_1071 : i32 to vector<16xi32>
    %lt3A_1073 = arith.constant 0 : i32
    %lt3A_1074 = vector.broadcast %lt3A_1073 : i32 to vector<16xi32>
    %lt3A_1075 = arith.cmpi slt, %broadcast_in_dim3A_1072, %lt3A_1074 : vector<16xi32>
    %add3A_1076 = arith.constant 16 : i32
    %add3A_1077 = vector.broadcast %add3A_1076 : i32 to vector<16xi32>
    %add3A_1078 = arith.addi %broadcast_in_dim3A_1072, %add3A_1077 : vector<16xi32>
    %select_n3A_1079 = arith.select %lt3A_1075, %add3A_1078, %broadcast_in_dim3A_1072 : vector<16xi1>, vector<16xi32>
    %broadcast_in_dim3A_1080 = vector.shape_cast %select_n3A_1079 : vector<16xi32> to vector<16x1xi32>
    %gather3A_1081 = vector.shape_cast %broadcast_in_dim3A_1080 : vector<16x1xi32> to vector<16xi32>
    %gather3A_1082 = tpu.dynamic_gather %add3A_970[%gather3A_1081] in [0] : vector<16xi32>, vector<16xi32> -> vector<16xi32>
    %sub3A_1083 = arith.constant 1 : i32
    %sub3A_1084 = vector.broadcast %sub3A_1083 : i32 to vector<16xi32>
    %sub3A_1085 = arith.subi %gather3A_986, %sub3A_1084 : vector<16xi32>
    %min3A = arith.minsi %iota3A, %sub3A_1085 : vector<16xi32>
    %add3A_1086 = arith.constant 16 : i32
    %add3A_1087 = vector.broadcast %add3A_1086 : i32 to vector<16xi32>
    %add3A_1088 = arith.addi %iota3A, %add3A_1087 : vector<16xi32>
    %sub3A_1089 = arith.constant 1 : i32
    %sub3A_1090 = vector.broadcast %sub3A_1089 : i32 to vector<16xi32>
    %sub3A_1091 = arith.subi %gather3A_986, %sub3A_1090 : vector<16xi32>
    %min3A_1092 = arith.minsi %add3A_1088, %sub3A_1091 : vector<16xi32>
    %ge3A_1093 = arith.cmpi sge, %min3A, %gather3A_998 : vector<16xi32>
    %jit3A_1094 = arith.constant 1 : i32
    %jit3A_1095 = arith.constant 0 : i32
    %broadcast_in_dim3A_1096 = vector.broadcast %jit3A_1094 : i32 to vector<16xi32>
    %broadcast_in_dim3A_1097 = vector.broadcast %jit3A_1095 : i32 to vector<16xi32>
    %select_n3A_1098 = arith.select %ge3A_1093, %broadcast_in_dim3A_1096, %broadcast_in_dim3A_1097 : vector<16xi1>, vector<16xi32>
    %add3A_1099 = arith.addi %broadcast_in_dim3A_1, %select_n3A_1098 : vector<16xi32>
    %ge3A_1100 = arith.cmpi sge, %min3A_1092, %gather3A_998 : vector<16xi32>
    %jit3A_1101 = arith.constant 1 : i32
    %jit3A_1102 = arith.constant 0 : i32
    %broadcast_in_dim3A_1103 = vector.broadcast %jit3A_1101 : i32 to vector<16xi32>
    %broadcast_in_dim3A_1104 = vector.broadcast %jit3A_1102 : i32 to vector<16xi32>
    %select_n3A_1105 = arith.select %ge3A_1100, %broadcast_in_dim3A_1103, %broadcast_in_dim3A_1104 : vector<16xi1>, vector<16xi32>
    %add3A_1106 = arith.addi %broadcast_in_dim3A_1, %select_n3A_1105 : vector<16xi32>
    %ge3A_1107 = arith.cmpi sge, %min3A, %gather3A_1010 : vector<16xi32>
    %jit3A_1108 = arith.constant 1 : i32
    %jit3A_1109 = arith.constant 0 : i32
    %broadcast_in_dim3A_1110 = vector.broadcast %jit3A_1108 : i32 to vector<16xi32>
    %broadcast_in_dim3A_1111 = vector.broadcast %jit3A_1109 : i32 to vector<16xi32>
    %select_n3A_1112 = arith.select %ge3A_1107, %broadcast_in_dim3A_1110, %broadcast_in_dim3A_1111 : vector<16xi1>, vector<16xi32>
    %add3A_1113 = arith.addi %add3A_1099, %select_n3A_1112 : vector<16xi32>
    %ge3A_1114 = arith.cmpi sge, %min3A_1092, %gather3A_1010 : vector<16xi32>
    %jit3A_1115 = arith.constant 1 : i32
    %jit3A_1116 = arith.constant 0 : i32
    %broadcast_in_dim3A_1117 = vector.broadcast %jit3A_1115 : i32 to vector<16xi32>
    %broadcast_in_dim3A_1118 = vector.broadcast %jit3A_1116 : i32 to vector<16xi32>
    %select_n3A_1119 = arith.select %ge3A_1114, %broadcast_in_dim3A_1117, %broadcast_in_dim3A_1118 : vector<16xi1>, vector<16xi32>
    %add3A_1120 = arith.addi %add3A_1106, %select_n3A_1119 : vector<16xi32>
    %ge3A_1121 = arith.cmpi sge, %min3A, %gather3A_1022 : vector<16xi32>
    %jit3A_1122 = arith.constant 1 : i32
    %jit3A_1123 = arith.constant 0 : i32
    %broadcast_in_dim3A_1124 = vector.broadcast %jit3A_1122 : i32 to vector<16xi32>
    %broadcast_in_dim3A_1125 = vector.broadcast %jit3A_1123 : i32 to vector<16xi32>
    %select_n3A_1126 = arith.select %ge3A_1121, %broadcast_in_dim3A_1124, %broadcast_in_dim3A_1125 : vector<16xi1>, vector<16xi32>
    %add3A_1127 = arith.addi %add3A_1113, %select_n3A_1126 : vector<16xi32>
    %ge3A_1128 = arith.cmpi sge, %min3A_1092, %gather3A_1022 : vector<16xi32>
    %jit3A_1129 = arith.constant 1 : i32
    %jit3A_1130 = arith.constant 0 : i32
    %broadcast_in_dim3A_1131 = vector.broadcast %jit3A_1129 : i32 to vector<16xi32>
    %broadcast_in_dim3A_1132 = vector.broadcast %jit3A_1130 : i32 to vector<16xi32>
    %select_n3A_1133 = arith.select %ge3A_1128, %broadcast_in_dim3A_1131, %broadcast_in_dim3A_1132 : vector<16xi1>, vector<16xi32>
    %add3A_1134 = arith.addi %add3A_1120, %select_n3A_1133 : vector<16xi32>
    %ge3A_1135 = arith.cmpi sge, %min3A, %gather3A_1034 : vector<16xi32>
    %jit3A_1136 = arith.constant 1 : i32
    %jit3A_1137 = arith.constant 0 : i32
    %broadcast_in_dim3A_1138 = vector.broadcast %jit3A_1136 : i32 to vector<16xi32>
    %broadcast_in_dim3A_1139 = vector.broadcast %jit3A_1137 : i32 to vector<16xi32>
    %select_n3A_1140 = arith.select %ge3A_1135, %broadcast_in_dim3A_1138, %broadcast_in_dim3A_1139 : vector<16xi1>, vector<16xi32>
    %add3A_1141 = arith.addi %add3A_1127, %select_n3A_1140 : vector<16xi32>
    %ge3A_1142 = arith.cmpi sge, %min3A_1092, %gather3A_1034 : vector<16xi32>
    %jit3A_1143 = arith.constant 1 : i32
    %jit3A_1144 = arith.constant 0 : i32
    %broadcast_in_dim3A_1145 = vector.broadcast %jit3A_1143 : i32 to vector<16xi32>
    %broadcast_in_dim3A_1146 = vector.broadcast %jit3A_1144 : i32 to vector<16xi32>
    %select_n3A_1147 = arith.select %ge3A_1142, %broadcast_in_dim3A_1145, %broadcast_in_dim3A_1146 : vector<16xi1>, vector<16xi32>
    %add3A_1148 = arith.addi %add3A_1134, %select_n3A_1147 : vector<16xi32>
    %ge3A_1149 = arith.cmpi sge, %min3A, %gather3A_1046 : vector<16xi32>
    %jit3A_1150 = arith.constant 1 : i32
    %jit3A_1151 = arith.constant 0 : i32
    %broadcast_in_dim3A_1152 = vector.broadcast %jit3A_1150 : i32 to vector<16xi32>
    %broadcast_in_dim3A_1153 = vector.broadcast %jit3A_1151 : i32 to vector<16xi32>
    %select_n3A_1154 = arith.select %ge3A_1149, %broadcast_in_dim3A_1152, %broadcast_in_dim3A_1153 : vector<16xi1>, vector<16xi32>
    %add3A_1155 = arith.addi %add3A_1141, %select_n3A_1154 : vector<16xi32>
    %ge3A_1156 = arith.cmpi sge, %min3A_1092, %gather3A_1046 : vector<16xi32>
    %jit3A_1157 = arith.constant 1 : i32
    %jit3A_1158 = arith.constant 0 : i32
    %broadcast_in_dim3A_1159 = vector.broadcast %jit3A_1157 : i32 to vector<16xi32>
    %broadcast_in_dim3A_1160 = vector.broadcast %jit3A_1158 : i32 to vector<16xi32>
    %select_n3A_1161 = arith.select %ge3A_1156, %broadcast_in_dim3A_1159, %broadcast_in_dim3A_1160 : vector<16xi1>, vector<16xi32>
    %add3A_1162 = arith.addi %add3A_1148, %select_n3A_1161 : vector<16xi32>
    %ge3A_1163 = arith.cmpi sge, %min3A, %gather3A_1058 : vector<16xi32>
    %jit3A_1164 = arith.constant 1 : i32
    %jit3A_1165 = arith.constant 0 : i32
    %broadcast_in_dim3A_1166 = vector.broadcast %jit3A_1164 : i32 to vector<16xi32>
    %broadcast_in_dim3A_1167 = vector.broadcast %jit3A_1165 : i32 to vector<16xi32>
    %select_n3A_1168 = arith.select %ge3A_1163, %broadcast_in_dim3A_1166, %broadcast_in_dim3A_1167 : vector<16xi1>, vector<16xi32>
    %add3A_1169 = arith.addi %add3A_1155, %select_n3A_1168 : vector<16xi32>
    %ge3A_1170 = arith.cmpi sge, %min3A_1092, %gather3A_1058 : vector<16xi32>
    %jit3A_1171 = arith.constant 1 : i32
    %jit3A_1172 = arith.constant 0 : i32
    %broadcast_in_dim3A_1173 = vector.broadcast %jit3A_1171 : i32 to vector<16xi32>
    %broadcast_in_dim3A_1174 = vector.broadcast %jit3A_1172 : i32 to vector<16xi32>
    %select_n3A_1175 = arith.select %ge3A_1170, %broadcast_in_dim3A_1173, %broadcast_in_dim3A_1174 : vector<16xi1>, vector<16xi32>
    %add3A_1176 = arith.addi %add3A_1162, %select_n3A_1175 : vector<16xi32>
    %ge3A_1177 = arith.cmpi sge, %min3A, %gather3A_1070 : vector<16xi32>
    %jit3A_1178 = arith.constant 1 : i32
    %jit3A_1179 = arith.constant 0 : i32
    %broadcast_in_dim3A_1180 = vector.broadcast %jit3A_1178 : i32 to vector<16xi32>
    %broadcast_in_dim3A_1181 = vector.broadcast %jit3A_1179 : i32 to vector<16xi32>
    %select_n3A_1182 = arith.select %ge3A_1177, %broadcast_in_dim3A_1180, %broadcast_in_dim3A_1181 : vector<16xi1>, vector<16xi32>
    %add3A_1183 = arith.addi %add3A_1169, %select_n3A_1182 : vector<16xi32>
    %ge3A_1184 = arith.cmpi sge, %min3A_1092, %gather3A_1070 : vector<16xi32>
    %jit3A_1185 = arith.constant 1 : i32
    %jit3A_1186 = arith.constant 0 : i32
    %broadcast_in_dim3A_1187 = vector.broadcast %jit3A_1185 : i32 to vector<16xi32>
    %broadcast_in_dim3A_1188 = vector.broadcast %jit3A_1186 : i32 to vector<16xi32>
    %select_n3A_1189 = arith.select %ge3A_1184, %broadcast_in_dim3A_1187, %broadcast_in_dim3A_1188 : vector<16xi1>, vector<16xi32>
    %add3A_1190 = arith.addi %add3A_1176, %select_n3A_1189 : vector<16xi32>
    %ge3A_1191 = arith.cmpi sge, %min3A, %gather3A_1082 : vector<16xi32>
    %jit3A_1192 = arith.constant 1 : i32
    %jit3A_1193 = arith.constant 0 : i32
    %broadcast_in_dim3A_1194 = vector.broadcast %jit3A_1192 : i32 to vector<16xi32>
    %broadcast_in_dim3A_1195 = vector.broadcast %jit3A_1193 : i32 to vector<16xi32>
    %select_n3A_1196 = arith.select %ge3A_1191, %broadcast_in_dim3A_1194, %broadcast_in_dim3A_1195 : vector<16xi1>, vector<16xi32>
    %add3A_1197 = arith.addi %add3A_1183, %select_n3A_1196 : vector<16xi32>
    %ge3A_1198 = arith.cmpi sge, %min3A_1092, %gather3A_1082 : vector<16xi32>
    %jit3A_1199 = arith.constant 1 : i32
    %jit3A_1200 = arith.constant 0 : i32
    %broadcast_in_dim3A_1201 = vector.broadcast %jit3A_1199 : i32 to vector<16xi32>
    %broadcast_in_dim3A_1202 = vector.broadcast %jit3A_1200 : i32 to vector<16xi32>
    %select_n3A_1203 = arith.select %ge3A_1198, %broadcast_in_dim3A_1201, %broadcast_in_dim3A_1202 : vector<16xi1>, vector<16xi32>
    %add3A_1204 = arith.addi %add3A_1190, %select_n3A_1203 : vector<16xi32>
    %min3A_1205 = arith.constant 7 : i32
    %min3A_1206 = vector.broadcast %min3A_1205 : i32 to vector<16xi32>
    %min3A_1207 = arith.minsi %add3A_1197, %min3A_1206 : vector<16xi32>
    %swap3A = arith.constant 0 : index
    %swap3A_1208 = tpu.vector_load %arg9[%swap3A] {strides = array<i32>} : memref<32xi32, #tpu.memory_space<vmem>>, vector<16xi32>,
    %swap3A_1209 = vector.shape_cast %swap3A_1208 : vector<16xi32> to vector<16xi32>
    %swap3A_1210 = vector.shape_cast %min3A_1207 : vector<16xi32> to vector<16xi32>
    tpu.vector_store %arg9[%swap3A], %swap3A_1210 {strides = array<i32>} : memref<32xi32, #tpu.memory_space<vmem>>, vector<16xi32>,
    %eq3A_1211 = arith.constant 8 : i32
    %eq3A_1212 = vector.broadcast %eq3A_1211 : i32 to vector<16xi32>
    %eq3A_1213 = arith.cmpi eq, %iota3A, %eq3A_1212 : vector<16xi32>
    %min3A_1214 = arith.constant 7 : i32
    %min3A_1215 = vector.broadcast %min3A_1214 : i32 to vector<16xi32>
    %min3A_1216 = arith.minsi %add3A_1204, %min3A_1215 : vector<16xi32>
    %select_n3A_1217 = arith.select %eq3A_1213, %gather3A_986, %min3A_1216 : vector<16xi1>, vector<16xi32>
    %swap3A_1218 = arith.constant 16 : index
    %swap3A_1219 = tpu.vector_load %arg9[%swap3A_1218] {strides = array<i32>} : memref<32xi32, #tpu.memory_space<vmem>>, vector<16xi32>,
    %swap3A_1220 = vector.shape_cast %swap3A_1219 : vector<16xi32> to vector<16xi32>
    %swap3A_1221 = vector.shape_cast %select_n3A_1217 : vector<16xi32> to vector<16xi32>
    tpu.vector_store %arg9[%swap3A_1218], %swap3A_1221 {strides = array<i32>} : memref<32xi32, #tpu.memory_space<vmem>>, vector<16xi32>,
    %scan3A_1222 = arith.constant 0 : i32
    %scan3A_1223 = arith.constant 256 : i32
    %scan3A_1224 = arith.addi %scan3A_1222, %scan3A_1223 : i32
    %scan3A_1225 = arith.constant 1 : i32
    %scan3A_1226 = scf.for %scan3A_1239 = %scan3A_1222 to %scan3A_1224 step %scan3A_1225 iter_args(%scan3A_1240 = %mul3A_974) -> (vector<16xi32>)  : i32 {
      %mul3A_1241 = arith.constant 16 : i32
      %mul3A_1242 = arith.muli %scan3A_1239, %mul3A_1241 : i32
      %get3A = arith.index_cast %mul3A_1242 : i32 to index
      %get3A_1243 = tpu.vector_load %arg7[%get3A] {strides = array<i32>} : memref<4096xi32, #tpu.memory_space<vmem>>, vector<16xi32>,
      %get3A_1244 = vector.shape_cast %get3A_1243 : vector<16xi32> to vector<16xi32>
      %lt3A_1245 = arith.constant 4 : i32
      %lt3A_1246 = vector.broadcast %lt3A_1245 : i32 to vector<16xi32>
      %lt3A_1247 = arith.cmpi slt, %get3A_1244, %lt3A_1246 : vector<16xi32>
      %jit3A_1248 = arith.constant 0 : i32
      %broadcast_in_dim3A_1249 = vector.broadcast %jit3A_1248 : i32 to vector<16xi32>
      %select_n3A_1250 = arith.select %lt3A_1247, %get3A_1244, %broadcast_in_dim3A_1249 : vector<16xi1>, vector<16xi32>
      %mul3A_1251 = arith.constant 8 : i32
      %mul3A_1252 = vector.broadcast %mul3A_1251 : i32 to vector<16xi32>
      %mul3A_1253 = arith.muli %select_n3A_1250, %mul3A_1252 : vector<16xi32>
      %sub3A_1254 = arith.constant 4 : i32
      %sub3A_1255 = vector.broadcast %sub3A_1254 : i32 to vector<16xi32>
      %sub3A_1256 = arith.subi %get3A_1244, %sub3A_1255 : vector<16xi32>
      %jit3A_1257 = arith.constant 0 : i32
      %broadcast_in_dim3A_1258 = vector.broadcast %jit3A_1257 : i32 to vector<16xi32>
      %select_n3A_1259 = arith.select %lt3A_1247, %broadcast_in_dim3A_1258, %sub3A_1256 : vector<16xi1>, vector<16xi32>
      %mul3A_1260 = arith.constant 8 : i32
      %mul3A_1261 = vector.broadcast %mul3A_1260 : i32 to vector<16xi32>
      %mul3A_1262 = arith.muli %select_n3A_1259, %mul3A_1261 : vector<16xi32>
      %shift_left3A = arith.shli %broadcast_in_dim3A_3, %mul3A_1253 : vector<16xi32>
      %jit3A_1263 = arith.constant 0 : i32
      %broadcast_in_dim3A_1264 = vector.broadcast %jit3A_1263 : i32 to vector<16xi32>
      %select_n3A_1265 = arith.select %lt3A_1247, %shift_left3A, %broadcast_in_dim3A_1264 : vector<16xi1>, vector<16xi32>
      %shift_left3A_1266 = arith.shli %broadcast_in_dim3A_3, %mul3A_1262 : vector<16xi32>
      %jit3A_1267 = arith.constant 0 : i32
      %broadcast_in_dim3A_1268 = vector.broadcast %jit3A_1267 : i32 to vector<16xi32>
      %select_n3A_1269 = arith.select %lt3A_1247, %broadcast_in_dim3A_1268, %shift_left3A_1266 : vector<16xi1>, vector<16xi32>
      %iota3A_1270 = tpu.iota {dimensions = array<i32: 0>} : vector<16xi32>
      %sub3A_1271 = arith.constant 1 : i32
      %sub3A_1272 = vector.broadcast %sub3A_1271 : i32 to vector<16xi32>
      %sub3A_1273 = arith.subi %iota3A_1270, %sub3A_1272 : vector<16xi32>
      %max3A_1274 = arith.constant 0 : i32
      %max3A_1275 = vector.broadcast %max3A_1274 : i32 to vector<16xi32>
      %max3A_1276 = arith.maxsi %sub3A_1273, %max3A_1275 : vector<16xi32>
      %lt3A_1277 = arith.constant 0 : i32
      %lt3A_1278 = vector.broadcast %lt3A_1277 : i32 to vector<16xi32>
      %lt3A_1279 = arith.cmpi slt, %max3A_1276, %lt3A_1278 : vector<16xi32>
      %add3A_1280 = arith.constant 16 : i32
      %add3A_1281 = vector.broadcast %add3A_1280 : i32 to vector<16xi32>
      %add3A_1282 = arith.addi %max3A_1276, %add3A_1281 : vector<16xi32>
      %select_n3A_1283 = arith.select %lt3A_1279, %add3A_1282, %max3A_1276 : vector<16xi1>, vector<16xi32>
      %broadcast_in_dim3A_1284 = vector.shape_cast %select_n3A_1283 : vector<16xi32> to vector<16x1xi32>
      %gather3A_1285 = vector.shape_cast %broadcast_in_dim3A_1284 : vector<16x1xi32> to vector<16xi32>
      %gather3A_1286 = tpu.dynamic_gather %select_n3A_1265[%gather3A_1285] in [0] : vector<16xi32>, vector<16xi32> -> vector<16xi32>
      %ge3A_1287 = arith.constant 1 : i32
      %ge3A_1288 = vector.broadcast %ge3A_1287 : i32 to vector<16xi32>
      %ge3A_1289 = arith.cmpi sge, %iota3A_1270, %ge3A_1288 : vector<16xi32>
      %jit3A_1290 = arith.constant 0 : i32
      %broadcast_in_dim3A_1291 = vector.broadcast %jit3A_1290 : i32 to vector<16xi32>
      %select_n3A_1292 = arith.select %ge3A_1289, %gather3A_1286, %broadcast_in_dim3A_1291 : vector<16xi1>, vector<16xi32>
      %add3A_1293 = arith.addi %select_n3A_1265, %select_n3A_1292 : vector<16xi32>
      %sub3A_1294 = arith.constant 2 : i32
      %sub3A_1295 = vector.broadcast %sub3A_1294 : i32 to vector<16xi32>
      %sub3A_1296 = arith.subi %iota3A_1270, %sub3A_1295 : vector<16xi32>
      %max3A_1297 = arith.constant 0 : i32
      %max3A_1298 = vector.broadcast %max3A_1297 : i32 to vector<16xi32>
      %max3A_1299 = arith.maxsi %sub3A_1296, %max3A_1298 : vector<16xi32>
      %lt3A_1300 = arith.constant 0 : i32
      %lt3A_1301 = vector.broadcast %lt3A_1300 : i32 to vector<16xi32>
      %lt3A_1302 = arith.cmpi slt, %max3A_1299, %lt3A_1301 : vector<16xi32>
      %add3A_1303 = arith.constant 16 : i32
      %add3A_1304 = vector.broadcast %add3A_1303 : i32 to vector<16xi32>
      %add3A_1305 = arith.addi %max3A_1299, %add3A_1304 : vector<16xi32>
      %select_n3A_1306 = arith.select %lt3A_1302, %add3A_1305, %max3A_1299 : vector<16xi1>, vector<16xi32>
      %broadcast_in_dim3A_1307 = vector.shape_cast %select_n3A_1306 : vector<16xi32> to vector<16x1xi32>
      %gather3A_1308 = vector.shape_cast %broadcast_in_dim3A_1307 : vector<16x1xi32> to vector<16xi32>
      %gather3A_1309 = tpu.dynamic_gather %add3A_1293[%gather3A_1308] in [0] : vector<16xi32>, vector<16xi32> -> vector<16xi32>
      %ge3A_1310 = arith.constant 2 : i32
      %ge3A_1311 = vector.broadcast %ge3A_1310 : i32 to vector<16xi32>
      %ge3A_1312 = arith.cmpi sge, %iota3A_1270, %ge3A_1311 : vector<16xi32>
      %jit3A_1313 = arith.constant 0 : i32
      %broadcast_in_dim3A_1314 = vector.broadcast %jit3A_1313 : i32 to vector<16xi32>
      %select_n3A_1315 = arith.select %ge3A_1312, %gather3A_1309, %broadcast_in_dim3A_1314 : vector<16xi1>, vector<16xi32>
      %add3A_1316 = arith.addi %add3A_1293, %select_n3A_1315 : vector<16xi32>
      %sub3A_1317 = arith.constant 4 : i32
      %sub3A_1318 = vector.broadcast %sub3A_1317 : i32 to vector<16xi32>
      %sub3A_1319 = arith.subi %iota3A_1270, %sub3A_1318 : vector<16xi32>
      %max3A_1320 = arith.constant 0 : i32
      %max3A_1321 = vector.broadcast %max3A_1320 : i32 to vector<16xi32>
      %max3A_1322 = arith.maxsi %sub3A_1319, %max3A_1321 : vector<16xi32>
      %lt3A_1323 = arith.constant 0 : i32
      %lt3A_1324 = vector.broadcast %lt3A_1323 : i32 to vector<16xi32>
      %lt3A_1325 = arith.cmpi slt, %max3A_1322, %lt3A_1324 : vector<16xi32>
      %add3A_1326 = arith.constant 16 : i32
      %add3A_1327 = vector.broadcast %add3A_1326 : i32 to vector<16xi32>
      %add3A_1328 = arith.addi %max3A_1322, %add3A_1327 : vector<16xi32>
      %select_n3A_1329 = arith.select %lt3A_1325, %add3A_1328, %max3A_1322 : vector<16xi1>, vector<16xi32>
      %broadcast_in_dim3A_1330 = vector.shape_cast %select_n3A_1329 : vector<16xi32> to vector<16x1xi32>
      %gather3A_1331 = vector.shape_cast %broadcast_in_dim3A_1330 : vector<16x1xi32> to vector<16xi32>
      %gather3A_1332 = tpu.dynamic_gather %add3A_1316[%gather3A_1331] in [0] : vector<16xi32>, vector<16xi32> -> vector<16xi32>
      %ge3A_1333 = arith.constant 4 : i32
      %ge3A_1334 = vector.broadcast %ge3A_1333 : i32 to vector<16xi32>
      %ge3A_1335 = arith.cmpi sge, %iota3A_1270, %ge3A_1334 : vector<16xi32>
      %jit3A_1336 = arith.constant 0 : i32
      %broadcast_in_dim3A_1337 = vector.broadcast %jit3A_1336 : i32 to vector<16xi32>
      %select_n3A_1338 = arith.select %ge3A_1335, %gather3A_1332, %broadcast_in_dim3A_1337 : vector<16xi1>, vector<16xi32>
      %add3A_1339 = arith.addi %add3A_1316, %select_n3A_1338 : vector<16xi32>
      %sub3A_1340 = arith.constant 8 : i32
      %sub3A_1341 = vector.broadcast %sub3A_1340 : i32 to vector<16xi32>
      %sub3A_1342 = arith.subi %iota3A_1270, %sub3A_1341 : vector<16xi32>
      %max3A_1343 = arith.constant 0 : i32
      %max3A_1344 = vector.broadcast %max3A_1343 : i32 to vector<16xi32>
      %max3A_1345 = arith.maxsi %sub3A_1342, %max3A_1344 : vector<16xi32>
      %lt3A_1346 = arith.constant 0 : i32
      %lt3A_1347 = vector.broadcast %lt3A_1346 : i32 to vector<16xi32>
      %lt3A_1348 = arith.cmpi slt, %max3A_1345, %lt3A_1347 : vector<16xi32>
      %add3A_1349 = arith.constant 16 : i32
      %add3A_1350 = vector.broadcast %add3A_1349 : i32 to vector<16xi32>
      %add3A_1351 = arith.addi %max3A_1345, %add3A_1350 : vector<16xi32>
      %select_n3A_1352 = arith.select %lt3A_1348, %add3A_1351, %max3A_1345 : vector<16xi1>, vector<16xi32>
      %broadcast_in_dim3A_1353 = vector.shape_cast %select_n3A_1352 : vector<16xi32> to vector<16x1xi32>
      %gather3A_1354 = vector.shape_cast %broadcast_in_dim3A_1353 : vector<16x1xi32> to vector<16xi32>
      %gather3A_1355 = tpu.dynamic_gather %add3A_1339[%gather3A_1354] in [0] : vector<16xi32>, vector<16xi32> -> vector<16xi32>
      %ge3A_1356 = arith.constant 8 : i32
      %ge3A_1357 = vector.broadcast %ge3A_1356 : i32 to vector<16xi32>
      %ge3A_1358 = arith.cmpi sge, %iota3A_1270, %ge3A_1357 : vector<16xi32>
      %jit3A_1359 = arith.constant 0 : i32
      %broadcast_in_dim3A_1360 = vector.broadcast %jit3A_1359 : i32 to vector<16xi32>
      %select_n3A_1361 = arith.select %ge3A_1358, %gather3A_1355, %broadcast_in_dim3A_1360 : vector<16xi1>, vector<16xi32>
      %add3A_1362 = arith.addi %add3A_1339, %select_n3A_1361 : vector<16xi32>
      %iota3A_1363 = tpu.iota {dimensions = array<i32: 0>} : vector<16xi32>
      %sub3A_1364 = arith.constant 1 : i32
      %sub3A_1365 = vector.broadcast %sub3A_1364 : i32 to vector<16xi32>
      %sub3A_1366 = arith.subi %iota3A_1363, %sub3A_1365 : vector<16xi32>
      %max3A_1367 = arith.constant 0 : i32
      %max3A_1368 = vector.broadcast %max3A_1367 : i32 to vector<16xi32>
      %max3A_1369 = arith.maxsi %sub3A_1366, %max3A_1368 : vector<16xi32>
      %lt3A_1370 = arith.constant 0 : i32
      %lt3A_1371 = vector.broadcast %lt3A_1370 : i32 to vector<16xi32>
      %lt3A_1372 = arith.cmpi slt, %max3A_1369, %lt3A_1371 : vector<16xi32>
      %add3A_1373 = arith.constant 16 : i32
      %add3A_1374 = vector.broadcast %add3A_1373 : i32 to vector<16xi32>
      %add3A_1375 = arith.addi %max3A_1369, %add3A_1374 : vector<16xi32>
      %select_n3A_1376 = arith.select %lt3A_1372, %add3A_1375, %max3A_1369 : vector<16xi1>, vector<16xi32>
      %broadcast_in_dim3A_1377 = vector.shape_cast %select_n3A_1376 : vector<16xi32> to vector<16x1xi32>
      %gather3A_1378 = vector.shape_cast %broadcast_in_dim3A_1377 : vector<16x1xi32> to vector<16xi32>
      %gather3A_1379 = tpu.dynamic_gather %select_n3A_1269[%gather3A_1378] in [0] : vector<16xi32>, vector<16xi32> -> vector<16xi32>
      %ge3A_1380 = arith.constant 1 : i32
      %ge3A_1381 = vector.broadcast %ge3A_1380 : i32 to vector<16xi32>
      %ge3A_1382 = arith.cmpi sge, %iota3A_1363, %ge3A_1381 : vector<16xi32>
      %jit3A_1383 = arith.constant 0 : i32
      %broadcast_in_dim3A_1384 = vector.broadcast %jit3A_1383 : i32 to vector<16xi32>
      %select_n3A_1385 = arith.select %ge3A_1382, %gather3A_1379, %broadcast_in_dim3A_1384 : vector<16xi1>, vector<16xi32>
      %add3A_1386 = arith.addi %select_n3A_1269, %select_n3A_1385 : vector<16xi32>
      %sub3A_1387 = arith.constant 2 : i32
      %sub3A_1388 = vector.broadcast %sub3A_1387 : i32 to vector<16xi32>
      %sub3A_1389 = arith.subi %iota3A_1363, %sub3A_1388 : vector<16xi32>
      %max3A_1390 = arith.constant 0 : i32
      %max3A_1391 = vector.broadcast %max3A_1390 : i32 to vector<16xi32>
      %max3A_1392 = arith.maxsi %sub3A_1389, %max3A_1391 : vector<16xi32>
      %lt3A_1393 = arith.constant 0 : i32
      %lt3A_1394 = vector.broadcast %lt3A_1393 : i32 to vector<16xi32>
      %lt3A_1395 = arith.cmpi slt, %max3A_1392, %lt3A_1394 : vector<16xi32>
      %add3A_1396 = arith.constant 16 : i32
      %add3A_1397 = vector.broadcast %add3A_1396 : i32 to vector<16xi32>
      %add3A_1398 = arith.addi %max3A_1392, %add3A_1397 : vector<16xi32>
      %select_n3A_1399 = arith.select %lt3A_1395, %add3A_1398, %max3A_1392 : vector<16xi1>, vector<16xi32>
      %broadcast_in_dim3A_1400 = vector.shape_cast %select_n3A_1399 : vector<16xi32> to vector<16x1xi32>
      %gather3A_1401 = vector.shape_cast %broadcast_in_dim3A_1400 : vector<16x1xi32> to vector<16xi32>
      %gather3A_1402 = tpu.dynamic_gather %add3A_1386[%gather3A_1401] in [0] : vector<16xi32>, vector<16xi32> -> vector<16xi32>
      %ge3A_1403 = arith.constant 2 : i32
      %ge3A_1404 = vector.broadcast %ge3A_1403 : i32 to vector<16xi32>
      %ge3A_1405 = arith.cmpi sge, %iota3A_1363, %ge3A_1404 : vector<16xi32>
      %jit3A_1406 = arith.constant 0 : i32
      %broadcast_in_dim3A_1407 = vector.broadcast %jit3A_1406 : i32 to vector<16xi32>
      %select_n3A_1408 = arith.select %ge3A_1405, %gather3A_1402, %broadcast_in_dim3A_1407 : vector<16xi1>, vector<16xi32>
      %add3A_1409 = arith.addi %add3A_1386, %select_n3A_1408 : vector<16xi32>
      %sub3A_1410 = arith.constant 4 : i32
      %sub3A_1411 = vector.broadcast %sub3A_1410 : i32 to vector<16xi32>
      %sub3A_1412 = arith.subi %iota3A_1363, %sub3A_1411 : vector<16xi32>
      %max3A_1413 = arith.constant 0 : i32
      %max3A_1414 = vector.broadcast %max3A_1413 : i32 to vector<16xi32>
      %max3A_1415 = arith.maxsi %sub3A_1412, %max3A_1414 : vector<16xi32>
      %lt3A_1416 = arith.constant 0 : i32
      %lt3A_1417 = vector.broadcast %lt3A_1416 : i32 to vector<16xi32>
      %lt3A_1418 = arith.cmpi slt, %max3A_1415, %lt3A_1417 : vector<16xi32>
      %add3A_1419 = arith.constant 16 : i32
      %add3A_1420 = vector.broadcast %add3A_1419 : i32 to vector<16xi32>
      %add3A_1421 = arith.addi %max3A_1415, %add3A_1420 : vector<16xi32>
      %select_n3A_1422 = arith.select %lt3A_1418, %add3A_1421, %max3A_1415 : vector<16xi1>, vector<16xi32>
      %broadcast_in_dim3A_1423 = vector.shape_cast %select_n3A_1422 : vector<16xi32> to vector<16x1xi32>
      %gather3A_1424 = vector.shape_cast %broadcast_in_dim3A_1423 : vector<16x1xi32> to vector<16xi32>
      %gather3A_1425 = tpu.dynamic_gather %add3A_1409[%gather3A_1424] in [0] : vector<16xi32>, vector<16xi32> -> vector<16xi32>
      %ge3A_1426 = arith.constant 4 : i32
      %ge3A_1427 = vector.broadcast %ge3A_1426 : i32 to vector<16xi32>
      %ge3A_1428 = arith.cmpi sge, %iota3A_1363, %ge3A_1427 : vector<16xi32>
      %jit3A_1429 = arith.constant 0 : i32
      %broadcast_in_dim3A_1430 = vector.broadcast %jit3A_1429 : i32 to vector<16xi32>
      %select_n3A_1431 = arith.select %ge3A_1428, %gather3A_1425, %broadcast_in_dim3A_1430 : vector<16xi1>, vector<16xi32>
      %add3A_1432 = arith.addi %add3A_1409, %select_n3A_1431 : vector<16xi32>
      %sub3A_1433 = arith.constant 8 : i32
      %sub3A_1434 = vector.broadcast %sub3A_1433 : i32 to vector<16xi32>
      %sub3A_1435 = arith.subi %iota3A_1363, %sub3A_1434 : vector<16xi32>
      %max3A_1436 = arith.constant 0 : i32
      %max3A_1437 = vector.broadcast %max3A_1436 : i32 to vector<16xi32>
      %max3A_1438 = arith.maxsi %sub3A_1435, %max3A_1437 : vector<16xi32>
      %lt3A_1439 = arith.constant 0 : i32
      %lt3A_1440 = vector.broadcast %lt3A_1439 : i32 to vector<16xi32>
      %lt3A_1441 = arith.cmpi slt, %max3A_1438, %lt3A_1440 : vector<16xi32>
      %add3A_1442 = arith.constant 16 : i32
      %add3A_1443 = vector.broadcast %add3A_1442 : i32 to vector<16xi32>
      %add3A_1444 = arith.addi %max3A_1438, %add3A_1443 : vector<16xi32>
      %select_n3A_1445 = arith.select %lt3A_1441, %add3A_1444, %max3A_1438 : vector<16xi1>, vector<16xi32>
      %broadcast_in_dim3A_1446 = vector.shape_cast %select_n3A_1445 : vector<16xi32> to vector<16x1xi32>
      %gather3A_1447 = vector.shape_cast %broadcast_in_dim3A_1446 : vector<16x1xi32> to vector<16xi32>
      %gather3A_1448 = tpu.dynamic_gather %add3A_1432[%gather3A_1447] in [0] : vector<16xi32>, vector<16xi32> -> vector<16xi32>
      %ge3A_1449 = arith.constant 8 : i32
      %ge3A_1450 = vector.broadcast %ge3A_1449 : i32 to vector<16xi32>
      %ge3A_1451 = arith.cmpi sge, %iota3A_1363, %ge3A_1450 : vector<16xi32>
      %jit3A_1452 = arith.constant 0 : i32
      %broadcast_in_dim3A_1453 = vector.broadcast %jit3A_1452 : i32 to vector<16xi32>
      %select_n3A_1454 = arith.select %ge3A_1451, %gather3A_1448, %broadcast_in_dim3A_1453 : vector<16xi1>, vector<16xi32>
      %add3A_1455 = arith.addi %add3A_1432, %select_n3A_1454 : vector<16xi32>
      %select_n3A_1456 = arith.select %lt3A_1247, %add3A_1362, %add3A_1455 : vector<16xi1>, vector<16xi32>
      %select_n3A_1457 = arith.select %lt3A_1247, %mul3A_1253, %mul3A_1262 : vector<16xi1>, vector<16xi32>
      %shift_right_arithmetic3A_1458 = arith.shrsi %select_n3A_1456, %select_n3A_1457 : vector<16xi32>
      %and3A = arith.constant 255 : i32
      %and3A_1459 = vector.broadcast %and3A : i32 to vector<16xi32>
      %and3A_1460 = arith.andi %shift_right_arithmetic3A_1458, %and3A_1459 : vector<16xi32>
      %sub3A_1461 = arith.constant 1 : i32
      %sub3A_1462 = vector.broadcast %sub3A_1461 : i32 to vector<16xi32>
      %sub3A_1463 = arith.subi %and3A_1460, %sub3A_1462 : vector<16xi32>
      %lt3A_1464 = arith.constant 0 : i32
      %lt3A_1465 = vector.broadcast %lt3A_1464 : i32 to vector<16xi32>
      %lt3A_1466 = arith.cmpi slt, %get3A_1244, %lt3A_1465 : vector<16xi32>
      %add3A_1467 = arith.constant 16 : i32
      %add3A_1468 = vector.broadcast %add3A_1467 : i32 to vector<16xi32>
      %add3A_1469 = arith.addi %get3A_1244, %add3A_1468 : vector<16xi32>
      %select_n3A_1470 = arith.select %lt3A_1466, %add3A_1469, %get3A_1244 : vector<16xi1>, vector<16xi32>
      %broadcast_in_dim3A_1471 = vector.shape_cast %select_n3A_1470 : vector<16xi32> to vector<16x1xi32>
      %gather3A_1472 = vector.shape_cast %broadcast_in_dim3A_1471 : vector<16x1xi32> to vector<16xi32>
      %gather3A_1473 = tpu.dynamic_gather %scan3A_1240[%gather3A_1472] in [0] : vector<16xi32>, vector<16xi32> -> vector<16xi32>
      %add3A_1474 = arith.addi %gather3A_1473, %sub3A_1463 : vector<16xi32>
      %mul3A_1475 = arith.constant 16 : i32
      %mul3A_1476 = arith.muli %scan3A_1239, %mul3A_1475 : i32
      %swap3A_1477 = arith.index_cast %mul3A_1476 : i32 to index
      %swap3A_1478 = tpu.vector_load %arg8[%swap3A_1477] {strides = array<i32>} : memref<4096xi32, #tpu.memory_space<vmem>>, vector<16xi32>,
      %swap3A_1479 = vector.shape_cast %swap3A_1478 : vector<16xi32> to vector<16xi32>
      %swap3A_1480 = vector.shape_cast %add3A_1474 : vector<16xi32> to vector<16xi32>
      tpu.vector_store %arg8[%swap3A_1477], %swap3A_1480 {strides = array<i32>} : memref<4096xi32, #tpu.memory_space<vmem>>, vector<16xi32>,
      %broadcast_in_dim3A_1481 = arith.constant 15 : i32
      %broadcast_in_dim3A_1482 = vector.broadcast %broadcast_in_dim3A_1481 : i32 to vector<16xi32>
      %lt3A_1483 = arith.constant 0 : i32
      %lt3A_1484 = vector.broadcast %lt3A_1483 : i32 to vector<16xi32>
      %lt3A_1485 = arith.cmpi slt, %broadcast_in_dim3A_1482, %lt3A_1484 : vector<16xi32>
      %add3A_1486 = arith.constant 16 : i32
      %add3A_1487 = vector.broadcast %add3A_1486 : i32 to vector<16xi32>
      %add3A_1488 = arith.addi %broadcast_in_dim3A_1482, %add3A_1487 : vector<16xi32>
      %select_n3A_1489 = arith.select %lt3A_1485, %add3A_1488, %broadcast_in_dim3A_1482 : vector<16xi1>, vector<16xi32>
      %broadcast_in_dim3A_1490 = vector.shape_cast %select_n3A_1489 : vector<16xi32> to vector<16x1xi32>
      %gather3A_1491 = vector.shape_cast %broadcast_in_dim3A_1490 : vector<16x1xi32> to vector<16xi32>
      %gather3A_1492 = tpu.dynamic_gather %add3A_1362[%gather3A_1491] in [0] : vector<16xi32>, vector<16xi32> -> vector<16xi32>
      %broadcast_in_dim3A_1493 = arith.constant 15 : i32
      %broadcast_in_dim3A_1494 = vector.broadcast %broadcast_in_dim3A_1493 : i32 to vector<16xi32>
      %lt3A_1495 = arith.constant 0 : i32
      %lt3A_1496 = vector.broadcast %lt3A_1495 : i32 to vector<16xi32>
      %lt3A_1497 = arith.cmpi slt, %broadcast_in_dim3A_1494, %lt3A_1496 : vector<16xi32>
      %add3A_1498 = arith.constant 16 : i32
      %add3A_1499 = vector.broadcast %add3A_1498 : i32 to vector<16xi32>
      %add3A_1500 = arith.addi %broadcast_in_dim3A_1494, %add3A_1499 : vector<16xi32>
      %select_n3A_1501 = arith.select %lt3A_1497, %add3A_1500, %broadcast_in_dim3A_1494 : vector<16xi1>, vector<16xi32>
      %broadcast_in_dim3A_1502 = vector.shape_cast %select_n3A_1501 : vector<16xi32> to vector<16x1xi32>
      %gather3A_1503 = vector.shape_cast %broadcast_in_dim3A_1502 : vector<16x1xi32> to vector<16xi32>
      %gather3A_1504 = tpu.dynamic_gather %add3A_1455[%gather3A_1503] in [0] : vector<16xi32>, vector<16xi32> -> vector<16xi32>
      %min3A_1505 = arith.constant 3 : i32
      %min3A_1506 = vector.broadcast %min3A_1505 : i32 to vector<16xi32>
      %min3A_1507 = arith.minsi %iota3A, %min3A_1506 : vector<16xi32>
      %mul3A_1508 = arith.constant 8 : i32
      %mul3A_1509 = vector.broadcast %mul3A_1508 : i32 to vector<16xi32>
      %mul3A_1510 = arith.muli %min3A_1507, %mul3A_1509 : vector<16xi32>
      %shift_right_arithmetic3A_1511 = arith.shrsi %gather3A_1492, %mul3A_1510 : vector<16xi32>
      %and3A_1512 = arith.constant 255 : i32
      %and3A_1513 = vector.broadcast %and3A_1512 : i32 to vector<16xi32>
      %and3A_1514 = arith.andi %shift_right_arithmetic3A_1511, %and3A_1513 : vector<16xi32>
      %sub3A_1515 = arith.constant 4 : i32
      %sub3A_1516 = vector.broadcast %sub3A_1515 : i32 to vector<16xi32>
      %sub3A_1517 = arith.subi %iota3A, %sub3A_1516 : vector<16xi32>
      %max3A_1518 = arith.constant 0 : i32
      %max3A_1519 = vector.broadcast %max3A_1518 : i32 to vector<16xi32>
      %max3A_1520 = arith.maxsi %sub3A_1517, %max3A_1519 : vector<16xi32>
      %min3A_1521 = arith.constant 3 : i32
      %min3A_1522 = vector.broadcast %min3A_1521 : i32 to vector<16xi32>
      %min3A_1523 = arith.minsi %max3A_1520, %min3A_1522 : vector<16xi32>
      %mul3A_1524 = arith.constant 8 : i32
      %mul3A_1525 = vector.broadcast %mul3A_1524 : i32 to vector<16xi32>
      %mul3A_1526 = arith.muli %min3A_1523, %mul3A_1525 : vector<16xi32>
      %shift_right_arithmetic3A_1527 = arith.shrsi %gather3A_1504, %mul3A_1526 : vector<16xi32>
      %and3A_1528 = arith.constant 255 : i32
      %and3A_1529 = vector.broadcast %and3A_1528 : i32 to vector<16xi32>
      %and3A_1530 = arith.andi %shift_right_arithmetic3A_1527, %and3A_1529 : vector<16xi32>
      %lt3A_1531 = arith.constant 4 : i32
      %lt3A_1532 = vector.broadcast %lt3A_1531 : i32 to vector<16xi32>
      %lt3A_1533 = arith.cmpi slt, %iota3A, %lt3A_1532 : vector<16xi32>
      %lt3A_1534 = arith.constant 8 : i32
      %lt3A_1535 = vector.broadcast %lt3A_1534 : i32 to vector<16xi32>
      %lt3A_1536 = arith.cmpi slt, %iota3A, %lt3A_1535 : vector<16xi32>
      %jit3A_1537 = arith.constant 0 : i32
      %broadcast_in_dim3A_1538 = vector.broadcast %jit3A_1537 : i32 to vector<16xi32>
      %select_n3A_1539 = arith.select %lt3A_1536, %and3A_1530, %broadcast_in_dim3A_1538 : vector<16xi1>, vector<16xi32>
      %select_n3A_1540 = arith.select %lt3A_1533, %and3A_1514, %select_n3A_1539 : vector<16xi1>, vector<16xi32>
      %add3A_1541 = arith.addi %scan3A_1240, %select_n3A_1540 : vector<16xi32>
      scf.yield %add3A_1541 : vector<16xi32>
    }
    %scan3A_1227 = arith.constant 256 : i32
    %eq3A_1228 = arith.constant 0 : i32
    %eq3A_1229 = arith.cmpi eq, %add3A, %eq3A_1228 : i32
    %convert_element_type3A = arith.extui %eq3A_1229 : i1 to i32
    %cond3A = arith.constant 0 : i32
    %cond3A_1230 = arith.cmpi ne, %convert_element_type3A, %cond3A : i32
    scf.if %cond3A_1230 {
      "tpu.region"() ({
        %run_scoped3A = tpu.sem_alloc : memref<!tpu.dma_semaphore, #tpu.memory_space<semaphore_mem>>
        tpu.enqueue_dma source(%arg9 : memref<32xi32, #tpu.memory_space<vmem>>) target(%arg6 : memref<32xi32, #tpu.memory_space<hbm>>) target_semaphore(%run_scoped3A : memref<!tpu.dma_semaphore, #tpu.memory_space<semaphore_mem>>)
        tpu.wait_dma2 semaphore(%run_scoped3A : memref<!tpu.dma_semaphore, #tpu.memory_space<semaphore_mem>>) src(%arg9 : memref<32xi32, #tpu.memory_space<vmem>>) dst(%arg6 : memref<32xi32, #tpu.memory_space<hbm>>)
        tpu.yield
      }) : () -> ()
    } else {
    }
    %mul3A_1231 = arith.constant 128 : i32
    %mul3A_1232 = arith.muli %add3A, %mul3A_1231 : i32
    "tpu.region"() ({
      %run_scoped3A = tpu.sem_alloc : memref<!tpu.dma_semaphore, #tpu.memory_space<semaphore_mem>>
      %dma_start3A = tpu.memref_slice %arg8[%mul3A_1232] : memref<4096xi32, #tpu.memory_space<vmem>> -> memref<128xi32, #tpu.memory_space<vmem>>
      %dma_start3A_1239 = tpu.memref_slice %arg5[%mul3A_1232] : memref<4096xi32, #tpu.memory_space<hbm>> -> memref<128xi32, #tpu.memory_space<hbm>>
      %dma_start3A_1240 = tpu.memref_slice %arg5[%mul3A_1232] : memref<4096xi32, #tpu.memory_space<hbm>> -> memref<128xi32, #tpu.memory_space<hbm>>
      %dma_start3A_1241 = tpu.memref_slice %arg8[%mul3A_1232] : memref<4096xi32, #tpu.memory_space<vmem>> -> memref<128xi32, #tpu.memory_space<vmem>>
      tpu.enqueue_dma source(%dma_start3A_1241 : memref<128xi32, #tpu.memory_space<vmem>>) target(%dma_start3A_1240 : memref<128xi32, #tpu.memory_space<hbm>>) target_semaphore(%run_scoped3A : memref<!tpu.dma_semaphore, #tpu.memory_space<semaphore_mem>>)
      %dma_wait3A = tpu.memref_slice %arg8[%mul3A_1232] : memref<4096xi32, #tpu.memory_space<vmem>> -> memref<128xi32, #tpu.memory_space<vmem>>
      %dma_wait3A_1242 = tpu.memref_slice %arg5[%mul3A_1232] : memref<4096xi32, #tpu.memory_space<hbm>> -> memref<128xi32, #tpu.memory_space<hbm>>
      %dma_wait3A_1243 = tpu.memref_slice %arg5[%mul3A_1232] : memref<4096xi32, #tpu.memory_space<hbm>> -> memref<128xi32, #tpu.memory_space<hbm>>
      %dma_wait3A_1244 = tpu.memref_slice %arg8[%mul3A_1232] : memref<4096xi32, #tpu.memory_space<vmem>> -> memref<128xi32, #tpu.memory_space<vmem>>
      tpu.wait_dma2 semaphore(%run_scoped3A : memref<!tpu.dma_semaphore, #tpu.memory_space<semaphore_mem>>) src(%dma_wait3A_1244 : memref<128xi32, #tpu.memory_space<vmem>>) dst(%dma_wait3A_1243 : memref<128xi32, #tpu.memory_space<hbm>>)
      tpu.yield
    }) : () -> ()
    %scan3A_1233 = arith.constant 0 : i32
    %scan3A_1234 = arith.constant 0 : i32
    %scan3A_1235 = arith.constant 4 : i32
    %scan3A_1236 = arith.addi %scan3A_1234, %scan3A_1235 : i32
    %scan3A_1237 = arith.constant 1 : i32
    scf.for %scan3A_1239 = %scan3A_1234 to %scan3A_1236 step %scan3A_1237  : i32 {
      %mul3A_1240 = arith.constant 32 : i32
      %mul3A_1241 = arith.muli %scan3A_1239, %mul3A_1240 : i32
      %add3A_1242 = arith.addi %mul3A_1232, %mul3A_1241 : i32
      "tpu.region"() ({
        %run_scoped3A = tpu.sem_alloc : memref<!tpu.dma_semaphore, #tpu.memory_space<semaphore_mem>>
        %dma_start3A_1247 = tpu.memref_slice %arg5[%add3A_1242] : memref<4096xi32, #tpu.memory_space<hbm>> -> memref<32xi32, #tpu.memory_space<hbm>>
        %dma_start3A_1248 = tpu.memref_slice %arg5[%add3A_1242] : memref<4096xi32, #tpu.memory_space<hbm>> -> memref<32xi32, #tpu.memory_space<hbm>>
        tpu.enqueue_dma source(%dma_start3A_1248 : memref<32xi32, #tpu.memory_space<hbm>>) target(%arg10 : memref<32xi32, #tpu.memory_space<vmem>>) target_semaphore(%run_scoped3A : memref<!tpu.dma_semaphore, #tpu.memory_space<semaphore_mem>>)
        %dma_wait3A_1249 = tpu.memref_slice %arg5[%add3A_1242] : memref<4096xi32, #tpu.memory_space<hbm>> -> memref<32xi32, #tpu.memory_space<hbm>>
        %dma_wait3A_1250 = tpu.memref_slice %arg5[%add3A_1242] : memref<4096xi32, #tpu.memory_space<hbm>> -> memref<32xi32, #tpu.memory_space<hbm>>
        tpu.wait_dma2 semaphore(%run_scoped3A : memref<!tpu.dma_semaphore, #tpu.memory_space<semaphore_mem>>) src(%dma_wait3A_1250 : memref<32xi32, #tpu.memory_space<hbm>>) dst(%arg10 : memref<32xi32, #tpu.memory_space<vmem>>)
        tpu.yield
      }) : () -> ()
      "tpu.region"() ({
        %run_scoped3A = tpu.sem_alloc : memref<!tpu.dma_semaphore, #tpu.memory_space<semaphore_mem>>
        %dma_start3A_1247 = arith.constant 0 : i32
        %dma_start3A_1248 = tpu.memref_slice %arg3[%add3A_1242, %dma_start3A_1247] : memref<4096x2048xf32, #tpu.memory_space<hbm>> -> memref<32x2048xf32, #tpu.memory_space<hbm>>
        %dma_start3A_1249 = arith.constant 0 : i32
        %dma_start3A_1250 = tpu.memref_slice %arg3[%add3A_1242, %dma_start3A_1249] : memref<4096x2048xf32, #tpu.memory_space<hbm>> -> memref<32x2048xf32, #tpu.memory_space<hbm>>
        tpu.enqueue_dma source(%dma_start3A_1250 : memref<32x2048xf32, #tpu.memory_space<hbm>>) target(%arg11 : memref<32x2048xf32, #tpu.memory_space<vmem>>) target_semaphore(%run_scoped3A : memref<!tpu.dma_semaphore, #tpu.memory_space<semaphore_mem>>)
        %dma_wait3A_1251 = arith.constant 0 : i32
        %dma_wait3A_1252 = tpu.memref_slice %arg3[%add3A_1242, %dma_wait3A_1251] : memref<4096x2048xf32, #tpu.memory_space<hbm>> -> memref<32x2048xf32, #tpu.memory_space<hbm>>
        %dma_wait3A_1253 = arith.constant 0 : i32
        %dma_wait3A_1254 = tpu.memref_slice %arg3[%add3A_1242, %dma_wait3A_1253] : memref<4096x2048xf32, #tpu.memory_space<hbm>> -> memref<32x2048xf32, #tpu.memory_space<hbm>>
        tpu.wait_dma2 semaphore(%run_scoped3A : memref<!tpu.dma_semaphore, #tpu.memory_space<semaphore_mem>>) src(%dma_wait3A_1254 : memref<32x2048xf32, #tpu.memory_space<hbm>>) dst(%arg11 : memref<32x2048xf32, #tpu.memory_space<vmem>>)
        tpu.yield
      }) : () -> ()
      %dma_start3A = arith.constant 0 : i32
      %dma_start3A_1243 = arith.constant 0 : i32
      %dma_start3A_1244 = tpu.memref_slice %arg4[%dma_start3A, %dma_start3A_1243] : memref<6144x2048xf32, #tpu.memory_space<hbm>> -> memref<6144x2048xf32, #tpu.memory_space<hbm>>
      tpu.enqueue_indirect_dma source(%arg11 : memref<32x2048xf32, #tpu.memory_space<vmem>>) target(%dma_start3A_1244 : memref<6144x2048xf32, #tpu.memory_space<hbm>>) offsets(%arg10 : memref<32xi32, #tpu.memory_space<vmem>>) semaphore(%arg12 : memref<!tpu.dma_semaphore, #tpu.memory_space<semaphore_mem>>)
      %dma_wait3A = arith.constant 0 : i32
      %dma_wait3A_1245 = arith.constant 0 : i32
      %dma_wait3A_1246 = tpu.memref_slice %arg4[%dma_wait3A, %dma_wait3A_1245] : memref<6144x2048xf32, #tpu.memory_space<hbm>> -> memref<6144x2048xf32, #tpu.memory_space<hbm>>
      tpu.wait_indirect_dma semaphore(%arg12 : memref<!tpu.dma_semaphore, #tpu.memory_space<semaphore_mem>>) src(%arg11 : memref<32x2048xf32, #tpu.memory_space<vmem>>) dst(%dma_wait3A_1246 : memref<6144x2048xf32, #tpu.memory_space<hbm>>)
    }
    %scan3A_1238 = arith.constant 4 : i32
    return
  }
}

#map = affine_map<(d0, d1) -> (0, 0)>
#map1 = affine_map<(d0, d1) -> (0)>
module attributes {stable_mosaic.version = 14 : i64} {
  func.func @_gather_y_body(%arg0: i32, %arg1: i32, %arg2: memref<6144x2048xf32, #tpu.memory_space<hbm>>, %arg3: memref<4096xi32, #tpu.memory_space<hbm>>, %arg4: memref<4096x2048xf32, #tpu.memory_space<hbm>>, %arg5: memref<32xi32, #tpu.memory_space<vmem>>, %arg6: memref<32x2048xf32, #tpu.memory_space<vmem>>, %arg7: memref<!tpu.dma_semaphore, #tpu.memory_space<semaphore_mem>>) attributes {dimension_semantics = [#tpu.dimension_semantics<core_parallel>, #tpu.dimension_semantics<subcore_parallel>], iteration_bounds = array<i64: 2, 16>, scalar_prefetch = 0 : i64, scratch_operands = 3 : i64, tpu.core_type = #tpu.core_type<sc_vector_subcore>, window_params = [{transform_indices = #map}, {transform_indices = #map1}, {transform_indices = #map}]} {
    %mul3A = arith.constant 2 : i32
    %mul3A_0 = arith.muli %arg1, %mul3A : i32
    %add3A = arith.addi %mul3A_0, %arg0 : i32
    %mul3A_1 = arith.constant 128 : i32
    %mul3A_2 = arith.muli %add3A, %mul3A_1 : i32
    %scan3A = arith.constant 0 : i32
    %scan3A_3 = arith.constant 0 : i32
    %scan3A_4 = arith.constant 4 : i32
    %scan3A_5 = arith.addi %scan3A_3, %scan3A_4 : i32
    %scan3A_6 = arith.constant 1 : i32
    scf.for %scan3A_8 = %scan3A_3 to %scan3A_5 step %scan3A_6  : i32 {
      %mul3A_9 = arith.constant 32 : i32
      %mul3A_10 = arith.muli %scan3A_8, %mul3A_9 : i32
      %add3A_11 = arith.addi %mul3A_2, %mul3A_10 : i32
      "tpu.region"() ({
        %run_scoped3A = tpu.sem_alloc : memref<!tpu.dma_semaphore, #tpu.memory_space<semaphore_mem>>
        %dma_start3A_16 = tpu.memref_slice %arg3[%add3A_11] : memref<4096xi32, #tpu.memory_space<hbm>> -> memref<32xi32, #tpu.memory_space<hbm>>
        %dma_start3A_17 = tpu.memref_slice %arg3[%add3A_11] : memref<4096xi32, #tpu.memory_space<hbm>> -> memref<32xi32, #tpu.memory_space<hbm>>
        tpu.enqueue_dma source(%dma_start3A_17 : memref<32xi32, #tpu.memory_space<hbm>>) target(%arg5 : memref<32xi32, #tpu.memory_space<vmem>>) target_semaphore(%run_scoped3A : memref<!tpu.dma_semaphore, #tpu.memory_space<semaphore_mem>>)
        %dma_wait3A_18 = tpu.memref_slice %arg3[%add3A_11] : memref<4096xi32, #tpu.memory_space<hbm>> -> memref<32xi32, #tpu.memory_space<hbm>>
        %dma_wait3A_19 = tpu.memref_slice %arg3[%add3A_11] : memref<4096xi32, #tpu.memory_space<hbm>> -> memref<32xi32, #tpu.memory_space<hbm>>
        tpu.wait_dma2 semaphore(%run_scoped3A : memref<!tpu.dma_semaphore, #tpu.memory_space<semaphore_mem>>) src(%dma_wait3A_19 : memref<32xi32, #tpu.memory_space<hbm>>) dst(%arg5 : memref<32xi32, #tpu.memory_space<vmem>>)
        tpu.yield
      }) : () -> ()
      %dma_start3A = arith.constant 0 : i32
      %dma_start3A_12 = arith.constant 0 : i32
      %dma_start3A_13 = tpu.memref_slice %arg2[%dma_start3A, %dma_start3A_12] : memref<6144x2048xf32, #tpu.memory_space<hbm>> -> memref<6144x2048xf32, #tpu.memory_space<hbm>>
      tpu.enqueue_indirect_dma source(%dma_start3A_13 : memref<6144x2048xf32, #tpu.memory_space<hbm>>) target(%arg6 : memref<32x2048xf32, #tpu.memory_space<vmem>>) offsets(%arg5 : memref<32xi32, #tpu.memory_space<vmem>>) semaphore(%arg7 : memref<!tpu.dma_semaphore, #tpu.memory_space<semaphore_mem>>)
      %dma_wait3A = arith.constant 0 : i32
      %dma_wait3A_14 = arith.constant 0 : i32
      %dma_wait3A_15 = tpu.memref_slice %arg2[%dma_wait3A, %dma_wait3A_14] : memref<6144x2048xf32, #tpu.memory_space<hbm>> -> memref<6144x2048xf32, #tpu.memory_space<hbm>>
      tpu.wait_indirect_dma semaphore(%arg7 : memref<!tpu.dma_semaphore, #tpu.memory_space<semaphore_mem>>) src(%dma_wait3A_15 : memref<6144x2048xf32, #tpu.memory_space<hbm>>) dst(%arg6 : memref<32x2048xf32, #tpu.memory_space<vmem>>)
      "tpu.region"() ({
        %run_scoped3A = tpu.sem_alloc : memref<!tpu.dma_semaphore, #tpu.memory_space<semaphore_mem>>
        %dma_start3A_16 = arith.constant 0 : i32
        %dma_start3A_17 = tpu.memref_slice %arg4[%add3A_11, %dma_start3A_16] : memref<4096x2048xf32, #tpu.memory_space<hbm>> -> memref<32x2048xf32, #tpu.memory_space<hbm>>
        %dma_start3A_18 = arith.constant 0 : i32
        %dma_start3A_19 = tpu.memref_slice %arg4[%add3A_11, %dma_start3A_18] : memref<4096x2048xf32, #tpu.memory_space<hbm>> -> memref<32x2048xf32, #tpu.memory_space<hbm>>
        tpu.enqueue_dma source(%arg6 : memref<32x2048xf32, #tpu.memory_space<vmem>>) target(%dma_start3A_19 : memref<32x2048xf32, #tpu.memory_space<hbm>>) target_semaphore(%run_scoped3A : memref<!tpu.dma_semaphore, #tpu.memory_space<semaphore_mem>>)
        %dma_wait3A_20 = arith.constant 0 : i32
        %dma_wait3A_21 = tpu.memref_slice %arg4[%add3A_11, %dma_wait3A_20] : memref<4096x2048xf32, #tpu.memory_space<hbm>> -> memref<32x2048xf32, #tpu.memory_space<hbm>>
        %dma_wait3A_22 = arith.constant 0 : i32
        %dma_wait3A_23 = tpu.memref_slice %arg4[%add3A_11, %dma_wait3A_22] : memref<4096x2048xf32, #tpu.memory_space<hbm>> -> memref<32x2048xf32, #tpu.memory_space<hbm>>
        tpu.wait_dma2 semaphore(%run_scoped3A : memref<!tpu.dma_semaphore, #tpu.memory_space<semaphore_mem>>) src(%arg6 : memref<32x2048xf32, #tpu.memory_space<vmem>>) dst(%dma_wait3A_23 : memref<32x2048xf32, #tpu.memory_space<hbm>>)
        tpu.yield
      }) : () -> ()
    }
    %scan3A_7 = arith.constant 4 : i32
    return
  }
}

module attributes {stable_mosaic.version = 14 : i64} {
  func.func @_router_body(%arg0: i32, %arg1: memref<1024x768xf32, #tpu.memory_space<vmem>>, %arg2: memref<8x768xf32, #tpu.memory_space<vmem>>, %arg3: memref<1x1x1024xi32, #tpu.memory_space<vmem>>) attributes {dimension_semantics = [#tpu.dimension_semantics<arbitrary>], iteration_bounds = array<i64: 4>, scalar_prefetch = 0 : i64, scratch_operands = 0 : i64, tpu.core_type = #tpu.core_type<tc>, window_params = [{transform_indices = @transform_0, window_bounds = array<i64: 1024, 768>}, {pipeline_mode = #tpu.pipeline_mode<synchronous>, transform_indices = @transform_1, window_bounds = array<i64: 8, 768>}, {transform_indices = @transform_2, window_bounds = array<i64: 1, 1, 1024>}]} {
    %get3A = arith.constant 0 : index
    %get3A_0 = arith.constant 0 : index
    %get3A_1 = vector.load %arg1[%get3A, %get3A_0] : memref<1024x768xf32, #tpu.memory_space<vmem>>, vector<1024x768xf32>
    %get3A_2 = arith.constant 0 : index
    %get3A_3 = arith.constant 0 : index
    %get3A_4 = vector.load %arg2[%get3A_2, %get3A_3] : memref<8x768xf32, #tpu.memory_space<vmem>>, vector<8x768xf32>
    %mul3A = arith.mulf %get3A_1, %get3A_1 : vector<1024x768xf32>
    %reduce_sum3A = arith.constant dense<0.000000e+00> : vector<1024xf32>
    %reduce_sum3A_5 = vector.multi_reduction <add>, %mul3A, %reduce_sum3A [1] : vector<1024x768xf32> to vector<1024xf32>
    %broadcast_in_dim3A = vector.shape_cast %reduce_sum3A_5 : vector<1024xf32> to vector<1024x1xf32>
    %sqrt3A = math.sqrt %broadcast_in_dim3A : vector<1024x1xf32>
    %max3A = arith.constant 9.99999996E-13 : f32
    %max3A_6 = vector.broadcast %max3A : f32 to vector<1024x1xf32>
    %max3A_7 = arith.maximumf %sqrt3A, %max3A_6 : vector<1024x1xf32>
    %div3A = vector.broadcast %max3A_7 : vector<1024x1xf32> to vector<1024x768xf32>
    %div3A_8 = arith.divf %get3A_1, %div3A : vector<1024x768xf32>
    %mul3A_9 = arith.mulf %get3A_4, %get3A_4 : vector<8x768xf32>
    %reduce_sum3A_10 = arith.constant dense<0.000000e+00> : vector<8xf32>
    %reduce_sum3A_11 = vector.multi_reduction <add>, %mul3A_9, %reduce_sum3A_10 [1] : vector<8x768xf32> to vector<8xf32>
    %broadcast_in_dim3A_12 = vector.shape_cast %reduce_sum3A_11 : vector<8xf32> to vector<8x1xf32>
    %sqrt3A_13 = math.sqrt %broadcast_in_dim3A_12 : vector<8x1xf32>
    %max3A_14 = arith.constant 9.99999996E-13 : f32
    %max3A_15 = vector.broadcast %max3A_14 : f32 to vector<8x1xf32>
    %max3A_16 = arith.maximumf %sqrt3A_13, %max3A_15 : vector<8x1xf32>
    %div3A_17 = vector.broadcast %max3A_16 : vector<8x1xf32> to vector<8x768xf32>
    %div3A_18 = arith.divf %get3A_4, %div3A_17 : vector<8x768xf32>
    %dot_general3A = arith.constant dense<0.000000e+00> : vector<1024x8xf32>
    %dot_general3A_19 = tpu.matmul %div3A_8, %div3A_18, %dot_general3A {dimension_numbers = #tpu.dot_dimension_numbers<[1], [1], [0], [0], [0, 0, 1, 0], [], []>, transpose_lhs_hint = false} : vector<1024x768xf32>, vector<8x768xf32>, vector<1024x8xf32> -> vector<1024x8xf32>
    %argmax3A = tpu.reduce_index %dot_general3A_19 {axis = 1 : i32, kind = #tpu.reduction_kind<arg_max>} : vector<1024x8xf32> -> vector<1024xi32>
    %broadcast_in_dim3A_20 = vector.shape_cast %argmax3A : vector<1024xi32> to vector<1x1x1024xi32>
    %swap3A = arith.constant 0 : index
    %swap3A_21 = arith.constant 0 : index
    %swap3A_22 = arith.constant 0 : index
    %swap3A_23 = vector.load %arg3[%swap3A, %swap3A_21, %swap3A_22] : memref<1x1x1024xi32, #tpu.memory_space<vmem>>, vector<1x1x1024xi32>
    tpu.vector_store %arg3[%swap3A, %swap3A_21, %swap3A_22], %broadcast_in_dim3A_20 {strides = array<i32>} : memref<1x1x1024xi32, #tpu.memory_space<vmem>>, vector<1x1x1024xi32>,
    return
  }
  func.func @transform_0(%arg0: i32) -> (i32, i32) {
    %c0_i32 = arith.constant 0 : i32
    %c0_i32_0 = arith.constant 0 : i32
    return %arg0, %c0_i32 : i32, i32
  }
  func.func @transform_1(%arg0: i32) -> (i32, i32) {
    %c0_i32 = arith.constant 0 : i32
    %c0_i32_0 = arith.constant 0 : i32
    %c0_i32_1 = arith.constant 0 : i32
    return %c0_i32, %c0_i32_0 : i32, i32
  }
  func.func @transform_2(%arg0: i32) -> (i32, i32, i32) {
    %c0_i32 = arith.constant 0 : i32
    %c0_i32_0 = arith.constant 0 : i32
    %c0_i32_1 = arith.constant 0 : i32
    return %arg0, %c0_i32, %c0_i32_0 : i32, i32, i32
  }
}

module attributes {stable_mosaic.version = 14 : i64} {
  func.func @_mlp_body(%arg0: i32, %arg1: memref<32xi32, #tpu.memory_space<smem>>, %arg2: memref<256x2048xf32, #tpu.memory_space<vmem>>, %arg3: memref<1x2048x1024xf32, #tpu.memory_space<vmem>>, %arg4: memref<1x1x1024xf32, #tpu.memory_space<vmem>>, %arg5: memref<1x1024x1024xf32, #tpu.memory_space<vmem>>, %arg6: memref<1x1x1024xf32, #tpu.memory_space<vmem>>, %arg7: memref<1x1024x2048xf32, #tpu.memory_space<vmem>>, %arg8: memref<1x1x2048xf32, #tpu.memory_space<vmem>>, %arg9: memref<256x2048xf32, #tpu.memory_space<vmem>>) attributes {dimension_semantics = [#tpu.dimension_semantics<arbitrary>], iteration_bounds = array<i64: 24>, scalar_prefetch = 1 : i64, scratch_operands = 0 : i64, tpu.core_type = #tpu.core_type<tc>, window_params = [{transform_indices = @transform_0, window_bounds = array<i64: 256, 2048>}, {transform_indices = @transform_1, window_bounds = array<i64: 1, 2048, 1024>}, {transform_indices = @transform_2, window_bounds = array<i64: 1, 1, 1024>}, {transform_indices = @transform_3, window_bounds = array<i64: 1, 1024, 1024>}, {transform_indices = @transform_4, window_bounds = array<i64: 1, 1, 1024>}, {transform_indices = @transform_5, window_bounds = array<i64: 1, 1024, 2048>}, {transform_indices = @transform_6, window_bounds = array<i64: 1, 1, 2048>}, {transform_indices = @transform_7, window_bounds = array<i64: 256, 2048>}]} {
    %get3A = arith.constant 24 : index
    %get3A_0 = memref.load %arg1[%get3A] : memref<32xi32, #tpu.memory_space<smem>>
    %lt3A = arith.cmpi slt, %arg0, %get3A_0 : i32
    %convert_element_type3A = arith.extui %lt3A : i1 to i32
    %cond3A = arith.constant 0 : i32
    %cond3A_1 = arith.cmpi ne, %convert_element_type3A, %cond3A : i32
    scf.if %cond3A_1 {
      %get3A_2 = arith.constant 0 : index
      %get3A_3 = arith.constant 0 : index
      %get3A_4 = vector.load %arg2[%get3A_2, %get3A_3] : memref<256x2048xf32, #tpu.memory_space<vmem>>, vector<256x2048xf32>
      %get3A_5 = arith.constant 0 : index
      %get3A_6 = arith.constant 0 : index
      %get3A_7 = arith.constant 0 : index
      %get3A_8 = vector.load %arg3[%get3A_5, %get3A_6, %get3A_7] : memref<1x2048x1024xf32, #tpu.memory_space<vmem>>, vector<1x2048x1024xf32>
      %get3A_9 = vector.shape_cast %get3A_8 : vector<1x2048x1024xf32> to vector<2048x1024xf32>
      %dot_general3A = arith.constant dense<0.000000e+00> : vector<256x1024xf32>
      %dot_general3A_10 = tpu.matmul %get3A_4, %get3A_9, %dot_general3A {dimension_numbers = #tpu.dot_dimension_numbers<[1], [0], [0], [1], [0, 0, 1, 1], [], []>, transpose_lhs_hint = false} : vector<256x2048xf32>, vector<2048x1024xf32>, vector<256x1024xf32> -> vector<256x1024xf32>
      %get3A_11 = arith.constant 0 : index
      %get3A_12 = arith.constant 0 : index
      %get3A_13 = arith.constant 0 : index
      %get3A_14 = vector.load %arg4[%get3A_11, %get3A_12, %get3A_13] : memref<1x1x1024xf32, #tpu.memory_space<vmem>>, vector<1x1x1024xf32>
      %get3A_15 = vector.shape_cast %get3A_14 : vector<1x1x1024xf32> to vector<1x1024xf32>
      %add3A = vector.broadcast %get3A_15 : vector<1x1024xf32> to vector<256x1024xf32>
      %add3A_16 = arith.addf %dot_general3A_10, %add3A : vector<256x1024xf32>
      %max3A = arith.constant 0.000000e+00 : f32
      %max3A_17 = vector.broadcast %max3A : f32 to vector<256x1024xf32>
      %max3A_18 = arith.maximumf %add3A_16, %max3A_17 : vector<256x1024xf32>
      %get3A_19 = arith.constant 0 : index
      %get3A_20 = arith.constant 0 : index
      %get3A_21 = arith.constant 0 : index
      %get3A_22 = vector.load %arg5[%get3A_19, %get3A_20, %get3A_21] : memref<1x1024x1024xf32, #tpu.memory_space<vmem>>, vector<1x1024x1024xf32>
      %get3A_23 = vector.shape_cast %get3A_22 : vector<1x1024x1024xf32> to vector<1024x1024xf32>
      %dot_general3A_24 = arith.constant dense<0.000000e+00> : vector<256x1024xf32>
      %dot_general3A_25 = tpu.matmul %max3A_18, %get3A_23, %dot_general3A_24 {dimension_numbers = #tpu.dot_dimension_numbers<[1], [0], [0], [1], [0, 0, 1, 1], [], []>, transpose_lhs_hint = false} : vector<256x1024xf32>, vector<1024x1024xf32>, vector<256x1024xf32> -> vector<256x1024xf32>
      %get3A_26 = arith.constant 0 : index
      %get3A_27 = arith.constant 0 : index
      %get3A_28 = arith.constant 0 : index
      %get3A_29 = vector.load %arg6[%get3A_26, %get3A_27, %get3A_28] : memref<1x1x1024xf32, #tpu.memory_space<vmem>>, vector<1x1x1024xf32>
      %get3A_30 = vector.shape_cast %get3A_29 : vector<1x1x1024xf32> to vector<1x1024xf32>
      %add3A_31 = vector.broadcast %get3A_30 : vector<1x1024xf32> to vector<256x1024xf32>
      %add3A_32 = arith.addf %dot_general3A_25, %add3A_31 : vector<256x1024xf32>
      %max3A_33 = arith.constant 0.000000e+00 : f32
      %max3A_34 = vector.broadcast %max3A_33 : f32 to vector<256x1024xf32>
      %max3A_35 = arith.maximumf %add3A_32, %max3A_34 : vector<256x1024xf32>
      %get3A_36 = arith.constant 0 : index
      %get3A_37 = arith.constant 0 : index
      %get3A_38 = arith.constant 0 : index
      %get3A_39 = vector.load %arg7[%get3A_36, %get3A_37, %get3A_38] : memref<1x1024x2048xf32, #tpu.memory_space<vmem>>, vector<1x1024x2048xf32>
      %get3A_40 = vector.shape_cast %get3A_39 : vector<1x1024x2048xf32> to vector<1024x2048xf32>
      %dot_general3A_41 = arith.constant dense<0.000000e+00> : vector<256x2048xf32>
      %dot_general3A_42 = tpu.matmul %max3A_35, %get3A_40, %dot_general3A_41 {dimension_numbers = #tpu.dot_dimension_numbers<[1], [0], [0], [1], [0, 0, 1, 1], [], []>, transpose_lhs_hint = false} : vector<256x1024xf32>, vector<1024x2048xf32>, vector<256x2048xf32> -> vector<256x2048xf32>
      %get3A_43 = arith.constant 0 : index
      %get3A_44 = arith.constant 0 : index
      %get3A_45 = arith.constant 0 : index
      %get3A_46 = vector.load %arg8[%get3A_43, %get3A_44, %get3A_45] : memref<1x1x2048xf32, #tpu.memory_space<vmem>>, vector<1x1x2048xf32>
      %get3A_47 = vector.shape_cast %get3A_46 : vector<1x1x2048xf32> to vector<1x2048xf32>
      %add3A_48 = vector.broadcast %get3A_47 : vector<1x2048xf32> to vector<256x2048xf32>
      %add3A_49 = arith.addf %dot_general3A_42, %add3A_48 : vector<256x2048xf32>
      %tanh3A = math.tanh %add3A_49 : vector<256x2048xf32>
      %swap3A = arith.constant 0 : index
      %swap3A_50 = arith.constant 0 : index
      %swap3A_51 = vector.load %arg9[%swap3A, %swap3A_50] : memref<256x2048xf32, #tpu.memory_space<vmem>>, vector<256x2048xf32>
      tpu.vector_store %arg9[%swap3A, %swap3A_50], %tanh3A {strides = array<i32>} : memref<256x2048xf32, #tpu.memory_space<vmem>>, vector<256x2048xf32>,
    } else {
    }
    return
  }
  func.func @transform_0(%arg0: i32, %arg1: memref<32xi32, #tpu.memory_space<smem>>) -> (i32, i32) {
    %get3A = arith.constant 24 : index
    %get3A_0 = memref.load %arg1[%get3A] : memref<32xi32, #tpu.memory_space<smem>>
    %sub3A = arith.constant 1 : i32
    %sub3A_1 = arith.subi %get3A_0, %sub3A : i32
    %min3A = arith.minsi %arg0, %sub3A_1 : i32
    %c0_i32 = arith.constant 0 : i32
    %c0_i32_2 = arith.constant 0 : i32
    return %min3A, %c0_i32 : i32, i32
  }
  func.func @transform_1(%arg0: i32, %arg1: memref<32xi32, #tpu.memory_space<smem>>) -> (i32, i32, i32) {
    %get3A = arith.index_cast %arg0 : i32 to index
    %get3A_0 = memref.load %arg1[%get3A] : memref<32xi32, #tpu.memory_space<smem>>
    %c0_i32 = arith.constant 0 : i32
    %c0_i32_1 = arith.constant 0 : i32
    %c0_i32_2 = arith.constant 0 : i32
    return %get3A_0, %c0_i32, %c0_i32_1 : i32, i32, i32
  }
  func.func @transform_2(%arg0: i32, %arg1: memref<32xi32, #tpu.memory_space<smem>>) -> (i32, i32, i32) {
    %get3A = arith.index_cast %arg0 : i32 to index
    %get3A_0 = memref.load %arg1[%get3A] : memref<32xi32, #tpu.memory_space<smem>>
    %c0_i32 = arith.constant 0 : i32
    %c0_i32_1 = arith.constant 0 : i32
    %c0_i32_2 = arith.constant 0 : i32
    return %get3A_0, %c0_i32, %c0_i32_1 : i32, i32, i32
  }
  func.func @transform_3(%arg0: i32, %arg1: memref<32xi32, #tpu.memory_space<smem>>) -> (i32, i32, i32) {
    %get3A = arith.index_cast %arg0 : i32 to index
    %get3A_0 = memref.load %arg1[%get3A] : memref<32xi32, #tpu.memory_space<smem>>
    %c0_i32 = arith.constant 0 : i32
    %c0_i32_1 = arith.constant 0 : i32
    %c0_i32_2 = arith.constant 0 : i32
    return %get3A_0, %c0_i32, %c0_i32_1 : i32, i32, i32
  }
  func.func @transform_4(%arg0: i32, %arg1: memref<32xi32, #tpu.memory_space<smem>>) -> (i32, i32, i32) {
    %get3A = arith.index_cast %arg0 : i32 to index
    %get3A_0 = memref.load %arg1[%get3A] : memref<32xi32, #tpu.memory_space<smem>>
    %c0_i32 = arith.constant 0 : i32
    %c0_i32_1 = arith.constant 0 : i32
    %c0_i32_2 = arith.constant 0 : i32
    return %get3A_0, %c0_i32, %c0_i32_1 : i32, i32, i32
  }
  func.func @transform_5(%arg0: i32, %arg1: memref<32xi32, #tpu.memory_space<smem>>) -> (i32, i32, i32) {
    %get3A = arith.index_cast %arg0 : i32 to index
    %get3A_0 = memref.load %arg1[%get3A] : memref<32xi32, #tpu.memory_space<smem>>
    %c0_i32 = arith.constant 0 : i32
    %c0_i32_1 = arith.constant 0 : i32
    %c0_i32_2 = arith.constant 0 : i32
    return %get3A_0, %c0_i32, %c0_i32_1 : i32, i32, i32
  }
  func.func @transform_6(%arg0: i32, %arg1: memref<32xi32, #tpu.memory_space<smem>>) -> (i32, i32, i32) {
    %get3A = arith.index_cast %arg0 : i32 to index
    %get3A_0 = memref.load %arg1[%get3A] : memref<32xi32, #tpu.memory_space<smem>>
    %c0_i32 = arith.constant 0 : i32
    %c0_i32_1 = arith.constant 0 : i32
    %c0_i32_2 = arith.constant 0 : i32
    return %get3A_0, %c0_i32, %c0_i32_1 : i32, i32, i32
  }
  func.func @transform_7(%arg0: i32, %arg1: memref<32xi32, #tpu.memory_space<smem>>) -> (i32, i32) {
    %get3A = arith.constant 24 : index
    %get3A_0 = memref.load %arg1[%get3A] : memref<32xi32, #tpu.memory_space<smem>>
    %sub3A = arith.constant 1 : i32
    %sub3A_1 = arith.subi %get3A_0, %sub3A : i32
    %min3A = arith.minsi %arg0, %sub3A_1 : i32
    %c0_i32 = arith.constant 0 : i32
    %c0_i32_2 = arith.constant 0 : i32
    return %min3A, %c0_i32 : i32, i32
  }
}

</mosaic_0001>

<sc_bundles>
// kernel: kernel.6.cloned.1.call-start
scs
__scs_entry_jumppad:
0x0: {  	(pc) =	sbr.rel $0x88, $3  }
0x1: {  	(tag) =	ssettag $0x0;
	lr =	simm.s32 $0x1  }
0x2: {  	[smem:$0x3F98] =	sst lr;
	_ =	strace $0xD0000000  }
0x3: {  	_ = 	snop  }
0x4: {  	_ = 	snop  }
0x5: {  	_ = 	snop  }
0x6: {  	_ = 	snop  }
0x7: {  	_ = 	snop  }
__scs_overlays_trampoline_lowered:
0x8: {  	[smem:$0x3FA7] =	sst s0  }
0x9: {  	[smem:$0x3FA8] =	sst s1  }
0xa: {  	[smem:$0x3FA9] =	sst s2  }
0xb: {  	[smem:$0x3FAA] =	sst s3  }
0xc: {  	[smem:$0x3FAB] =	sst s4  }
0xd: {  	[smem:$0x3FAC] =	sst s5  }
0xe: {  	[smem:$0x3FAD] =	sst s6  }
0xf: {  	[smem:$0x3FAE] =	sst s7  }
0x10: {  	[smem:$0x3FAF] =	sst s8  }
0x11: {  	[smem:$0x3FB0] =	sst s9;
	s0 =	simm.s32 @!p0 $0x0  }
0x12: {  	s1 =	sld [smem:$0x3F96];
	s0 =	simm.s32 @p0 $0x1  }
0x13: {  	[smem:$0x3FB1] =	sst s0;
	s0 =	simm.s32 @!p1 $0x0  }
0x14: {  	s2 =	sld [smem:$0x3F95];
	s0 =	simm.s32 @p1 $0x1  }
0x15: {  	[smem:$0x3FB2] =	sst s0;
	s0 =	simm.s32 @!p2 $0x0  }
0x16: {  	s3 =	sld [smem:$0x3FDB];
	s0 =	simm.s32 @p2 $0x1  }
0x17: {  	s4 =	simm.s32 $0x1BF5;
	[smem:$0x3FB4] =	sst s0  }
0x18: {  	s0 =	sld [smem:$0x3F97];
	_ =	swait.ge [sflag:s4], $0x0  }
0x19: {  	s7 =	sld [smem:$0x3F98]  }
0x1a: {  	s8 =	sadd.s32 $0xFFFFE003, lr  }
0x1b: {  	s9 =	sadd.s32 $0xFFFFFEF7, lr;
	s5 =	simm.s32 $0xFFFFFFFF;
	p2 =	slt.u32 s8, $0xFFFFF086  }
0x1c: {  	p1 =	slt.u32 s9, $0xF7A;
	s5 =	simm.s32 @!p2 $0x0  }
0x1d: {  	s5 =	simm.s32 @p1 $0x1;
	p0 =	seq.s32 s7, s2  }
0x1e: {  	s7 =	smul.u32 @!p0 $0xF7A, s2;
	p2 =	seq.s32 @!p0 s5, $0x0  }
0x1f: {  	s9 =	smul.u32 $0xF7A, s1;
	s8 =	simm.s32 @!p0 $0x1BF5;
	p2 =	por !p2, p0  }
0x20: {  	[sflag:s8] =	ssyncset.s32 @!p0 $0xFFFFF086;
	s6 =	sadd.s32 @!p0 s3, s7;
	s7 =	simm.s32 @!p0 $0x108  }
0x21: {  	s3 =	sadd.s32 s3, s9;
	s6 =	sadd.s32 @!p0 $0x88, s6;
	s7 =	simm.s32 @p2 $0x1082  }
0x22: {  	[simem:s7], [sflag:s8] =	dma.local @!p0 [hbm:s6], $0xF7A  }
0x23: {  	s9 =	sor.u32 $0xD0000000, s2;
	s6 =	simm.s32 $0x108;
	_ =	swait.ge @!p0 [sflag:s8], $0x0  }
0x24: {  	s3 =	sadd.s32 $0x88, s3;
	s6 =	simm.s32 @!p1 $0x1082;
	[sflag:s4] =	ssyncset.s32 $0xFFFFF086  }
0x25: {  	[simem:s6], [sflag:s4] =	dma.local [hbm:s3], $0xF7A  }
0x26: {  	[smem:$0x3F98] =	sst s1;
	(tag) =	ssettag s2;
	_ =	strace s9  }
0x27: {  	s1 =	sld [smem:$0x3FA8]  }
0x28: {  	s2 =	sld [smem:$0x3FA9]  }
0x29: {  	s4 =	sld [smem:$0x3FAB]  }
0x2a: {  	p0 =	seq.s32 s5, $0x0;
	s5 =	sld [smem:$0x3FAC]  }
0x2b: {  	s6 =	sld [smem:$0x3FAD]  }
0x2c: {  	s7 =	sld [smem:$0x3FAE]  }
0x2d: {  	s3 =	simm.s32 $0x108;
	s8 =	sld [smem:$0x3FAF]  }
0x2e: {  	s3 =	simm.s32 @!p0 $0x1082;
	s9 =	sld [smem:$0x3FB0]  }
0x2f: {  	lr =	sadd.s32 s0, s3;
	s0 =	sld [smem:$0x3FA7]  }
0x30: {  	s3 =	sld [smem:$0x3FAA]  }
0x31: {  	[smem:$0x3FB3] =	sst s10  }
0x32: {  	s10 =	sld [smem:$0x3FB1];
	_ =	sdelay $0x3  }
0x33: {  	p0 =	seq.s32 s10, $0x1;
	s10 =	sld [smem:$0x3FB3];
	_ =	sdelay $0x3  }
0x34: {  	[smem:$0x3FB3] =	sst s10  }
0x35: {  	s10 =	sld [smem:$0x3FB2];
	_ =	sdelay $0x3  }
0x36: {  	p1 =	seq.s32 s10, $0x1;
	s10 =	sld [smem:$0x3FB3];
	_ =	sdelay $0x3  }
0x37: {  	[smem:$0x3FB3] =	sst s10  }
0x38: {  	s10 =	sld [smem:$0x3FB4]  }
0x39: {  	_ = 	snop;
	(pc) =	sbr.ind lr, $3  }
0x3a: {  	_ = 	snop  }
0x3b: {  	_ = 	snop  }
0x3c: {  	p2 =	seq.s32 s10, $0x1;
	s10 =	sld [smem:$0x3FB3]  }
0x3d: {  	_ =	shalt  }
0x3e: {  	_ =	shalt  }
0x3f: {  	_ =	shalt  }
0x40: {  	_ =	shalt  }
0x41: {  	_ =	shalt  }
0x42: {  	_ =	shalt  }
0x43: {  	_ =	shalt  }
0x44: {  	_ =	shalt  }
0x45: {  	_ =	shalt  }
0x46: {  	_ =	shalt  }
0x47: {  	_ =	shalt  }
0x48: {  	_ =	shalt  }
0x49: {  	_ =	shalt  }
0x4a: {  	_ =	shalt  }
0x4b: {  	_ =	shalt  }
0x4c: {  	_ =	shalt  }
0x4d: {  	_ =	shalt  }
0x4e: {  	_ =	shalt  }
0x4f: {  	_ =	shalt  }
0x50: {  	_ =	shalt  }
0x51: {  	_ =	shalt  }
0x52: {  	_ =	shalt  }
0x53: {  	_ =	shalt  }
0x54: {  	_ =	shalt  }
0x55: {  	_ =	shalt  }
0x56: {  	_ =	shalt  }
0x57: {  	_ =	shalt  }
0x58: {  	_ =	shalt  }
0x59: {  	_ =	shalt  }
0x5a: {  	_ =	shalt  }
0x5b: {  	_ =	shalt  }
0x5c: {  	_ =	shalt  }
0x5d: {  	_ =	shalt  }
0x5e: {  	_ =	shalt  }
0x5f: {  	_ =	shalt  }
0x60: {  	_ =	shalt  }
0x61: {  	_ =	shalt  }
0x62: {  	_ =	shalt  }
0x63: {  	_ =	shalt  }
0x64: {  	_ =	shalt  }
0x65: {  	_ =	shalt  }
0x66: {  	_ =	shalt  }
0x67: {  	_ =	shalt  }
0x68: {  	_ =	shalt  }
0x69: {  	_ =	shalt  }
0x6a: {  	_ =	shalt  }
0x6b: {  	_ =	shalt  }
0x6c: {  	_ =	shalt  }
0x6d: {  	_ =	shalt  }
0x6e: {  	_ =	shalt  }
0x6f: {  	_ =	shalt  }
0x70: {  	_ =	shalt  }
0x71: {  	_ =	shalt  }
0x72: {  	_ =	shalt  }
0x73: {  	_ =	shalt  }
0x74: {  	_ =	shalt  }
0x75: {  	_ =	shalt  }
0x76: {  	_ =	shalt  }
0x77: {  	_ =	shalt  }
0x78: {  	_ =	shalt  }
0x79: {  	_ =	shalt  }
0x7a: {  	_ =	shalt  }
0x7b: {  	_ =	shalt  }
0x7c: {  	_ =	shalt  }
0x7d: {  	_ =	shalt  }
0x7e: {  	_ =	shalt  }
0x7f: {  	_ =	shalt  }
0x80: {  	_ =	shalt  }
0x81: {  	_ =	shalt  }
0x82: {  	_ =	shalt  }
0x83: {  	_ =	shalt  }
0x84: {  	_ =	shalt  }
0x85: {  	_ =	shalt  }
0x86: {  	_ =	shalt  }
0x87: {  	_ =	shalt  }
.Lfunc_end0:
.L_simem_size_0:
called_computation_lowered:
.L_overlay_start_0:
0x88: {  	s2 =	sld [smem:$0x3FD9]  }
0x89: {  	s3 =	sld [smem:$0x3FFE];
	_ =	sdelay $0x1  }
0x8a: {  	s1 =	srdreg.scid  }
0x8b: {  	s0 =	sand.u32 $0x1, s1  }
0x8c: {  	s17 =	sshll.u32 s0, $0xA;
	s2 =	sadd.s32 s3, s2  }
0x8d: {  	s2 =	sadd.s32 s2, s17  }
0x8e: {  	[smem:$0x3FBF] =	sst s2  }
0x8f: {  	_ = 	snop  }
0x90: {  	s2 =	sld [smem:$0x3FC9];
	(tm) =	ssettm $0x1  }
0x91: {  	s18 =	sld [smem:$0x3FFB];
	_ =	sdelay $0x3  }
0x92: {  	_ =	strace s18  }
0x93: {  	s3 =	sld [smem:$0x3FFC];
	_ =	sdelay $0x3  }
0x94: {  	_ =	strace s3  }
0x95: {  	s3 =	sld [smem:$0x3FFD];
	_ =	sdelay $0x3  }
0x96: {  	_ =	strace s3  }
0x97: {  	_ =	strace $0x8FFFFFFF  }
0x98: {  	s19 =	sld [smem:$0x3FDB];
	_ =	sdelay $0x1  }
0x99: {  	s4 =	simm.s32 $_scs_section_size  }
0x9a: {  	s5 =	simm.s32 $_size__tile_overlayer_lowered;
	s6 =	simm.s32 $_tile_overlayer_lowered  }
0x9b: {  	s22 =	simm.s32 $0x1BFF;
	s21 =	sshll.u32 s6, $0x1;
	s3 =	sadd.s32 s4, s19  }
0x9c: {  	s7 =	simm.s32 $0x0;
	s20 =	sshll.u32 s5, $0x1;
	s5 =	sadd.s32 s21, s3  }
0x9d: {  	[timem:s7], [sflag:s22] =	dma.local [hbm:s5], s20  }
0x9e: {  	_ =	swait.ge [sflag:s22], s20  }
0x9f: {  	s4 =	ssub.s32 $0x0, s20;
	[sflag:s22] =	ssyncset.done $0x0  }
0xa0: {  	[sflag:s22] =	ssyncadd.s32 s4;
	_ =	sdelay $0x1  }
0xa1: {  	s23 =	simm.s32 $0x1B8B  }
0xa2: {  	_ =	swait.ge [sflag:s23], $0x1  }
0xa3: {  	[sflag:s23] =	ssyncset.done $0x0  }
0xa4: {  	s25 =	simm.s32 $0x1B8E;
	s24 =	sld [smem:$0x3FFE];
	[sflag:s23] =	ssyncadd.s32 $0xFFFFFFFF  }
0xa5: {  	s26 =	simm.s32 $execute0_lowered;
	[smem:$0x3FD2] =	sst s25  }
0xa6: {  	s5 =	sshll.u32 s26, $0x1;
	_ =	strace $0x80000046;
	[dreg:$0x1] =	wrdreg $0xFFFFFFFF  }
0xa7: {  	s28 =	simm.s32 $_size_execute0_lowered;
	s3 =	sadd.s32 s3, s5;
	[dreg:$0x0] =	wrdreg $0x0  }
0xa8: {  	s5 =	sshll.u32 s28, $0x1;
	[dreg:$0x2] =	wrdreg s3  }
0xa9: {  	[dreg:$0x3] =	wrdreg s5  }
0xaa: {  	[dreg:$0x4] =	wrdreg $0xC0  }
0xab: {  	_ =	task [dreg:s7], $0x5FFFF  }
0xac: {  	[dreg:$0x1] =	wrdreg $0xFFFFFFFF  }
0xad: {  	[dreg:$0x0] =	wrdreg $0x60  }
0xae: {  	[dreg:$0x2] =	wrdreg s24  }
0xaf: {  	[dreg:$0x3] =	wrdreg s2  }
0xb0: {  	[dreg:$0x4] =	wrdreg $0x9  }
0xb1: {  	_ =	task.clear_ibuf [dreg:s7], $0x5FFFF;
	_ =	strace $0x90000046  }
0xb2: {  	s29 =	simm.s32 $0x9;
	_ =	strace $0x80000048  }
0xb3: {  	_ =	swait.ge [sflag:s29], $0x1  }
0xb4: {  	[sflag:s29] =	ssyncadd.s32 $0xFFFFFFFF  }
0xb5: {  	_ =	strace $0x90000048  }
0xb6: {  	_ =	sfence  }
0xb7: {  	s30 =	sld [smem:$0x0];
	_ =	sdelay $0x2  }
0xb8: {  	s31 =	sshll.u32 s1, $0xD;
	s1 =	sshrl.u32 s1, $0x2  }
0xb9: {  	s3 =	sand.u32 $0x4000, s31;
	s1 =	sadd.s32 s1, s30  }
0xba: {  	s0 =	sor.u32 s3, s0;
	s1 =	sshll.u32 s1, $0x11  }
0xbb: {  	s0 =	sor.u32 s1, s0  }
0xbc: {  	s0 =	sadd.s32 $0x8F2B, s0  }
0xbd: {  	[sflag:s0] =	ssyncadd.remote.s32 $0x1  }
0xbe: {  	_ =	sfence.sel $0xFFFF  }
0xbf: {  	[dreg:$0x0] =	wrdreg $0xFFFFFFFF;
	(pc) =	sbr.abs _section_cstart, $3  }
0xc0: {  	[dreg:$0x1] =	wrdreg $0xFFFFFFFF  }
0xc1: {  	_ =	task.clear_ibuf [dreg:s7], $0x2FFFF;
	_ =	strace $0x9FFFFFFF  }
0xc2: {  	(tm) =	ssettm $0x7FFFFFFF  }
0xc3: {  	_ =	shalt  }
tec
execute0_lowered:
.L_overlay_start_1:
0x0: {  	(tag) =	ssettag $0x1  }
0x1: {  	s5 =	rddreg [dreg:$0x0]  }
0x2: {  	s2 =	rddreg [dreg:$0x1];
	s1 =	simm.s32 $0x0;
	s18 =	srdreg.scid  }
0x3: {  	s15 =	stileid.u32;
	s23 =	simm.s32 $0x2080;
	s24 =	simm.s32 $0x2900  }
0x4: {  	s26 =	simm.s32 $0x3100;
	s11 =	simm.s32 $0x4900;
	s12 =	simm.s32 $0x5100  }
0x5: {  	s13 =	simm.s32 $0x5900;
	[smem:$0x7FF] =	sst s1;
	s0 =	sadd.s32 $0x1800, s5  }
0x6: {  	s8 =	sadd.s32 $0x181A00, s5;
	_ =	strace $0x80000047;
	[dreg:$0x16] =	wrdreg s0  }
0x7: {  	s14 =	simm.s32 $0x6100;
	s16 =	simm.s32 $0x6900;
	[dreg:$0x17] =	wrdreg s8  }
0x8: {  	s17 =	simm.s32 $0x7100;
	s28 =	simm.s32 $0xF100;
	[dreg:$0x4] =	wrdreg s23  }
0x9: {  	s29 =	simm.s32 $0xF900;
	s30 =	simm.s32 $0x10100;
	[dreg:$0x5] =	wrdreg s24  }
0xa: {  	s31 =	simm.s32 $0x10900;
	s4 =	sadd.s32 $0x1A00, s5;
	[dreg:$0x6] =	wrdreg s26  }
0xb: {  	s3 =	sand.u32 $0x1, s18;
	s6 =	sadd.s32 $0x181C00, s5;
	[dreg:$0x9] =	wrdreg s11  }
0xc: {  	s19 =	sshll.u32 s15, $0x8;
	s9 =	sshll.u32 s15, $0x1;
	[dreg:$0xa] =	wrdreg s12  }
0xd: {  	s7 =	sshll.u32 s3, $0x7;
	s20 =	ssub.s32 $0x2, s3;
	[dreg:$0xb] =	wrdreg s13  }
0xe: {  	s11 =	sadd.s32 $0x1E00, s5;
	s12 =	sadd.s32 $0x1F00, s5;
	[dreg:$0xc] =	wrdreg s14  }
0xf: {  	v0 =	vimm.s32 $0xEDCBA987;
	s13 =	sadd.s32 $0x2000, s5;
	s14 =	sadd.s32 $0x2100, s5;
	[dreg:$0xd] =	wrdreg s16  }
0x10: {  	v1 =	vimm.s32 $0x65432100;
	v2 =	vimm.s32 $0xDCBA9876;
	[dreg:$0xe] =	wrdreg s17;
	s23 =	simm.s32 $0x9100;
	s24 =	simm.s32 $0x9900  }
0x11: {  	v5 =	vimm.s32 $0xE40000;
	v6 =	vimm.s32 $0x32100000;
	vm0 =	vmmov $0x3;
	s17 =	simm.s32 $0x2;
	s26 =	simm.s32 $0xA900;
	[dreg:$0x12] =	wrdreg s23  }
0x12: {  	vm2 =	vcmask $0x3F30;
	vm1 =	vmmov $0xf;
	vm3 =	vmmov $0x1;
	s0 =	sor.u32 s7, s19;
	s21 =	sshrl.u32 s20, $0x1;
	[dreg:$0x13] =	wrdreg s24  }
0x13: {  	vm8 =	vcmask $0x1320;
	vm9 =	vcmask $0x1720;
	vm10 =	vcmask $0x1B20;
	s19 =	simm.s32 $0x7900;
	[dreg:$0x15] =	wrdreg s26;
	s23 =	simm.s32 $0xD100  }
0x14: {  	v9 =	vimm.s32 $0x2;
	v10 =	vimm.s32 $0x3;
	v0 =	vunpack.c.l.s4.s8 v0;
	s24 =	simm.s32 $0xD900;
	s26 =	simm.s32 $0xE900;
	s10 =	sshrl.u32 s0, $0x3  }
0x15: {  	v11 =	vimm.s32 $0x4;
	v12 =	vimm.s32 $0x5;
	v13 =	vimm.s32 $0x6;
	s7 =	ssub.s32 s20, s21;
	s0 =	sor.u32 s3, s9;
	s20 =	sshll.u32 s15, $0x10  }
0x16: {  	vm11 =	vcmask $0x1F24;
	v1 =	vunpack.c.l.s4.s8 v1;
	v0 =	vunpack.c.0.s8.s32 v0;
	[dreg:$0xf] =	wrdreg s19;
	s21 =	simm.s32 $0x8100;
	s3 =	sshll.u32 s3, $0xF  }
0x17: {  	v16 =	vimm.s32 $0x18100800;
	vm12 =	vcmask $0x1F10;
	v2 =	vunpack.c.l.s4.s8 v2;
	s19 =	simm.s32 $0xB100;
	s22 =	sadd.s32 s10, s6;
	s9 =	sshll.u32 s0, $0x4  }
0x18: {  	v1 =	vunpack.c.0.s8.s32 v1;
	s25 =	sshll.u32 s0, $0x7;
	s10 =	simm.s32 $0x4100;
	v3 =	vand.u32 $0xF, v0;
	v0 =	vimm.s32 $0x54321000;
	[dreg:$0x10] =	wrdreg s21  }
0x19: {  	vm13 =	vmmov $0xffff;
	v2 =	vunpack.c.0.s8.s32 v2;
	s18 =	smax.u32 s7, $0x1;
	s2 =	sadd.s32 s20, s2;
	[dreg:$0x3] =	wrdreg s22;
	v4 =	vunpack.c.l.s4.s8 v0  }
0x1a: {  	v16 =	vunpack.c.0.s8.s32 v16;
	p0 =	sne.s32 s0, $0x0;
	s20 =	simm.s32 $0xB900;
	[dreg:$0x8] =	wrdreg s10;
	v1 =	vcombine.low v1, v3;
	v3 =	vunpack.c.l.s2.s4 v5  }
0x1b: {  	s21 =	simm.s32 $0xC100;
	s6 =	sadd.s32 s6, s9;
	v5 =	vand.u32 $0xF, v2;
	v2 =	vimm.s32 $0xBA987654;
	[dreg:$0x1a] =	wrdreg s18;
	v4 =	vunpack.c.0.s8.s32 v4  }
0x1c: {  	s0 =	simm.s32 $0x11100;
	s8 =	sor.u32 $0x1000, s25;
	v0 =	vimm.s32 $0x0;
	[dreg:$0x18] =	wrdreg s6;
	v7 =	vunpack.c.l.s4.s8 v2;
	v8 =	vunpack.c.l.s4.s8 v3  }
0x1d: {  	s9 =	simm.s32 $0x3900;
	s10 =	sadd.s32 $0x1D00, s5;
	[dreg:$0x19] =	wrdreg s8;
	v2 =	vlaneseq.u32;
	v3 =	vcombine.low v4, v5;
	v4 =	vunpack.c.l.s4.s8 v6  }
0x1e: {  	s22 =	simm.s32 $0x8900;
	s2 =	sadd.s32 s3, s2;
	[dreg:$0x7] =	wrdreg s9;
	v5 =	vunpack.c.0.s8.s32 v7;
	v6 =	vimm.s32 $0x7060504;
	v7 =	vunpack.c.0.s8.s32 v8  }
0x1f: {  	s25 =	simm.s32 $0xA100;
	s18 =	simm.s32 $0x2100;
	[dreg:$0x11] =	wrdreg s22;
	v14 =	vor.u32 $0x10, v2;
	v6 =	vunpack.c.0.s8.s32 v6;
	v4 =	vunpack.c.0.s8.s32 v4  }
0x20: {  	s3 =	simm.s32 $0x1;
	s8 =	sadd.s32 $0x1B00, s5;
	[dreg:$0x1b] =	wrdreg s2;
	v15 =	vmul.u32 $0x8, v2;
	v5 =	vand.u32 $0xF, v5;
	v7 =	vand.u32 $0x3, v7  }
0x21: {  	s9 =	sadd.s32 $0x1C00, s5;
	[dreg:$0x14] =	wrdreg s25;
	s22 =	simm.s32 $0xC900;
	v8 =	vimm.s32 $0x1;
	v4 =	vcombine.low v4, v5;
	v5 =	vsel vm2, v6, v7  }
0x22: {  	s25 =	simm.s32 $0xE100;
	s2 =	simm.s32 $0x11900;
	s5 =	simm.s32 $0x0;
	vm2 =	vmmov $0xff;
	v6 =	vimm.s32 $0xF;
	v7 =	vimm.s32 $0x7  }
.LBB2_1:
0x23: {  	s6 =	rddreg [dreg:$0x16]  }
0x24: {  	[tilespmem:s1], [sflag:$0x2] =	stream.linear.gather [hbm4b:s6+s1], $0x1000, $0x38;
	[tilespmem:$0x12100] =	vst v63  }
0x25: {  	_ =	swait.ge [sflag:s17], $0x1000  }
0x26: {  	[sflag:s17] =	ssyncset.done $0x0  }
0x27: {  	s16 =	simm.s32 $0x0;
	[sflag:s17] =	ssyncadd.s32 $0xFFFFF000  }
0x28: {  	v18 =	vld [tilespmem:s16+$0x0];
	_ =	sdelay $0x1  }
0x29: {  	v22 =	vimm.s32 $0x0  }
0x2a: {  	v19 =	vimm.s32 $0x0;
	v20 =	vimm.s32 $0x0;
	v21 =	vimm.s32 $0x0  }
0x2b: {  	v23 =	vimm.s32 $0x0;
	v24 =	vimm.s32 $0x0;
	v25 =	vimm.s32 $0x0  }
0x2c: {  	vm14 =	veq.s32 v18, $0x0;
	vm15 =	veq.s32 v18, $0x1;
	vm6 =	veq.s32 v18, $0x7  }
0x2d: {  	vm5 =	veq.s32 v18, $0x2;
	vm4 =	veq.s32 v18, $0x3;
	v17 =	vsel vm6, $0x1, v0  }
0x2e: {  	s7 =	simm.s32 $0x10;
	s6 =	simm.s32 $0x80;
	vm7 =	veq.s32 v18, $0x4;
	vm6 =	veq.s32 v18, $0x5;
	v17 =	vadd.s32 v17, v0  }
.LBB2_2:
0x2f: {  	p1 =	sne.s32 s6, $0x3FC0;
	v26 =	vsel vm14, $0x1, v0;
	v27 =	vsel vm15, $0x1, v0;
	vm14 =	veq.s32 v18, $0x6;
	v18 =	vld [tilespmem:s7+$0x0]  }
0x30: {  	v28 =	vsel vm5, $0x1, v0;
	v29 =	vsel vm4, $0x1, v0;
	v30 =	vsel vm7, $0x1, v0  }
0x31: {  	v22 =	vadd.s32 v26, v22;
	v26 =	vsel vm6, $0x1, v0;
	v31 =	vsel vm14, $0x1, v0  }
.Ltmp0:
0x32: {  	v19 =	vadd.s32 v27, v19;
	v20 =	vadd.s32 v28, v20;
	v21 =	vadd.s32 v29, v21;
	(pc) =	sbr.rel @p1 .LBB2_2-.Ltmp0, $4  }
0x33: {  	v23 =	vadd.s32 v30, v23;
	v24 =	vadd.s32 v26, v24;
	v25 =	vadd.s32 v31, v25  }
0x34: {  	vm14 =	veq.s32 v18, $0x0;
	vm15 =	veq.s32 v18, $0x1;
	vm6 =	veq.s32 v18, $0x7  }
0x35: {  	vm5 =	veq.s32 v18, $0x2;
	vm4 =	veq.s32 v18, $0x3;
	v26 =	vsel vm6, $0x1, v0  }
0x36: {  	s7 =	sshra.s32 s6, $0x2;
	s6 =	sadd.s32 $0x40, s6;
	vm7 =	veq.s32 v18, $0x4;
	vm6 =	veq.s32 v18, $0x5;
	v17 =	vadd.s32 v26, v17  }
0x37: {  	v26 =	vsel vm14, $0x1, v0;
	v27 =	vsel vm15, $0x1, v0;
	v29 =	vld [tilespmem:s7+$0x0]  }
0x38: {  	v28 =	vsel vm5, $0x1, v0;
	v30 =	vsel vm4, $0x1, v0;
	vm4 =	veq.s32 v18, $0x6  }
0x39: {  	v18 =	vsel vm7, $0x1, v0;
	vm14 =	veq.s32 v2, $0x0;
	v22 =	vadd.s32 v26, v22  }
0x3a: {  	v26 =	vsel vm6, $0x1, v0;
	v31 =	vsel vm4, $0x1, v0;
	v19 =	vadd.s32 v27, v19  }
0x3b: {  	v20 =	vadd.s32 v28, v20;
	v21 =	vadd.s32 v30, v21;
	v18 =	vadd.s32 v18, v23  }
0x3c: {  	v23 =	vadd.s32 v26, v24;
	v24 =	vadd.s32 v31, v25;
	vm6 =	veq.s32 v29, $0x7  }
0x3d: {  	vm4 =	veq.s32 v29, $0x0;
	vm5 =	veq.s32 v29, $0x1;
	v25 =	vsel vm6, $0x1, v0  }
0x3e: {  	vm6 =	veq.s32 v29, $0x2;
	v26 =	vsel vm4, $0x1, v0;
	vm4 =	veq.s32 v29, $0x3  }
0x3f: {  	v27 =	vsel vm5, $0x1, v0;
	vm5 =	veq.s32 v29, $0x4;
	v44 =	vsel vm6, $0x1, v0  }
0x40: {  	vm6 =	veq.s32 v29, $0x5;
	v17 =	vadd.s32 v25, v17;
	v25 =	vsel vm4, $0x1, v0  }
0x41: {  	vm4 =	veq.s32 v29, $0x6;
	v45 =	vsel vm5, $0x1, v0;
	v22 =	vadd.s32 v26, v22  }
0x42: {  	v19 =	vadd.s32 v27, v19;
	v26 =	vsel vm6, $0x1, v0;
	v46 =	vsel vm4, $0x1, v0  }
0x43: {  	v20 =	vadd.s32 v44, v20;
	v27 =	vperm.xlane v22, v1;
	v21 =	vadd.s32 v25, v21  }
0x44: {  	v18 =	vadd.s32 v45, v18;
	v25 =	vperm.xlane v19, v1;
	vm4 =	vcmask $0x320  }
0x45: {  	v23 =	vadd.s32 v26, v23;
	v26 =	vsel vm14, $0x0, v27;
	v27 =	vperm.xlane v20, v1  }
0x46: {  	v25 =	vsel vm14, $0x0, v25;
	v22 =	vadd.s32 v22, v26;
	v26 =	vperm.xlane v21, v1  }
0x47: {  	v19 =	vadd.s32 v19, v25;
	v47 =	vperm.xlane v22, v3;
	v25 =	vsel vm14, $0x0, v27  }
0x48: {  	v27 =	vperm.xlane v19, v3;
	v20 =	vadd.s32 v20, v25;
	v25 =	vsel vm14, $0x0, v26  }
0x49: {  	v26 =	vsel vm0, $0x0, v47;
	v48 =	vperm.xlane v20, v3;
	v21 =	vadd.s32 v21, v25  }
0x4a: {  	v25 =	vsel vm0, $0x0, v27;
	v22 =	vadd.s32 v26, v22;
	v26 =	vperm.xlane v21, v3  }
0x4b: {  	v19 =	vadd.s32 v25, v19;
	v27 =	vperm.xlane v22, v4;
	v25 =	vsel vm0, $0x0, v48  }
0x4c: {  	v49 =	vperm.xlane v19, v4;
	v20 =	vadd.s32 v25, v20;
	v25 =	vsel vm0, $0x0, v26  }
0x4d: {  	v26 =	vsel vm1, $0x0, v27;
	v27 =	vperm.xlane v20, v4;
	v21 =	vadd.s32 v25, v21  }
0x4e: {  	v25 =	vsel vm1, $0x0, v49;
	v22 =	vadd.s32 v26, v22;
	v26 =	vperm.xlane v21, v4  }
0x4f: {  	v19 =	vadd.s32 v25, v19;
	v50 =	vperm.xlane v22, v5;
	v25 =	vsel vm1, $0x0, v27  }
0x50: {  	v27 =	vperm.xlane v19, v5;
	v20 =	vadd.s32 v25, v20;
	v25 =	vsel vm1, $0x0, v26  }
0x51: {  	v26 =	vsel vm2, $0x0, v50;
	v51 =	vperm.xlane v20, v5;
	v21 =	vadd.s32 v25, v21  }
0x52: {  	v25 =	vsel vm2, $0x0, v27;
	v22 =	vadd.s32 v26, v22;
	v26 =	vperm.xlane v21, v5  }
0x53: {  	v19 =	vadd.s32 v25, v19;
	v22 =	vperm.xlane v22, v6;
	v25 =	vsel vm2, $0x0, v51  }
0x54: {  	v19 =	vperm.xlane v19, v6;
	v20 =	vadd.s32 v25, v20;
	v25 =	vsel vm2, $0x0, v26  }
0x55: {  	v22 =	vnsel vm3, $0x0, v22;
	v20 =	vperm.xlane v20, v6;
	v21 =	vadd.s32 v25, v21  }
0x56: {  	v19 =	vsel vm4, v22, v19;
	v21 =	vperm.xlane v21, v6;
	vm4 =	vcmask $0x720  }
0x57: {  	v22 =	vperm.xlane v18, v1;
	v19 =	vsel vm4, v19, v20;
	vm4 =	vcmask $0xB20  }
0x58: {  	v24 =	vadd.s32 v46, v24;
	v20 =	vperm.xlane v23, v1;
	v19 =	vsel vm4, v19, v21  }
0x59: {  	v21 =	vsel vm14, $0x0, v22;
	v22 =	vperm.xlane v24, v1;
	vm4 =	vcmask $0xF20  }
0x5a: {  	v18 =	vadd.s32 v18, v21;
	v20 =	vsel vm14, $0x0, v20;
	v21 =	vperm.xlane v17, v1  }
0x5b: {  	v25 =	vperm.xlane v18, v3;
	v20 =	vadd.s32 v23, v20;
	v22 =	vsel vm14, $0x0, v22  }
0x5c: {  	v23 =	vperm.xlane v20, v3;
	v22 =	vadd.s32 v24, v22;
	v21 =	vsel vm14, $0x0, v21  }
0x5d: {  	v24 =	vsel vm0, $0x0, v25;
	v25 =	vperm.xlane v22, v3;
	v17 =	vadd.s32 v17, v21  }
0x5e: {  	v18 =	vadd.s32 v24, v18;
	v21 =	vsel vm0, $0x0, v23;
	v23 =	vperm.xlane v17, v3  }
0x5f: {  	v24 =	vperm.xlane v18, v4;
	v20 =	vadd.s32 v21, v20;
	v21 =	vsel vm0, $0x0, v25  }
0x60: {  	v25 =	vperm.xlane v20, v4;
	v21 =	vadd.s32 v21, v22;
	v22 =	vsel vm0, $0x0, v23  }
0x61: {  	v23 =	vsel vm1, $0x0, v24;
	v24 =	vperm.xlane v21, v4;
	v17 =	vadd.s32 v22, v17  }
0x62: {  	v18 =	vadd.s32 v23, v18;
	v22 =	vsel vm1, $0x0, v25;
	v23 =	vperm.xlane v17, v4  }
0x63: {  	v25 =	vperm.xlane v18, v5;
	v20 =	vadd.s32 v22, v20;
	v22 =	vsel vm1, $0x0, v24  }
0x64: {  	v24 =	vperm.xlane v20, v5;
	v21 =	vadd.s32 v22, v21;
	v22 =	vsel vm1, $0x0, v23  }
0x65: {  	v23 =	vsel vm2, $0x0, v25;
	v25 =	vperm.xlane v21, v5;
	v17 =	vadd.s32 v22, v17  }
0x66: {  	v18 =	vadd.s32 v23, v18;
	v22 =	vsel vm2, $0x0, v24;
	v23 =	vperm.xlane v17, v5  }
0x67: {  	v18 =	vperm.xlane v18, v6;
	v20 =	vadd.s32 v22, v20;
	v22 =	vsel vm2, $0x0, v25  }
0x68: {  	v20 =	vperm.xlane v20, v6;
	v21 =	vadd.s32 v22, v21;
	v22 =	vsel vm2, $0x0, v23  }
0x69: {  	v18 =	vsel vm4, v19, v18;
	v19 =	vperm.xlane v21, v6;
	v17 =	vadd.s32 v22, v17  }
0x6a: {  	v18 =	vsel vm8, v18, v20;
	v17 =	vperm.xlane v17, v6  }
0x6b: {  	v18 =	vsel vm9, v18, v19  }
0x6c: {  	v17 =	vsel vm10, v18, v17  }
0x6d: {  	v17 =	vadd.s32 $0xFF, v17  }
0x6e: {  	v18 =	vshra.s32 v17, $0x8  }
0x6f: {  	v17 =	vperm.xlane v18, v1;
	_ =	sdelay $0x1  }
0x70: {  	v17 =	vsel vm14, $0x0, v17  }
0x71: {  	v17 =	vadd.s32 v17, v18  }
0x72: {  	v19 =	vperm.xlane v17, v3;
	_ =	sdelay $0x1  }
0x73: {  	v19 =	vsel vm0, $0x0, v19  }
0x74: {  	v17 =	vadd.s32 v19, v17  }
0x75: {  	v19 =	vperm.xlane v17, v4;
	_ =	sdelay $0x1  }
0x76: {  	v19 =	vsel vm1, $0x0, v19  }
0x77: {  	v17 =	vadd.s32 v19, v17  }
0x78: {  	v19 =	vperm.xlane v17, v5;
	_ =	sdelay $0x1  }
0x79: {  	v19 =	vsel vm2, $0x0, v19  }
0x7a: {  	v19 =	vadd.s32 v19, v17  }
0x7b: {  	v17 =	vperm.xlane v19, v7;
	_ =	sdelay $0x1  }
0x7c: {  	v20 =	vperm.xlane v19, v0;
	v21 =	vadd.s32 $0xFFFFFFFF, v17  }
0x7d: {  	v22 =	vperm.xlane v19, v8;
	v23 =	vperm.xlane v19, v9;
	vm4 =	vlt.s32 v21, v2  }
0x7e: {  	v24 =	vperm.xlane v19, v10;
	v25 =	vsel vm4, v21, v2;
	vm4 =	vlt.s32 v21, v14  }
0x7f: {  	v26 =	vperm.xlane v19, v11;
	v21 =	vsel vm4, v21, v14;
	vm4 =	vge.s32 v25, v20  }
0x80: {  	v27 =	vperm.xlane v19, v12;
	v52 =	vsel vm4, $0x1, v0;
	vm4 =	vge.s32 v21, v20  }
0x81: {  	vm5 =	vge.s32 v21, v22;
	v20 =	vsel vm4, $0x1, v0;
	vm4 =	vge.s32 v25, v22  }
0x82: {  	v22 =	vperm.xlane v19, v13;
	v54 =	vsel vm5, $0x1, v0;
	vm5 =	vge.s32 v25, v24  }
0x83: {  	v53 =	vsel vm4, $0x1, v0;
	v20 =	vadd.s32 v54, v20;
	vm4 =	vge.s32 v25, v23  }
0x84: {  	v56 =	vsel vm5, $0x1, v0;
	v55 =	vsel vm4, $0x1, v0;
	vm4 =	vge.s32 v21, v23  }
0x85: {  	vm5 =	vge.s32 v25, v17;
	v23 =	vsel vm4, $0x1, v0;
	vm4 =	vge.s32 v21, v24  }
0x86: {  	v28 =	vadd.s32 v53, v52;
	v24 =	vsel vm4, $0x1, v0;
	vm4 =	vge.s32 v25, v26  }
0x87: {  	v57 =	vsel vm4, $0x1, v0;
	vm4 =	vge.s32 v21, v26;
	v26 =	vsel vm5, $0x1, v0  }
0x88: {  	vm5 =	vge.s32 v25, v27;
	v32 =	vsel vm4, $0x1, v0;
	vm4 =	vge.s32 v21, v17  }
0x89: {  	v26 =	vadd.s32 v26, v28;
	v58 =	vsel vm4, $0x1, v0;
	vm4 =	vge.s32 v21, v27  }
0x8a: {  	v27 =	vsel vm5, $0x1, v0;
	v20 =	vadd.s32 v58, v20;
	v59 =	vsel vm4, $0x1, v0  }
0x8b: {  	vm4 =	vge.s32 v25, v22;
	v25 =	vadd.s32 v55, v26;
	v20 =	vadd.s32 v23, v20  }
0x8c: {  	v23 =	vsel vm4, $0x1, v0;
	v25 =	vadd.s32 v56, v25;
	v20 =	vadd.s32 v24, v20  }
0x8d: {  	vm4 =	vge.s32 v21, v22;
	v21 =	vadd.s32 v57, v25;
	v20 =	vadd.s32 v32, v20  }
0x8e: {  	v22 =	vsel vm4, $0x1, v0;
	v21 =	vadd.s32 v27, v21;
	v20 =	vadd.s32 v59, v20  }
0x8f: {  	v21 =	vadd.s32 v23, v21;
	v20 =	vadd.s32 v22, v20  }
0x90: {  	v21 =	vmin.u32 v21, $0x7;
	v20 =	vmin.u32 v20, $0x7  }
0x91: {  	[tilespmem:$0x2000] =	vst v21;
	v17 =	vsel vm11, v20, v17  }
0x92: {  	s6 =	simm.s32 $0x0;
	[tilespmem:$0x2010] =	vst v17  }
0x93: {  	v20 =	vld [tilespmem:s6+$0x0];
	_ =	sdelay $0x4  }
0x94: {  	vm4 =	vlt.s32 v20, $0x4  }
0x95: {  	v17 =	vsel vm4, $0x4, v20  }
0x96: {  	v17 =	vshll.u32 v17, $0x3  }
0x97: {  	v21 =	vadd.s32 $0xFFFFFFE0, v17  }
0x98: {  	v22 =	vshll.u32 v20, $0x3;
	v17 =	vshll.u32 v8, v21  }
0x99: {  	v23 =	vshll.u32 v8, v22;
	v17 =	vsel vm4, $0x0, v17  }
0x9a: {  	v23 =	vnsel vm4, $0x0, v23;
	v24 =	vperm.xlane v17, v1  }
0x9b: {  	v25 =	vperm.xlane v23, v1  }
0x9c: {  	v24 =	vsel vm14, $0x0, v24  }
0x9d: {  	v25 =	vsel vm14, $0x0, v25;
	v24 =	vadd.s32 v17, v24  }
0x9e: {  	s7 =	simm.s32 $0x10;
	v23 =	vadd.s32 v25, v23;
	v25 =	vperm.xlane v24, v3  }
0x9f: {  	v26 =	vperm.xlane v23, v3;
	v17 =	vld [tilespmem:s7+$0x0]  }
0xa0: {  	v18 =	vsub.s32 v19, v18;
	v19 =	vsel vm0, $0x0, v25  }
0xa1: {  	v27 =	vshll.u32 v18, $0x8;
	v18 =	vsel vm0, $0x0, v26;
	v24 =	vadd.s32 v19, v24  }
0xa2: {  	v60 =	vsel vm4, v22, v21;
	v18 =	vadd.s32 v18, v23;
	v21 =	vperm.xlane v24, v4  }
0xa3: {  	vm4 =	vmmov vm4;
	v19 =	vperm.xlane v27, v20;
	v20 =	vperm.xlane v18, v4  }
0xa4: {  	vm15 =	vlt.s32 v17, $0x4;
	v22 =	vshll.u32 v17, $0x3;
	v21 =	vsel vm1, $0x0, v21  }
0xa5: {  	v23 =	vshll.u32 v8, v22;
	v20 =	vsel vm1, $0x0, v20;
	v21 =	vadd.s32 v21, v24  }
0xa6: {  	v18 =	vadd.s32 v20, v18;
	v24 =	vsel vm15, $0x4, v17;
	v20 =	vperm.xlane v21, v5  }
0xa7: {  	v23 =	vnsel vm15, $0x0, v23;
	v25 =	vperm.xlane v18, v5;
	v24 =	vshll.u32 v24, $0x3  }
0xa8: {  	v26 =	vperm.xlane v23, v1;
	v24 =	vadd.s32 $0xFFFFFFE0, v24;
	v20 =	vsel vm2, $0x0, v20  }
0xa9: {  	v25 =	vsel vm2, $0x0, v25;
	v61 =	vshll.u32 v8, v24;
	v20 =	vadd.s32 v20, v21  }
0xaa: {  	v18 =	vadd.s32 v25, v18;
	v21 =	vsel vm15, $0x0, v61;
	v25 =	vperm.xlane v20, v6  }
0xab: {  	v26 =	vsel vm14, $0x0, v26;
	v62 =	vperm.xlane v18, v6;
	v29 =	vperm.xlane v21, v1  }
0xac: {  	v20 =	vsel vm4, v18, v20;
	v18 =	vsel vm15, v22, v24;
	v22 =	vshra.s32 v25, v16  }
0xad: {  	v24 =	vsel vm14, $0x0, v29;
	v25 =	vshra.s32 v62, v15;
	v63 =	vand.u32 $0xFF, v22  }
0xae: {  	v22 =	vadd.s32 v21, v24;
	v21 =	vand.u32 $0xFF, v25;
	v24 =	vnsel vm12, $0x0, v63  }
0xaf: {  	s15 =	simm.s32 $0x20;
	v23 =	vadd.s32 v26, v23;
	v25 =	vperm.xlane v22, v3;
	v29 =	vsel vm1, v21, v24  }
0xb0: {  	s16 =	simm.s32 $0xC0;
	v26 =	vperm.xlane v23, v3;
	v21 =	vld [tilespmem:s15+$0x0];
	v24 =	vshra.s32 v20, v60;
	v20 =	vadd.s32 v27, v29  }
.LBB2_4:
0xb1: {  	p1 =	sne.s32 s16, $0x3FC0;
	v25 =	vsel vm0, $0x0, v25;
	v17 =	vperm.xlane v20, v17;
	v24 =	vand.u32 $0xFF, v24  }
0xb2: {  	v26 =	vsel vm0, $0x0, v26;
	v22 =	vadd.s32 v25, v22;
	v27 =	vadd.s32 v24, v19  }
0xb3: {  	v23 =	vadd.s32 v26, v23;
	v24 =	vperm.xlane v22, v4;
	v25 =	vadd.s32 $0xFFFFFFFF, v27;
	v19 =	vmovc v17  }
0xb4: {  	vm4 =	vmmov vm15;
	v26 =	vperm.xlane v23, v4;
	[tilespmem:s6+$0x1000] =	vst v25;
	s6 =	smov.u32 s7;
	s7 =	smov.u32 s15  }
0xb5: {  	vm15 =	vlt.s32 v21, $0x4;
	v25 =	vshll.u32 v21, $0x3;
	v24 =	vsel vm1, $0x0, v24;
	v17 =	vmovc v21  }
0xb6: {  	v21 =	vshll.u32 v8, v25;
	v26 =	vsel vm1, $0x0, v26;
	v22 =	vadd.s32 v24, v22  }
0xb7: {  	v24 =	vsel vm15, $0x4, v17;
	v23 =	vadd.s32 v26, v23;
	v26 =	vperm.xlane v22, v5  }
0xb8: {  	v24 =	vshll.u32 v24, $0x3;
	v21 =	vnsel vm15, $0x0, v21;
	v27 =	vperm.xlane v23, v5  }
0xb9: {  	v24 =	vadd.s32 $0xFFFFFFE0, v24;
	v28 =	vperm.xlane v21, v1;
	v26 =	vsel vm2, $0x0, v26  }
0xba: {  	v29 =	vshll.u32 v8, v24;
	v27 =	vsel vm2, $0x0, v27;
	v22 =	vadd.s32 v26, v22  }
0xbb: {  	v26 =	vsel vm15, $0x0, v29;
	v23 =	vadd.s32 v27, v23;
	v27 =	vperm.xlane v22, v6  }
0xbc: {  	v29 =	vperm.xlane v26, v1;
	v30 =	vsel vm4, v23, v22;
	v22 =	vperm.xlane v23, v6  }
.Ltmp1:
0xbd: {  	v23 =	vsel vm14, $0x0, v28;
	v28 =	vsel vm15, v25, v24;
	v24 =	vshra.s32 v27, v16;
	(pc) =	sbr.rel @p1 .LBB2_4-.Ltmp1, $4  }
0xbe: {  	v25 =	vsel vm14, $0x0, v29;
	v27 =	vshra.s32 v22, v15;
	v24 =	vand.u32 $0xFF, v24  }
0xbf: {  	v22 =	vadd.s32 v26, v25;
	v26 =	vand.u32 $0xFF, v27;
	v24 =	vnsel vm12, $0x0, v24  }
0xc0: {  	s15 =	sshra.s32 s16, $0x2;
	v23 =	vadd.s32 v23, v21;
	v25 =	vperm.xlane v22, v3;
	v27 =	vsel vm1, v26, v24  }
0xc1: {  	s16 =	sadd.s32 $0x40, s16;
	v26 =	vperm.xlane v23, v3;
	v24 =	vshra.s32 v30, v18;
	v18 =	vmovc v28;
	v21 =	vld [tilespmem:s15+$0x0];
	v20 =	vadd.s32 v20, v27  }
0xc2: {  	_ =	sdelay $0x3  }
0xc3: {  	vm4 =	vlt.s32 v21, $0x4  }
0xc4: {  	v25 =	vsel vm0, $0x0, v25;
	v24 =	vand.u32 $0xFF, v24;
	v27 =	vsel vm4, $0x4, v21  }
0xc5: {  	v26 =	vsel vm0, $0x0, v26;
	v22 =	vadd.s32 v25, v22;
	v43 =	vshll.u32 v27, $0x3  }
0xc6: {  	v23 =	vadd.s32 v26, v23;
	v45 =	vshll.u32 v21, $0x3;
	v25 =	vadd.s32 $0xFFFFFFE0, v43  }
0xc7: {  	v44 =	vperm.xlane v22, v4;
	v29 =	vshll.u32 v8, v45;
	v30 =	vshll.u32 v8, v25  }
0xc8: {  	v28 =	vperm.xlane v23, v4;
	v29 =	vnsel vm4, $0x0, v29;
	v30 =	vsel vm4, $0x0, v30  }
0xc9: {  	v26 =	vsel vm1, $0x0, v44;
	v31 =	vperm.xlane v29, v1;
	v32 =	vperm.xlane v30, v1  }
0xca: {  	v17 =	vperm.xlane v20, v17;
	v28 =	vsel vm1, $0x0, v28;
	v22 =	vadd.s32 v26, v22  }
0xcb: {  	v23 =	vadd.s32 v28, v23;
	v46 =	vsel vm14, $0x0, v31;
	v47 =	vsel vm14, $0x0, v32  }
0xcc: {  	v26 =	vperm.xlane v22, v5;
	v28 =	vadd.s32 v46, v29;
	v30 =	vadd.s32 v30, v47  }
0xcd: {  	vm5 =	vmmov vm15;
	v50 =	vperm.xlane v28, v3;
	v49 =	vperm.xlane v30, v3  }
0xce: {  	v19 =	vadd.s32 v24, v19;
	v48 =	vperm.xlane v23, v5;
	v26 =	vsel vm2, $0x0, v26  }
0xcf: {  	v22 =	vadd.s32 v26, v22;
	v53 =	vsel vm0, $0x0, v50;
	v52 =	vsel vm0, $0x0, v49  }
0xd0: {  	v51 =	vsel vm2, $0x0, v48;
	v28 =	vadd.s32 v53, v28;
	v26 =	vadd.s32 v52, v30  }
0xd1: {  	v23 =	vadd.s32 v51, v23;
	v29 =	vperm.xlane v28, v4;
	v55 =	vperm.xlane v26, v4  }
0xd2: {  	v25 =	vsel vm4, v45, v25;
	v54 =	vperm.xlane v22, v6;
	v22 =	vsel vm5, v23, v22  }
0xd3: {  	v23 =	vperm.xlane v23, v6;
	v29 =	vsel vm1, $0x0, v29;
	v24 =	vsel vm1, $0x0, v55  }
0xd4: {  	v56 =	vshra.s32 v54, v16;
	v57 =	vadd.s32 v29, v28;
	v24 =	vadd.s32 v24, v26  }
0xd5: {  	v23 =	vshra.s32 v23, v15;
	v29 =	vperm.xlane v57, v5;
	v58 =	vperm.xlane v24, v5  }
0xd6: {  	vm4 =	vmmov vm4;
	v27 =	vand.u32 $0xFF, v56;
	v23 =	vand.u32 $0xFF, v23  }
0xd7: {  	v27 =	vnsel vm12, $0x0, v27;
	v60 =	vsel vm2, $0x0, v29;
	v59 =	vsel vm2, $0x0, v58  }
0xd8: {  	v23 =	vsel vm1, v23, v27;
	v26 =	vadd.s32 v60, v57;
	v24 =	vadd.s32 v59, v24  }
0xd9: {  	v18 =	vshra.s32 v22, v18;
	v61 =	vadd.s32 v20, v23;
	v62 =	vsel vm4, v26, v24  }
0xda: {  	v18 =	vand.u32 $0xFF, v18;
	v20 =	vperm.xlane v61, v21;
	v63 =	vshra.s32 v62, v25  }
0xdb: {  	v19 =	vadd.s32 $0xFFFFFFFF, v19;
	v17 =	vadd.s32 v18, v17;
	v18 =	vand.u32 $0xFF, v63  }
0xdc: {  	[tilespmem:s6+$0x1000] =	vst v19;
	v17 =	vadd.s32 $0xFFFFFFFF, v17;
	v18 =	vadd.s32 v18, v20  }
0xdd: {  	[tilespmem:s7+$0x1000] =	vst v17;
	v17 =	vadd.s32 $0xFFFFFFFF, v18  }
0xde: {  	s6 =	simm.s32 @!p0 $0x0;
	s7 =	simm.s32 @!p0 $0x2000;
	[tilespmem:s15+$0x1000] =	vst v17;
	s15 =	rddreg [dreg:$0x17]  }
0xdf: {  	[hbm4b:s15+s6] =	stream.linear.scatter @!p0 [tilespmem:s7], [sflag:$0x2], $0x80, $0x38;
	[tilespmem:$0x12100] =	vst v63  }
0xe0: {  	s6 =	simm.s32 @!p0 $0x2  }
0xe1: {  	_ =	swait.ge @!p0 [sflag:s6], $0x80  }
0xe2: {  	[sflag:s6] =	ssyncset.done @!p0 $0x0;
	s15 =	rddreg [dreg:$0x18]  }
0xe3: {  	s16 =	rddreg [dreg:$0x19];
	[sflag:s6] =	ssyncadd.s32 @!p0 $0xFFFFFF80;
	s6 =	simm.s32 $0x0  }
0xe4: {  	[hbm4b:s15+s6] =	stream.linear.scatter [tilespmem:s16], [sflag:$0x2], $0x80, $0x38;
	[tilespmem:$0x12100] =	vst v63  }
0xe5: {  	_ =	swait.ge [sflag:s17], $0x80  }
0xe6: {  	[sflag:s17] =	ssyncset.done $0x0  }
0xe7: {  	s7 =	rddreg [dreg:$0x1b];
	[sflag:s17] =	ssyncadd.s32 $0xFFFFFF80  }
.LBB2_6:
0xe8: {  	s15 =	rddreg [dreg:$0x3]  }
0xe9: {  	s16 =	rddreg [dreg:$0x4];
	s15 =	sadd.s32 s6, s15  }
0xea: {  	[tilespmem:s16], [sflag:$0x2] =	stream.linear.gather [hbm4b:s15+s1], $0x20, $0x38;
	[tilespmem:$0x12100] =	vst v63  }
0xeb: {  	_ =	swait.ge [sflag:s17], $0x20  }
0xec: {  	[sflag:s17] =	ssyncset.done $0x0  }
0xed: {  	[sflag:s17] =	ssyncadd.s32 $0xFFFFFFE0  }
0xee: {  	[tilespmem:s18], [sflag:$0x2] =	stream.linear.gather [hbm4b:s7+s1], $0x10000, $0x38;
	[tilespmem:$0x12100] =	vst v63  }
0xef: {  	_ =	swait.ge [sflag:s17], $0x10000  }
0xf0: {  	[sflag:s17] =	ssyncset.done $0x0  }
0xf1: {  	[sflag:s17] =	ssyncadd.s32 $0xFFFF0000  }
0xf2: {  	v17 =	vld [tilespmem:$0x2080];
	_ =	sdelay $0x4  }
0xf3: {  	v18 =	vshll.u32 v17, $0x4  }
0xf4: {  	v17 =	vand.u32 $0x7, v17;
	v18 =	vand.u32 $0xFFFFFF80, v18  }
0xf5: {  	v19 =	vshrl.u32 v2, $0x3;
	v17 =	vor.u32 v17, v18;
	v18 =	vand.u32 $0x7, v2  }
0xf6: {  	v19 =	vmul.u32 $0x8, v19;
	v20 =	vperm.xlane v17, v18;
	_ =	sdelay $0x1  }
0xf7: {  	v20 =	vadd.s32 v19, v20;
	_ =	sdelay $0x4  }
0xf8: {  	[hbm4b:s4+s1] =	stream.indirect_vreg.scatter [tilespmem:s18], [sflag:$0x1], $0x80, v20, vm13, $0xb8;
	[tilespmem:$0x12100] =	vst v63  }
0xf9: {  	s15 =	rddreg [dreg:$0x5]  }
0xfa: {  	[hbm4b:s8+s1] =	stream.indirect_vreg.scatter [tilespmem:s15], [sflag:$0x1], $0x80, v20, vm13, $0xb8;
	[tilespmem:$0x12100] =	vst v63  }
0xfb: {  	s16 =	rddreg [dreg:$0x6]  }
0xfc: {  	[hbm4b:s9+s1] =	stream.indirect_vreg.scatter [tilespmem:s16], [sflag:$0x1], $0x80, v20, vm13, $0xb8;
	[tilespmem:$0x12100] =	vst v63  }
0xfd: {  	s15 =	rddreg [dreg:$0x7]  }
0xfe: {  	[hbm4b:s10+s1] =	stream.indirect_vreg.scatter [tilespmem:s15], [sflag:$0x1], $0x80, v20, vm13, $0xb8;
	[tilespmem:$0x12100] =	vst v63  }
0xff: {  	s16 =	rddreg [dreg:$0x8]  }
0x100: {  	v21 =	vor.u32 $0x8, v2;
	[hbm4b:s11+s1] =	stream.indirect_vreg.scatter [tilespmem:s16], [sflag:$0x1], $0x80, v20, vm13, $0xb8;
	[tilespmem:$0x12100] =	vst v63  }
0x101: {  	v17 =	vperm.xlane v17, v21;
	s15 =	rddreg [dreg:$0x9]  }
0x102: {  	[hbm4b:s12+s1] =	stream.indirect_vreg.scatter [tilespmem:s15], [sflag:$0x1], $0x80, v20, vm13, $0xb8;
	[tilespmem:$0x12100] =	vst v63  }
0x103: {  	v17 =	vadd.s32 v19, v17;
	s16 =	rddreg [dreg:$0xa]  }
0x104: {  	[hbm4b:s13+s1] =	stream.indirect_vreg.scatter [tilespmem:s16], [sflag:$0x1], $0x80, v20, vm13, $0xb8;
	[tilespmem:$0x12100] =	vst v63  }
0x105: {  	s15 =	rddreg [dreg:$0xb]  }
0x106: {  	[hbm4b:s14+s1] =	stream.indirect_vreg.scatter [tilespmem:s15], [sflag:$0x1], $0x80, v20, vm13, $0xb8;
	[tilespmem:$0x12100] =	vst v63  }
0x107: {  	s16 =	rddreg [dreg:$0xc]  }
0x108: {  	[hbm4b:s4+s1] =	stream.indirect_vreg.scatter [tilespmem:s16], [sflag:$0x1], $0x80, v17, vm13, $0xb8;
	[tilespmem:$0x12100] =	vst v63  }
0x109: {  	s15 =	rddreg [dreg:$0xd]  }
0x10a: {  	[hbm4b:s8+s1] =	stream.indirect_vreg.scatter [tilespmem:s15], [sflag:$0x1], $0x80, v17, vm13, $0xb8;
	[tilespmem:$0x12100] =	vst v63  }
0x10b: {  	s16 =	rddreg [dreg:$0xe]  }
0x10c: {  	[hbm4b:s9+s1] =	stream.indirect_vreg.scatter [tilespmem:s16], [sflag:$0x1], $0x80, v17, vm13, $0xb8;
	[tilespmem:$0x12100] =	vst v63  }
0x10d: {  	s15 =	rddreg [dreg:$0xf]  }
0x10e: {  	[hbm4b:s10+s1] =	stream.indirect_vreg.scatter [tilespmem:s15], [sflag:$0x1], $0x80, v17, vm13, $0xb8;
	[tilespmem:$0x12100] =	vst v63  }
0x10f: {  	s16 =	rddreg [dreg:$0x10]  }
0x110: {  	[hbm4b:s11+s1] =	stream.indirect_vreg.scatter [tilespmem:s16], [sflag:$0x1], $0x80, v17, vm13, $0xb8;
	[tilespmem:$0x12100] =	vst v63  }
0x111: {  	s15 =	rddreg [dreg:$0x11]  }
0x112: {  	[hbm4b:s12+s1] =	stream.indirect_vreg.scatter [tilespmem:s15], [sflag:$0x1], $0x80, v17, vm13, $0xb8;
	[tilespmem:$0x12100] =	vst v63  }
0x113: {  	s16 =	rddreg [dreg:$0x12]  }
0x114: {  	[hbm4b:s13+s1] =	stream.indirect_vreg.scatter [tilespmem:s16], [sflag:$0x1], $0x80, v17, vm13, $0xb8;
	[tilespmem:$0x12100] =	vst v63  }
0x115: {  	s15 =	rddreg [dreg:$0x13]  }
0x116: {  	[hbm4b:s14+s1] =	stream.indirect_vreg.scatter [tilespmem:s15], [sflag:$0x1], $0x80, v17, vm13, $0xb8;
	[tilespmem:$0x12100] =	vst v63  }
0x117: {  	v17 =	vld [tilespmem:$0x2090];
	_ =	sdelay $0x4  }
0x118: {  	v63 =	vshll.u32 v17, $0x4  }
0x119: {  	v17 =	vand.u32 $0x7, v17;
	v20 =	vand.u32 $0xFFFFFF80, v63  }
0x11a: {  	v17 =	vor.u32 v17, v20  }
0x11b: {  	v18 =	vperm.xlane v17, v18;
	_ =	sdelay $0x1  }
0x11c: {  	v18 =	vadd.s32 v19, v18;
	_ =	sdelay $0x3  }
0x11d: {  	s15 =	rddreg [dreg:$0x14]  }
0x11e: {  	[hbm4b:s4+s1] =	stream.indirect_vreg.scatter [tilespmem:s15], [sflag:$0x1], $0x80, v18, vm13, $0xb8;
	[tilespmem:$0x12100] =	vst v63  }
0x11f: {  	s16 =	rddreg [dreg:$0x15]  }
0x120: {  	[hbm4b:s8+s1] =	stream.indirect_vreg.scatter [tilespmem:s16], [sflag:$0x1], $0x80, v18, vm13, $0xb8;
	[tilespmem:$0x12100] =	vst v63  }
0x121: {  	_ = 	snop  }
0x122: {  	[hbm4b:s9+s1] =	stream.indirect_vreg.scatter [tilespmem:s19], [sflag:$0x1], $0x80, v18, vm13, $0xb8;
	[tilespmem:$0x12100] =	vst v63  }
0x123: {  	_ = 	snop  }
0x124: {  	[hbm4b:s10+s1] =	stream.indirect_vreg.scatter [tilespmem:s20], [sflag:$0x1], $0x80, v18, vm13, $0xb8;
	[tilespmem:$0x12100] =	vst v63  }
0x125: {  	_ = 	snop  }
0x126: {  	[hbm4b:s11+s1] =	stream.indirect_vreg.scatter [tilespmem:s21], [sflag:$0x1], $0x80, v18, vm13, $0xb8;
	[tilespmem:$0x12100] =	vst v63  }
0x127: {  	v17 =	vperm.xlane v17, v21  }
0x128: {  	[hbm4b:s12+s1] =	stream.indirect_vreg.scatter [tilespmem:s22], [sflag:$0x1], $0x80, v18, vm13, $0xb8;
	[tilespmem:$0x12100] =	vst v63  }
0x129: {  	v17 =	vadd.s32 v19, v17  }
0x12a: {  	[hbm4b:s13+s1] =	stream.indirect_vreg.scatter [tilespmem:s23], [sflag:$0x1], $0x80, v18, vm13, $0xb8;
	[tilespmem:$0x12100] =	vst v63  }
0x12b: {  	_ = 	snop  }
0x12c: {  	[hbm4b:s14+s1] =	stream.indirect_vreg.scatter [tilespmem:s24], [sflag:$0x1], $0x80, v18, vm13, $0xb8;
	[tilespmem:$0x12100] =	vst v63  }
0x12d: {  	_ = 	snop  }
0x12e: {  	[hbm4b:s4+s1] =	stream.indirect_vreg.scatter [tilespmem:s25], [sflag:$0x1], $0x80, v17, vm13, $0xb8;
	[tilespmem:$0x12100] =	vst v63  }
0x12f: {  	_ = 	snop  }
0x130: {  	[hbm4b:s8+s1] =	stream.indirect_vreg.scatter [tilespmem:s26], [sflag:$0x1], $0x80, v17, vm13, $0xb8;
	[tilespmem:$0x12100] =	vst v63  }
0x131: {  	_ = 	snop  }
0x132: {  	[hbm4b:s9+s1] =	stream.indirect_vreg.scatter [tilespmem:s28], [sflag:$0x1], $0x80, v17, vm13, $0xb8;
	[tilespmem:$0x12100] =	vst v63  }
0x133: {  	_ = 	snop  }
0x134: {  	[hbm4b:s10+s1] =	stream.indirect_vreg.scatter [tilespmem:s29], [sflag:$0x1], $0x80, v17, vm13, $0xb8;
	[tilespmem:$0x12100] =	vst v63  }
0x135: {  	_ = 	snop  }
0x136: {  	[hbm4b:s11+s1] =	stream.indirect_vreg.scatter [tilespmem:s30], [sflag:$0x1], $0x80, v17, vm13, $0xb8;
	[tilespmem:$0x12100] =	vst v63  }
0x137: {  	_ = 	snop  }
0x138: {  	[hbm4b:s12+s1] =	stream.indirect_vreg.scatter [tilespmem:s31], [sflag:$0x1], $0x80, v17, vm13, $0xb8;
	[tilespmem:$0x12100] =	vst v63  }
0x139: {  	p1 =	sne.s32 s6, $0xC  }
0x13a: {  	[hbm4b:s13+s1] =	stream.indirect_vreg.scatter [tilespmem:s0], [sflag:$0x1], $0x80, v17, vm13, $0xb8;
	[tilespmem:$0x12100] =	vst v63  }
.Ltmp2:
0x13b: {  	_ = 	snop;
	(pc) =	sbr.rel @p1 .LBB2_6-.Ltmp2, $4  }
0x13c: {  	[hbm4b:s14+s1] =	stream.indirect_vreg.scatter [tilespmem:s2], [sflag:$0x1], $0x80, v17, vm13, $0xb8;
	[tilespmem:$0x12100] =	vst v63  }
0x13d: {  	_ =	swait.ge [sflag:s3], $0x10000  }
0x13e: {  	[sflag:s3] =	ssyncset.done $0x0  }
0x13f: {  	s6 =	sadd.s32 $0x4, s6;
	s7 =	sadd.s32 $0x2000, s7;
	[sflag:s3] =	ssyncadd.s32 $0xFFFF0000  }
0x140: {  	s5 =	sadd.s32 $0x1, s5;
	s6 =	rddreg [dreg:$0x1a]  }
0x141: {  	p1 =	sne.s32 s5, s6  }
.Ltmp3:
0x142: {  	_ = 	snop;
	(pc) =	sbr.rel @p1 .LBB2_1-.Ltmp3, $1  }
0x143: {  	_ =	sdelay $0x3  }
0x144: {  	_ =	sfence.sel $0x180000  }
0x145: {  	[bflag:$0x0] =	sbarrier.arrive $0xFFFF  }
0x146: {  	_ =	strace $0x90000047  }
0x147: {  	s0 =	stileid.u32;
	[bflag:$0x2] =	sbarrier.arrive $0xFFFF  }
0x148: {  	p0 =	sne.s32 s0, $0x0;
	s0 =	rddreg [dreg:$0x2]  }
0x149: {  	s0 =	sadd.s32 @!p0 $0x100000, s0  }
0x14a: {  	[sflag:s0] =	ssyncadd.tile.s32 @!p0 $0x1;
	_ =	shalt  }
.Lfunc_end2:
_tile_overlayer_lowered:
.L_overlay_start_2:
0x14b: {  	(tag) =	ssettag $0x2  }
0x14c: {  	s0 =	rddreg [dreg:$0x0];
	s2 =	stileid.u32  }
0x14d: {  	s1 =	rddreg [dreg:$0x1];
	p0 =	sne.s32 s2, $0x0  }
0x14e: {  	s3 =	rddreg [dreg:$0x2];
	[bflag:$0x3] =	sbarrier.arrive $0xFFFF;
	s2 =	simm.s32 @!p0 $0x1C02  }
0x14f: {  	[timem:s3], [sflag:s2] =	dma.local @!p0 [hbm:s0], s1  }
0x150: {  	s0 =	simm.s32 @!p0 $0x2  }
0x151: {  	_ =	swait.ge @!p0 [sflag:s0], s1  }
0x152: {  	s1 =	ssub.s32 @!p0 $0x0, s1;
	[sflag:s0] =	ssyncset.done @!p0 $0x0  }
0x153: {  	[sflag:s0] =	ssyncadd.s32 @!p0 s1  }
0x154: {  	[bflag:$0x3] =	sbarrier.arrive $0xFFFF  }
0x155: {  	_ =	shalt  }

// kernel: kernel.9.cloned.1.call-start
scs
__scs_entry_jumppad:
0x0: {  	(pc) =	sbr.rel $0x88, $3  }
0x1: {  	(tag) =	ssettag $0x0;
	lr =	simm.s32 $0x1  }
0x2: {  	[smem:$0x3F98] =	sst lr;
	_ =	strace $0xD0000000  }
0x3: {  	_ = 	snop  }
0x4: {  	_ = 	snop  }
0x5: {  	_ = 	snop  }
0x6: {  	_ = 	snop  }
0x7: {  	_ = 	snop  }
__scs_overlays_trampoline_lowered:
0x8: {  	[smem:$0x3FA7] =	sst s0  }
0x9: {  	[smem:$0x3FA8] =	sst s1  }
0xa: {  	[smem:$0x3FA9] =	sst s2  }
0xb: {  	[smem:$0x3FAA] =	sst s3  }
0xc: {  	[smem:$0x3FAB] =	sst s4  }
0xd: {  	[smem:$0x3FAC] =	sst s5  }
0xe: {  	[smem:$0x3FAD] =	sst s6  }
0xf: {  	[smem:$0x3FAE] =	sst s7  }
0x10: {  	[smem:$0x3FAF] =	sst s8  }
0x11: {  	[smem:$0x3FB0] =	sst s9;
	s0 =	simm.s32 @!p0 $0x0  }
0x12: {  	s1 =	sld [smem:$0x3F96];
	s0 =	simm.s32 @p0 $0x1  }
0x13: {  	[smem:$0x3FB1] =	sst s0;
	s0 =	simm.s32 @!p1 $0x0  }
0x14: {  	s2 =	sld [smem:$0x3F95];
	s0 =	simm.s32 @p1 $0x1  }
0x15: {  	[smem:$0x3FB2] =	sst s0;
	s0 =	simm.s32 @!p2 $0x0  }
0x16: {  	s3 =	sld [smem:$0x3FDB];
	s0 =	simm.s32 @p2 $0x1  }
0x17: {  	s4 =	simm.s32 $0x1BF5;
	[smem:$0x3FB4] =	sst s0  }
0x18: {  	s0 =	sld [smem:$0x3F97];
	_ =	swait.ge [sflag:s4], $0x0  }
0x19: {  	s7 =	sld [smem:$0x3F98]  }
0x1a: {  	s8 =	sadd.s32 $0xFFFFE003, lr  }
0x1b: {  	s9 =	sadd.s32 $0xFFFFFEF7, lr;
	s5 =	simm.s32 $0xFFFFFFFF;
	p2 =	slt.u32 s8, $0xFFFFF086  }
0x1c: {  	p1 =	slt.u32 s9, $0xF7A;
	s5 =	simm.s32 @!p2 $0x0  }
0x1d: {  	s5 =	simm.s32 @p1 $0x1;
	p0 =	seq.s32 s7, s2  }
0x1e: {  	s7 =	smul.u32 @!p0 $0xF7A, s2;
	p2 =	seq.s32 @!p0 s5, $0x0  }
0x1f: {  	s9 =	smul.u32 $0xF7A, s1;
	s8 =	simm.s32 @!p0 $0x1BF5;
	p2 =	por !p2, p0  }
0x20: {  	[sflag:s8] =	ssyncset.s32 @!p0 $0xFFFFF086;
	s6 =	sadd.s32 @!p0 s3, s7;
	s7 =	simm.s32 @!p0 $0x108  }
0x21: {  	s3 =	sadd.s32 s3, s9;
	s6 =	sadd.s32 @!p0 $0x88, s6;
	s7 =	simm.s32 @p2 $0x1082  }
0x22: {  	[simem:s7], [sflag:s8] =	dma.local @!p0 [hbm:s6], $0xF7A  }
0x23: {  	s9 =	sor.u32 $0xD0000000, s2;
	s6 =	simm.s32 $0x108;
	_ =	swait.ge @!p0 [sflag:s8], $0x0  }
0x24: {  	s3 =	sadd.s32 $0x88, s3;
	s6 =	simm.s32 @!p1 $0x1082;
	[sflag:s4] =	ssyncset.s32 $0xFFFFF086  }
0x25: {  	[simem:s6], [sflag:s4] =	dma.local [hbm:s3], $0xF7A  }
0x26: {  	[smem:$0x3F98] =	sst s1;
	(tag) =	ssettag s2;
	_ =	strace s9  }
0x27: {  	s1 =	sld [smem:$0x3FA8]  }
0x28: {  	s2 =	sld [smem:$0x3FA9]  }
0x29: {  	s4 =	sld [smem:$0x3FAB]  }
0x2a: {  	p0 =	seq.s32 s5, $0x0;
	s5 =	sld [smem:$0x3FAC]  }
0x2b: {  	s6 =	sld [smem:$0x3FAD]  }
0x2c: {  	s7 =	sld [smem:$0x3FAE]  }
0x2d: {  	s3 =	simm.s32 $0x108;
	s8 =	sld [smem:$0x3FAF]  }
0x2e: {  	s3 =	simm.s32 @!p0 $0x1082;
	s9 =	sld [smem:$0x3FB0]  }
0x2f: {  	lr =	sadd.s32 s0, s3;
	s0 =	sld [smem:$0x3FA7]  }
0x30: {  	s3 =	sld [smem:$0x3FAA]  }
0x31: {  	[smem:$0x3FB3] =	sst s10  }
0x32: {  	s10 =	sld [smem:$0x3FB1];
	_ =	sdelay $0x3  }
0x33: {  	p0 =	seq.s32 s10, $0x1;
	s10 =	sld [smem:$0x3FB3];
	_ =	sdelay $0x3  }
0x34: {  	[smem:$0x3FB3] =	sst s10  }
0x35: {  	s10 =	sld [smem:$0x3FB2];
	_ =	sdelay $0x3  }
0x36: {  	p1 =	seq.s32 s10, $0x1;
	s10 =	sld [smem:$0x3FB3];
	_ =	sdelay $0x3  }
0x37: {  	[smem:$0x3FB3] =	sst s10  }
0x38: {  	s10 =	sld [smem:$0x3FB4]  }
0x39: {  	_ = 	snop;
	(pc) =	sbr.ind lr, $3  }
0x3a: {  	_ = 	snop  }
0x3b: {  	_ = 	snop  }
0x3c: {  	p2 =	seq.s32 s10, $0x1;
	s10 =	sld [smem:$0x3FB3]  }
0x3d: {  	_ =	shalt  }
0x3e: {  	_ =	shalt  }
0x3f: {  	_ =	shalt  }
0x40: {  	_ =	shalt  }
0x41: {  	_ =	shalt  }
0x42: {  	_ =	shalt  }
0x43: {  	_ =	shalt  }
0x44: {  	_ =	shalt  }
0x45: {  	_ =	shalt  }
0x46: {  	_ =	shalt  }
0x47: {  	_ =	shalt  }
0x48: {  	_ =	shalt  }
0x49: {  	_ =	shalt  }
0x4a: {  	_ =	shalt  }
0x4b: {  	_ =	shalt  }
0x4c: {  	_ =	shalt  }
0x4d: {  	_ =	shalt  }
0x4e: {  	_ =	shalt  }
0x4f: {  	_ =	shalt  }
0x50: {  	_ =	shalt  }
0x51: {  	_ =	shalt  }
0x52: {  	_ =	shalt  }
0x53: {  	_ =	shalt  }
0x54: {  	_ =	shalt  }
0x55: {  	_ =	shalt  }
0x56: {  	_ =	shalt  }
0x57: {  	_ =	shalt  }
0x58: {  	_ =	shalt  }
0x59: {  	_ =	shalt  }
0x5a: {  	_ =	shalt  }
0x5b: {  	_ =	shalt  }
0x5c: {  	_ =	shalt  }
0x5d: {  	_ =	shalt  }
0x5e: {  	_ =	shalt  }
0x5f: {  	_ =	shalt  }
0x60: {  	_ =	shalt  }
0x61: {  	_ =	shalt  }
0x62: {  	_ =	shalt  }
0x63: {  	_ =	shalt  }
0x64: {  	_ =	shalt  }
0x65: {  	_ =	shalt  }
0x66: {  	_ =	shalt  }
0x67: {  	_ =	shalt  }
0x68: {  	_ =	shalt  }
0x69: {  	_ =	shalt  }
0x6a: {  	_ =	shalt  }
0x6b: {  	_ =	shalt  }
0x6c: {  	_ =	shalt  }
0x6d: {  	_ =	shalt  }
0x6e: {  	_ =	shalt  }
0x6f: {  	_ =	shalt  }
0x70: {  	_ =	shalt  }
0x71: {  	_ =	shalt  }
0x72: {  	_ =	shalt  }
0x73: {  	_ =	shalt  }
0x74: {  	_ =	shalt  }
0x75: {  	_ =	shalt  }
0x76: {  	_ =	shalt  }
0x77: {  	_ =	shalt  }
0x78: {  	_ =	shalt  }
0x79: {  	_ =	shalt  }
0x7a: {  	_ =	shalt  }
0x7b: {  	_ =	shalt  }
0x7c: {  	_ =	shalt  }
0x7d: {  	_ =	shalt  }
0x7e: {  	_ =	shalt  }
0x7f: {  	_ =	shalt  }
0x80: {  	_ =	shalt  }
0x81: {  	_ =	shalt  }
0x82: {  	_ =	shalt  }
0x83: {  	_ =	shalt  }
0x84: {  	_ =	shalt  }
0x85: {  	_ =	shalt  }
0x86: {  	_ =	shalt  }
0x87: {  	_ =	shalt  }
.Lfunc_end0:
.L_simem_size_0:
called_computation.1_lowered:
.L_overlay_start_0:
0x88: {  	s2 =	sld [smem:$0x3FD9]  }
0x89: {  	s3 =	sld [smem:$0x3FFE];
	_ =	sdelay $0x1  }
0x8a: {  	s1 =	srdreg.scid  }
0x8b: {  	s0 =	sand.u32 $0x1, s1  }
0x8c: {  	s17 =	sshll.u32 s0, $0xA;
	s2 =	sadd.s32 s3, s2  }
0x8d: {  	s2 =	sadd.s32 s2, s17  }
0x8e: {  	[smem:$0x3FBF] =	sst s2  }
0x8f: {  	_ = 	snop  }
0x90: {  	s2 =	sld [smem:$0x3FD0];
	(tm) =	ssettm $0x1  }
0x91: {  	s18 =	sld [smem:$0x3FFB];
	_ =	sdelay $0x3  }
0x92: {  	_ =	strace s18  }
0x93: {  	s3 =	sld [smem:$0x3FFC];
	_ =	sdelay $0x3  }
0x94: {  	_ =	strace s3  }
0x95: {  	s3 =	sld [smem:$0x3FFD];
	_ =	sdelay $0x3  }
0x96: {  	_ =	strace s3  }
0x97: {  	_ =	strace $0x8FFFFFFF  }
0x98: {  	s19 =	sld [smem:$0x3FDB];
	_ =	sdelay $0x1  }
0x99: {  	s4 =	simm.s32 $_scs_section_size  }
0x9a: {  	s5 =	simm.s32 $_size__tile_overlayer_lowered;
	s6 =	simm.s32 $_tile_overlayer_lowered  }
0x9b: {  	s22 =	simm.s32 $0x1BFF;
	s21 =	sshll.u32 s6, $0x1;
	s3 =	sadd.s32 s4, s19  }
0x9c: {  	s7 =	simm.s32 $0x0;
	s20 =	sshll.u32 s5, $0x1;
	s5 =	sadd.s32 s21, s3  }
0x9d: {  	[timem:s7], [sflag:s22] =	dma.local [hbm:s5], s20  }
0x9e: {  	_ =	swait.ge [sflag:s22], s20  }
0x9f: {  	s4 =	ssub.s32 $0x0, s20;
	[sflag:s22] =	ssyncset.done $0x0  }
0xa0: {  	[sflag:s22] =	ssyncadd.s32 s4;
	_ =	sdelay $0x1  }
0xa1: {  	s23 =	simm.s32 $0x1B8B  }
0xa2: {  	_ =	swait.ge [sflag:s23], $0x1  }
0xa3: {  	[sflag:s23] =	ssyncset.done $0x0  }
0xa4: {  	s25 =	simm.s32 $0x1B8E;
	s24 =	sld [smem:$0x3FFE];
	[sflag:s23] =	ssyncadd.s32 $0xFFFFFFFF  }
0xa5: {  	s26 =	simm.s32 $execute0_lowered;
	[smem:$0x3FD2] =	sst s25  }
0xa6: {  	s5 =	sshll.u32 s26, $0x1;
	_ =	strace $0x80000049;
	[dreg:$0x1] =	wrdreg $0xFFFFFFFF  }
0xa7: {  	s28 =	simm.s32 $_size_execute0_lowered;
	s3 =	sadd.s32 s3, s5;
	[dreg:$0x0] =	wrdreg $0x0  }
0xa8: {  	s5 =	sshll.u32 s28, $0x1;
	[dreg:$0x2] =	wrdreg s3  }
0xa9: {  	[dreg:$0x3] =	wrdreg s5  }
0xaa: {  	[dreg:$0x4] =	wrdreg $0xC0  }
0xab: {  	_ =	task [dreg:s7], $0x5FFFF  }
0xac: {  	[dreg:$0x1] =	wrdreg $0xFFFFFFFF  }
0xad: {  	[dreg:$0x0] =	wrdreg $0x60  }
0xae: {  	[dreg:$0x2] =	wrdreg s24  }
0xaf: {  	[dreg:$0x3] =	wrdreg s2  }
0xb0: {  	[dreg:$0x4] =	wrdreg $0x9  }
0xb1: {  	_ =	task.clear_ibuf [dreg:s7], $0x5FFFF;
	_ =	strace $0x90000049  }
0xb2: {  	s29 =	simm.s32 $0x9;
	_ =	strace $0x8000004B  }
0xb3: {  	_ =	swait.ge [sflag:s29], $0x1  }
0xb4: {  	[sflag:s29] =	ssyncadd.s32 $0xFFFFFFFF  }
0xb5: {  	_ =	strace $0x9000004B  }
0xb6: {  	_ =	sfence  }
0xb7: {  	s30 =	sld [smem:$0x0];
	_ =	sdelay $0x2  }
0xb8: {  	s31 =	sshll.u32 s1, $0xD;
	s1 =	sshrl.u32 s1, $0x2  }
0xb9: {  	s3 =	sand.u32 $0x4000, s31;
	s1 =	sadd.s32 s1, s30  }
0xba: {  	s0 =	sor.u32 s3, s0;
	s1 =	sshll.u32 s1, $0x11  }
0xbb: {  	s0 =	sor.u32 s1, s0  }
0xbc: {  	s0 =	sadd.s32 $0x8F2B, s0  }
0xbd: {  	[sflag:s0] =	ssyncadd.remote.s32 $0x1  }
0xbe: {  	_ =	sfence.sel $0xFFFF  }
0xbf: {  	[dreg:$0x0] =	wrdreg $0xFFFFFFFF;
	(pc) =	sbr.abs _section_cstart, $3  }
0xc0: {  	[dreg:$0x1] =	wrdreg $0xFFFFFFFF  }
0xc1: {  	_ =	task.clear_ibuf [dreg:s7], $0x2FFFF;
	_ =	strace $0x9FFFFFFF  }
0xc2: {  	(tm) =	ssettm $0x7FFFFFFF  }
0xc3: {  	_ =	shalt  }
tec
execute0_lowered:
.L_overlay_start_1:
0x0: {  	(tag) =	ssettag $0x1  }
0x1: {  	s0 =	srdreg.scid;
	s1 =	rddreg [dreg:$0x0]  }
0x2: {  	s14 =	stileid.u32;
	s12 =	rddreg [dreg:$0x1]  }
0x3: {  	s13 =	simm.s32 $0x880;
	s15 =	simm.s32 $0x1080;
	s0 =	sand.u32 $0x1, s0  }
0x4: {  	s16 =	simm.s32 $0x1880;
	s2 =	sshll.u32 s14, $0x8;
	s3 =	sshll.u32 s0, $0x7  }
0x5: {  	s17 =	simm.s32 $0x2080;
	s3 =	sor.u32 s3, s2;
	s2 =	simm.s32 $0x0  }
0x6: {  	s18 =	simm.s32 $0x2880;
	s7 =	simm.s32 $0x3080;
	[smem:$0x7FF] =	sst s2  }
0x7: {  	s8 =	simm.s32 $0x3880;
	_ =	strace $0x8000004A;
	[dreg:$0x4] =	wrdreg s13  }
0x8: {  	s9 =	simm.s32 $0x4080;
	s10 =	simm.s32 $0x4880;
	[dreg:$0x5] =	wrdreg s15  }
0x9: {  	s19 =	simm.s32 $0x5880;
	s20 =	simm.s32 $0x6080;
	[dreg:$0x6] =	wrdreg s16  }
0xa: {  	s22 =	simm.s32 $0x6880;
	s23 =	simm.s32 $0x7080;
	[dreg:$0x7] =	wrdreg s17  }
0xb: {  	s24 =	simm.s32 $0x7880;
	s25 =	simm.s32 $0x8080;
	[dreg:$0x8] =	wrdreg s18  }
0xc: {  	s26 =	simm.s32 $0x8880;
	s28 =	simm.s32 $0xF080;
	[dreg:$0x9] =	wrdreg s7  }
0xd: {  	s29 =	simm.s32 $0xF880;
	s30 =	simm.s32 $0x1;
	[dreg:$0xa] =	wrdreg s8  }
0xe: {  	s31 =	simm.s32 $0x0;
	s21 =	sshll.u32 s14, $0x10;
	[dreg:$0xb] =	wrdreg s9  }
0xf: {  	s14 =	simm.s32 $0x80;
	s5 =	ssub.s32 $0x2, s0;
	[dreg:$0xc] =	wrdreg s10  }
0x10: {  	s12 =	sadd.s32 s21, s12;
	s0 =	sshll.u32 s0, $0xF;
	[dreg:$0xe] =	wrdreg s19  }
0x11: {  	s21 =	simm.s32 $0xC080;
	s6 =	sshrl.u32 s5, $0x1;
	[dreg:$0xf] =	wrdreg s20  }
0x12: {  	s0 =	sadd.s32 s0, s12;
	s3 =	sshrl.u32 s3, $0x3;
	[dreg:$0x10] =	wrdreg s22  }
0x13: {  	s11 =	ssub.s32 s5, s6;
	s5 =	sadd.s32 $0x182800, s1;
	[dreg:$0x11] =	wrdreg s23  }
0x14: {  	s6 =	sadd.s32 $0x182900, s1;
	s3 =	sadd.s32 s3, s1;
	[dreg:$0x16] =	wrdreg s0  }
0x15: {  	s7 =	sadd.s32 $0x182A00, s1;
	s8 =	sadd.s32 $0x182B00, s1;
	[dreg:$0x12] =	wrdreg s24  }
0x16: {  	s9 =	sadd.s32 $0x182C00, s1;
	s13 =	simm.s32 $0x5080;
	[dreg:$0x13] =	wrdreg s25  }
0x17: {  	s10 =	sadd.s32 $0x182D00, s1;
	s11 =	smax.u32 s11, $0x1;
	[dreg:$0x14] =	wrdreg s26  }
0x18: {  	s15 =	simm.s32 $0x9080;
	s16 =	simm.s32 $0x9880;
	s17 =	simm.s32 $0xA080  }
0x19: {  	s18 =	simm.s32 $0xA880;
	s19 =	simm.s32 $0xB080;
	s20 =	simm.s32 $0xB880  }
0x1a: {  	s22 =	simm.s32 $0xC880;
	s23 =	simm.s32 $0xD080;
	s24 =	simm.s32 $0xD880  }
0x1b: {  	v2 =	vlaneseq.u32;
	s25 =	simm.s32 $0xE080;
	s26 =	simm.s32 $0xE880;
	[dreg:$0xd] =	wrdreg s13  }
0x1c: {  	vm0 =	vmmov $0xffff;
	v1 =	vshrl.u32 v2, $0x3;
	s4 =	sadd.s32 $0x181C00, s3;
	s3 =	sadd.s32 $0x182600, s1;
	[dreg:$0x15] =	wrdreg s11  }
0x1d: {  	v0 =	vand.u32 $0x7, v2;
	v2 =	vor.u32 $0x8, v2;
	v1 =	vmul.u32 $0x8, v1;
	s13 =	simm.s32 $0x2;
	[dreg:$0x3] =	wrdreg s4;
	s4 =	sadd.s32 $0x182700, s1  }
.LBB2_1:
0x1e: {  	s12 =	rddreg [dreg:$0x16];
	s0 =	simm.s32 $0x0  }
.LBB2_2:
0x1f: {  	s11 =	rddreg [dreg:$0x3]  }
0x20: {  	s11 =	sadd.s32 s0, s11  }
0x21: {  	[tilespmem:s2], [sflag:$0x2] =	stream.linear.gather [hbm4b:s11+s2], $0x20, $0x38;
	[tilespmem:$0x10080] =	vst v63  }
0x22: {  	_ =	swait.ge [sflag:s13], $0x20  }
0x23: {  	[sflag:s13] =	ssyncset.done $0x0  }
0x24: {  	[sflag:s13] =	ssyncadd.s32 $0xFFFFFFE0  }
0x25: {  	v3 =	vld [tilespmem:$0x0];
	_ =	sdelay $0x4  }
0x26: {  	v4 =	vshll.u32 v3, $0x4  }
0x27: {  	v3 =	vand.u32 $0x7, v3;
	v4 =	vand.u32 $0xFFFFFF80, v4  }
0x28: {  	v3 =	vor.u32 v3, v4  }
0x29: {  	v4 =	vperm.xlane v3, v0;
	_ =	sdelay $0x1  }
0x2a: {  	v4 =	vadd.s32 v1, v4;
	_ =	sdelay $0x4  }
0x2b: {  	[tilespmem:s14], [sflag:$0x1] =	stream.indirect_vreg.gather [hbm4b:s3+s2], $0x80, v4, vm0, $0xb8;
	[tilespmem:$0x10080] =	vst v63  }
0x2c: {  	s11 =	rddreg [dreg:$0x4]  }
0x2d: {  	[tilespmem:s11], [sflag:$0x1] =	stream.indirect_vreg.gather [hbm4b:s4+s2], $0x80, v4, vm0, $0xb8;
	[tilespmem:$0x10080] =	vst v63  }
0x2e: {  	s1 =	rddreg [dreg:$0x5]  }
0x2f: {  	[tilespmem:s1], [sflag:$0x1] =	stream.indirect_vreg.gather [hbm4b:s5+s2], $0x80, v4, vm0, $0xb8;
	[tilespmem:$0x10080] =	vst v63  }
0x30: {  	s11 =	rddreg [dreg:$0x6]  }
0x31: {  	[tilespmem:s11], [sflag:$0x1] =	stream.indirect_vreg.gather [hbm4b:s6+s2], $0x80, v4, vm0, $0xb8;
	[tilespmem:$0x10080] =	vst v63  }
0x32: {  	s1 =	rddreg [dreg:$0x7]  }
0x33: {  	[tilespmem:s1], [sflag:$0x1] =	stream.indirect_vreg.gather [hbm4b:s7+s2], $0x80, v4, vm0, $0xb8;
	[tilespmem:$0x10080] =	vst v63  }
0x34: {  	v3 =	vperm.xlane v3, v2;
	s11 =	rddreg [dreg:$0x8]  }
0x35: {  	[tilespmem:s11], [sflag:$0x1] =	stream.indirect_vreg.gather [hbm4b:s8+s2], $0x80, v4, vm0, $0xb8;
	[tilespmem:$0x10080] =	vst v63  }
0x36: {  	v3 =	vadd.s32 v1, v3;
	s1 =	rddreg [dreg:$0x9]  }
0x37: {  	[tilespmem:s1], [sflag:$0x1] =	stream.indirect_vreg.gather [hbm4b:s9+s2], $0x80, v4, vm0, $0xb8;
	[tilespmem:$0x10080] =	vst v63  }
0x38: {  	s11 =	rddreg [dreg:$0xa]  }
0x39: {  	[tilespmem:s11], [sflag:$0x1] =	stream.indirect_vreg.gather [hbm4b:s10+s2], $0x80, v4, vm0, $0xb8;
	[tilespmem:$0x10080] =	vst v63  }
0x3a: {  	s1 =	rddreg [dreg:$0xb]  }
0x3b: {  	[tilespmem:s1], [sflag:$0x1] =	stream.indirect_vreg.gather [hbm4b:s3+s2], $0x80, v3, vm0, $0xb8;
	[tilespmem:$0x10080] =	vst v63  }
0x3c: {  	s11 =	rddreg [dreg:$0xc]  }
0x3d: {  	[tilespmem:s11], [sflag:$0x1] =	stream.indirect_vreg.gather [hbm4b:s4+s2], $0x80, v3, vm0, $0xb8;
	[tilespmem:$0x10080] =	vst v63  }
0x3e: {  	s1 =	rddreg [dreg:$0xd]  }
0x3f: {  	[tilespmem:s1], [sflag:$0x1] =	stream.indirect_vreg.gather [hbm4b:s5+s2], $0x80, v3, vm0, $0xb8;
	[tilespmem:$0x10080] =	vst v63  }
0x40: {  	s11 =	rddreg [dreg:$0xe]  }
0x41: {  	[tilespmem:s11], [sflag:$0x1] =	stream.indirect_vreg.gather [hbm4b:s6+s2], $0x80, v3, vm0, $0xb8;
	[tilespmem:$0x10080] =	vst v63  }
0x42: {  	s1 =	rddreg [dreg:$0xf]  }
0x43: {  	[tilespmem:s1], [sflag:$0x1] =	stream.indirect_vreg.gather [hbm4b:s7+s2], $0x80, v3, vm0, $0xb8;
	[tilespmem:$0x10080] =	vst v63  }
0x44: {  	s11 =	rddreg [dreg:$0x10]  }
0x45: {  	[tilespmem:s11], [sflag:$0x1] =	stream.indirect_vreg.gather [hbm4b:s8+s2], $0x80, v3, vm0, $0xb8;
	[tilespmem:$0x10080] =	vst v63  }
0x46: {  	s1 =	rddreg [dreg:$0x11]  }
0x47: {  	[tilespmem:s1], [sflag:$0x1] =	stream.indirect_vreg.gather [hbm4b:s9+s2], $0x80, v3, vm0, $0xb8;
	[tilespmem:$0x10080] =	vst v63  }
0x48: {  	s11 =	rddreg [dreg:$0x12]  }
0x49: {  	[tilespmem:s11], [sflag:$0x1] =	stream.indirect_vreg.gather [hbm4b:s10+s2], $0x80, v3, vm0, $0xb8;
	[tilespmem:$0x10080] =	vst v63  }
0x4a: {  	v3 =	vld [tilespmem:$0x10];
	_ =	sdelay $0x4  }
0x4b: {  	v63 =	vshll.u32 v3, $0x4  }
0x4c: {  	v3 =	vand.u32 $0x7, v3;
	v4 =	vand.u32 $0xFFFFFF80, v63  }
0x4d: {  	v3 =	vor.u32 v3, v4  }
0x4e: {  	v4 =	vperm.xlane v3, v0;
	_ =	sdelay $0x1  }
0x4f: {  	v4 =	vadd.s32 v1, v4;
	_ =	sdelay $0x3  }
0x50: {  	s1 =	rddreg [dreg:$0x13]  }
0x51: {  	[tilespmem:s1], [sflag:$0x1] =	stream.indirect_vreg.gather [hbm4b:s3+s2], $0x80, v4, vm0, $0xb8;
	[tilespmem:$0x10080] =	vst v63  }
0x52: {  	s11 =	rddreg [dreg:$0x14]  }
0x53: {  	[tilespmem:s11], [sflag:$0x1] =	stream.indirect_vreg.gather [hbm4b:s4+s2], $0x80, v4, vm0, $0xb8;
	[tilespmem:$0x10080] =	vst v63  }
0x54: {  	_ = 	snop  }
0x55: {  	[tilespmem:s15], [sflag:$0x1] =	stream.indirect_vreg.gather [hbm4b:s5+s2], $0x80, v4, vm0, $0xb8;
	[tilespmem:$0x10080] =	vst v63  }
0x56: {  	_ = 	snop  }
0x57: {  	[tilespmem:s16], [sflag:$0x1] =	stream.indirect_vreg.gather [hbm4b:s6+s2], $0x80, v4, vm0, $0xb8;
	[tilespmem:$0x10080] =	vst v63  }
0x58: {  	_ = 	snop  }
0x59: {  	[tilespmem:s17], [sflag:$0x1] =	stream.indirect_vreg.gather [hbm4b:s7+s2], $0x80, v4, vm0, $0xb8;
	[tilespmem:$0x10080] =	vst v63  }
0x5a: {  	v3 =	vperm.xlane v3, v2  }
0x5b: {  	[tilespmem:s18], [sflag:$0x1] =	stream.indirect_vreg.gather [hbm4b:s8+s2], $0x80, v4, vm0, $0xb8;
	[tilespmem:$0x10080] =	vst v63  }
0x5c: {  	v3 =	vadd.s32 v1, v3  }
0x5d: {  	[tilespmem:s19], [sflag:$0x1] =	stream.indirect_vreg.gather [hbm4b:s9+s2], $0x80, v4, vm0, $0xb8;
	[tilespmem:$0x10080] =	vst v63  }
0x5e: {  	_ = 	snop  }
0x5f: {  	[tilespmem:s20], [sflag:$0x1] =	stream.indirect_vreg.gather [hbm4b:s10+s2], $0x80, v4, vm0, $0xb8;
	[tilespmem:$0x10080] =	vst v63  }
0x60: {  	_ = 	snop  }
0x61: {  	[tilespmem:s21], [sflag:$0x1] =	stream.indirect_vreg.gather [hbm4b:s3+s2], $0x80, v3, vm0, $0xb8;
	[tilespmem:$0x10080] =	vst v63  }
0x62: {  	_ = 	snop  }
0x63: {  	[tilespmem:s22], [sflag:$0x1] =	stream.indirect_vreg.gather [hbm4b:s4+s2], $0x80, v3, vm0, $0xb8;
	[tilespmem:$0x10080] =	vst v63  }
0x64: {  	_ = 	snop  }
0x65: {  	[tilespmem:s23], [sflag:$0x1] =	stream.indirect_vreg.gather [hbm4b:s5+s2], $0x80, v3, vm0, $0xb8;
	[tilespmem:$0x10080] =	vst v63  }
0x66: {  	_ = 	snop  }
0x67: {  	[tilespmem:s24], [sflag:$0x1] =	stream.indirect_vreg.gather [hbm4b:s6+s2], $0x80, v3, vm0, $0xb8;
	[tilespmem:$0x10080] =	vst v63  }
0x68: {  	_ = 	snop  }
0x69: {  	[tilespmem:s25], [sflag:$0x1] =	stream.indirect_vreg.gather [hbm4b:s7+s2], $0x80, v3, vm0, $0xb8;
	[tilespmem:$0x10080] =	vst v63  }
0x6a: {  	_ = 	snop  }
0x6b: {  	[tilespmem:s26], [sflag:$0x1] =	stream.indirect_vreg.gather [hbm4b:s8+s2], $0x80, v3, vm0, $0xb8;
	[tilespmem:$0x10080] =	vst v63  }
0x6c: {  	_ = 	snop  }
0x6d: {  	[tilespmem:s28], [sflag:$0x1] =	stream.indirect_vreg.gather [hbm4b:s9+s2], $0x80, v3, vm0, $0xb8;
	[tilespmem:$0x10080] =	vst v63  }
0x6e: {  	_ = 	snop  }
0x6f: {  	[tilespmem:s29], [sflag:$0x1] =	stream.indirect_vreg.gather [hbm4b:s10+s2], $0x80, v3, vm0, $0xb8;
	[tilespmem:$0x10080] =	vst v63  }
0x70: {  	_ =	swait.ge [sflag:s30], $0x10000  }
0x71: {  	p0 =	sne.s32 s0, $0xC;
	[sflag:s30] =	ssyncset.done $0x0  }
.Ltmp0:
0x72: {  	[sflag:s30] =	ssyncadd.s32 $0xFFFF0000;
	(pc) =	sbr.rel @p0 .LBB2_2-.Ltmp0, $4  }
0x73: {  	[hbm4b:s12+s2] =	stream.linear.scatter [tilespmem:s14], [sflag:$0x2], $0x10000, $0x38;
	[tilespmem:$0x10080] =	vst v63  }
0x74: {  	_ =	swait.ge [sflag:s13], $0x10000  }
0x75: {  	[sflag:s13] =	ssyncset.done $0x0  }
0x76: {  	s0 =	sadd.s32 $0x4, s0;
	s12 =	sadd.s32 $0x2000, s12;
	[sflag:s13] =	ssyncadd.s32 $0xFFFF0000  }
0x77: {  	s31 =	sadd.s32 $0x1, s31;
	s0 =	rddreg [dreg:$0x15]  }
0x78: {  	p0 =	sne.s32 s31, s0  }
.Ltmp1:
0x79: {  	_ = 	snop;
	(pc) =	sbr.rel @p0 .LBB2_1-.Ltmp1, $1  }
0x7a: {  	_ =	sdelay $0x3  }
0x7b: {  	_ =	sfence.sel $0x180000  }
0x7c: {  	[bflag:$0x0] =	sbarrier.arrive $0xFFFF  }
0x7d: {  	_ =	strace $0x9000004A  }
0x7e: {  	s0 =	stileid.u32;
	[bflag:$0x2] =	sbarrier.arrive $0xFFFF  }
0x7f: {  	p0 =	sne.s32 s0, $0x0;
	s0 =	rddreg [dreg:$0x2]  }
0x80: {  	s0 =	sadd.s32 @!p0 $0x100000, s0  }
0x81: {  	[sflag:s0] =	ssyncadd.tile.s32 @!p0 $0x1;
	_ =	shalt  }
.Lfunc_end2:
_tile_overlayer_lowered:
.L_overlay_start_2:
0x82: {  	(tag) =	ssettag $0x2  }
0x83: {  	s0 =	rddreg [dreg:$0x0];
	s2 =	stileid.u32  }
0x84: {  	s1 =	rddreg [dreg:$0x1];
	p0 =	sne.s32 s2, $0x0  }
0x85: {  	s3 =	rddreg [dreg:$0x2];
	[bflag:$0x3] =	sbarrier.arrive $0xFFFF;
	s2 =	simm.s32 @!p0 $0x1C02  }
0x86: {  	[timem:s3], [sflag:s2] =	dma.local @!p0 [hbm:s0], s1  }
0x87: {  	s0 =	simm.s32 @!p0 $0x2  }
0x88: {  	_ =	swait.ge @!p0 [sflag:s0], s1  }
0x89: {  	s1 =	ssub.s32 @!p0 $0x0, s1;
	[sflag:s0] =	ssyncset.done @!p0 $0x0  }
0x8a: {  	[sflag:s0] =	ssyncadd.s32 @!p0 s1  }
0x8b: {  	[bflag:$0x3] =	sbarrier.arrive $0xFFFF  }
0x8c: {  	_ =	shalt  }

</sc_bundles>
